<compile_context>
chip_gen: v7x
topology: tpu7x:2x2x1
jax: 0.10.2.dev20260603
libtpu: 0.0.44.dev20260713+nightly
codegen_flags: <defaults>
</compile_context>

<pallas_src>
import functools

import jax
import jax.numpy as jnp
from jax import lax
from jax.experimental import pallas as pl
from jax.experimental.pallas import tpu as pltpu
from jax.experimental.pallas import tpu_sc as plsc

_LANES = 16
_NW = 32


def _sc_score(qtable, lm2d, msgr, L, T):
    N, IDX = lm2d.shape
    E = qtable.shape[1]
    SPW = N // _NW
    n_full, rem = divmod(IDX, 128)
    chunks = [(c * 128, 128) for c in range(n_full)]
    if rem:
        chunks.append((n_full * 128, rem))
    mesh = plsc.VectorSubcoreMesh(core_axis_name="c", subcore_axis_name="s")

    LP = 64

    @functools.partial(
        pl.kernel,
        out_type=jax.ShapeDtypeStruct((N, LP), jnp.float32),
        mesh=mesh,
        scratch_types=[
            pltpu.VMEM((SPW, IDX), jnp.int32),
            pltpu.VMEM((2, IDX, E), jnp.int16),
            pltpu.VMEM((SPW, E), jnp.float32),
            pltpu.VMEM((_LANES * LP,), jnp.float32),
            pltpu.VMEM((SPW, LP), jnp.float32),
            pltpu.SemaphoreType.DMA,
            pltpu.SemaphoreType.DMA,
        ],
        compiler_params=pltpu.CompilerParams(
            use_tc_tiling_on_sc=False, needs_layout_passes=False),
    )
    def k(table_hbm, lm_hbm, msg_hbm, out_hbm, idx_v, rows_v, msg_v, pstage_v,
          sout_v, g0, g1):
        wid = lax.axis_index("s") * 2 + lax.axis_index("c")
        base = wid * SPW
        gsem = (g0, g1)
        col_idx = lax.broadcasted_iota(jnp.int32, (_LANES,), 0) * LP

        def fire(s, b):
            for off, sz in chunks:
                pltpu.async_copy(
                    table_hbm.at[idx_v.at[s, pl.ds(off, sz)]],
                    rows_v.at[b, pl.ds(off, sz)],
                    gsem[b],
                )

        def drain_rows(b):
            pltpu.make_async_copy(
                table_hbm.at[pl.ds(0, IDX)], rows_v.at[b], gsem[b]).wait()

        def pool_one(b, l, m0, m1):
            r0 = l * T
            acc = [None] * 4
            for t in range(T):
                w = plsc.bitcast(rows_v[b, r0 + t, :], jnp.int32)
                ev = (w << 16) >> 16
                od = w >> 16
                j = (t % 2) * 2
                acc[j] = ev if acc[j] is None else acc[j] + ev
                acc[j + 1] = od if acc[j + 1] is None else acc[j + 1] + od
            a0 = jnp.maximum(acc[0] + acc[2], 0).astype(jnp.float32)
            a1 = jnp.maximum(acc[1] + acc[3], 0).astype(jnp.float32)
            v = a0 * m0 + a1 * m1
            plsc.store_scatter(pstage_v, [col_idx + l], v)

        def score(s, b):
            m0 = msg_v[s, pl.ds(0, _LANES)]
            m1 = msg_v[s, pl.ds(_LANES, _LANES)]

            def l_body(i, carry_l):
                pool_one(b, 2 * i, m0, m1)
                pool_one(b, 2 * i + 1, m0, m1)
                return carry_l

            lax.fori_loop(0, L // 2, l_body, 0)
            for g in range(LP // _LANES):
                tot = None
                for e in range(_LANES):
                    c = pstage_v[pl.ds(e * LP + g * _LANES, _LANES)]
                    tot = c if tot is None else tot + c
                sout_v[s, pl.ds(g * _LANES, _LANES)] = tot

        pltpu.sync_copy(lm_hbm.at[pl.ds(base, SPW)], idx_v)
        pltpu.sync_copy(msg_hbm.at[pl.ds(base, SPW)], msg_v)
        fire(0, 0)

        def step(i, carry):
            for b in range(2):
                s = 2 * i + b
                drain_rows(b)
                pl.when(s + 1 < SPW)(lambda: fire(s + 1, 1 - b))
                score(s, b)
            return carry

        lax.fori_loop(0, SPW // 2, step, 0)
        pltpu.sync_copy(sout_v, out_hbm.at[pl.ds(base, SPW)])

    return k(qtable, lm2d, msgr)


def _tc_linear(message, W, b, scale):
    B, V = message.shape
    E = W.shape[0]
    BB = 256

    def body(msg_ref, w_ref, b_ref, s_ref, out_ref):
        m = lax.dot_general(
            msg_ref[...], w_ref[...], (((1,), (1,)), ((), ())),
            preferred_element_type=jnp.float32)
        out_ref[...] = jnp.maximum(m + b_ref[...], 0.0) * s_ref[0, 0]

    return pl.pallas_call(
        body,
        grid=(B // BB,),
        in_specs=[
            pl.BlockSpec((BB, V), lambda i: (i, 0)),
            pl.BlockSpec((E, V), lambda i: (0, 0)),
            pl.BlockSpec((1, E), lambda i: (0, 0)),
            pl.BlockSpec(memory_space=pltpu.SMEM),
        ],
        out_specs=pl.BlockSpec((BB, E), lambda i: (i, 0)),
        out_shape=jax.ShapeDtypeStruct((B, E), jnp.float32),
    )(message, W, b.reshape(1, E), scale.reshape(1, 1))


def _tc_softmax(score_pad, mask):
    B, L = mask.shape

    def body(s_ref, mask_ref, out_ref):
        s = s_ref[:, :L] + (1.0 - mask_ref[...]) * (-1e36)
        mx = jnp.max(s, axis=1, keepdims=True)
        e = jnp.exp(s - mx)
        out_ref[...] = e / jnp.sum(e, axis=1, keepdims=True)

    return pl.pallas_call(
        body,
        out_shape=jax.ShapeDtypeStruct((B, L), jnp.float32),
    )(score_pad, mask)


def kernel(message, landmarks, mask, emb_table, W, b):
    B, L, T = landmarks.shape
    lm2d = landmarks.reshape(B, L * T)
    amax = jnp.maximum(jnp.max(jnp.abs(emb_table)), 1e-30)
    scale = amax / 32767.0
    qtable = jnp.round(emb_table * (1.0 / scale)).astype(jnp.int16)
    perm = jnp.concatenate(
        [jnp.arange(0, W.shape[0], 2), jnp.arange(1, W.shape[0], 2)])
    msgr = _tc_linear(message, W[perm], b[perm], scale)
    score = _sc_score(qtable, lm2d, msgr, L, T)
    return _tc_softmax(score, mask)

# --- scband reference (transcript-rebuilt; emitter-appended) ---
"""Pipeline reference for scband-guide-6382321402524 (READ-ONLY COPY).

The authoritative reference and input builder live on the scoring server;
editing this copy changes nothing except your own understanding.
"""

import jax, jax.numpy as jnp
import numpy as np


def setup_inputs(seed: int = 0) -> dict:
    key = jax.random.key(seed)
    k1, k2, k3, k4 = jax.random.split(key, 4)
    B, L, T = 1024, 50, 20
    V_in, N_lm, E = 1000, 100000, 32
    message = jax.random.normal(k1, (B, V_in), dtype=jnp.float32)
    landmarks = jax.random.randint(k2, (B, L, T), 0, N_lm, dtype=jnp.int32)
    mask = jnp.ones((B, L), dtype=jnp.float32)
    # nn.Embedding(num_tokens, emb_size, padding_idx=0): row 0 is zeros
    emb_table = jax.random.normal(k3, (N_lm, E), dtype=jnp.float32).at[0].set(0.0)
    # nn.Linear(in_vocab_sz, embed_sz): weight [E, V_in], bias [E]
    W = jax.random.normal(k4, (E, V_in), dtype=jnp.float32) * 0.02
    b = jnp.zeros((E,), dtype=jnp.float32)
    return {"message": message, "landmarks": landmarks, "mask": mask,
            "emb_table": emb_table, "W": W, "b": b}


def reference(message, landmarks, mask, emb_table, W, b):
    # emb_comms: Linear
    msg = message @ W.T + b  # [B, E]
    # MapEmbedding: gather [B, L, T, E] then sum over token axis (per-sample sum(1))
    lmarks = jnp.take(emb_table, landmarks, axis=0).sum(axis=2)  # [B, L, E]
    msg = jax.nn.relu(msg)
    lmarks = jax.nn.relu(lmarks)
    # per-sample matmul(lmarks[i], msg[i]) -> batched contraction
    score = jnp.einsum('ble,be->bl', lmarks, msg)  # [B, L]
    score = score + (1.0 - mask) * -1e+36
    return jax.nn.softmax(score, axis=1)

if __name__ == "__main__":
    import jax
    _d = setup_inputs()
    print(jax.jit(kernel)(*tuple(_d.values())))

</pallas_src>

<mosaic_0001>
#map = affine_map<(d0, d1) -> (0, 0)>
module attributes {stable_mosaic.version = 14 : i64} {
  func.func @k(%arg0: i32, %arg1: i32, %arg2: memref<100000x32xi16, #tpu.memory_space<hbm>>, %arg3: memref<1024x1000xi32, #tpu.memory_space<hbm>>, %arg4: memref<1024x32xf32, #tpu.memory_space<hbm>>, %arg5: memref<1024x64xf32, #tpu.memory_space<hbm>>, %arg6: memref<32x1000xi32, #tpu.memory_space<vmem>>, %arg7: memref<2x1000x32xi16, #tpu.memory_space<vmem>>, %arg8: memref<32x32xf32, #tpu.memory_space<vmem>>, %arg9: memref<1024xf32, #tpu.memory_space<vmem>>, %arg10: memref<32x64xf32, #tpu.memory_space<vmem>>, %arg11: memref<!tpu.dma_semaphore, #tpu.memory_space<semaphore_mem>>, %arg12: memref<!tpu.dma_semaphore, #tpu.memory_space<semaphore_mem>>) attributes {dimension_semantics = [#tpu.dimension_semantics<core_parallel>, #tpu.dimension_semantics<subcore_parallel>], iteration_bounds = array<i64: 2, 16>, scalar_prefetch = 0 : i64, scratch_operands = 7 : i64, tpu.core_type = #tpu.core_type<sc_vector_subcore>, window_params = [{transform_indices = #map}, {transform_indices = #map}, {transform_indices = #map}, {transform_indices = #map}]} {
    %mul3A = arith.constant 2 : i32
    %mul3A_0 = arith.muli %arg1, %mul3A : i32
    %add3A = arith.addi %mul3A_0, %arg0 : i32
    %mul3A_1 = arith.constant 32 : i32
    %mul3A_2 = arith.muli %add3A, %mul3A_1 : i32
    %iota3A = tpu.iota {dimensions = array<i32: 0>} : vector<16xi32>
    %mul3A_3 = arith.constant 64 : i32
    %mul3A_4 = vector.broadcast %mul3A_3 : i32 to vector<16xi32>
    %mul3A_5 = arith.muli %iota3A, %mul3A_4 : vector<16xi32>
    "tpu.region"() ({
      %run_scoped3A = tpu.sem_alloc : memref<!tpu.dma_semaphore, #tpu.memory_space<semaphore_mem>>
      %dma_start3A_106 = arith.constant 0 : i32
      %dma_start3A_107 = tpu.memref_slice %arg3[%mul3A_2, %dma_start3A_106] : memref<1024x1000xi32, #tpu.memory_space<hbm>> -> memref<32x1000xi32, #tpu.memory_space<hbm>>
      %dma_start3A_108 = arith.constant 0 : i32
      %dma_start3A_109 = tpu.memref_slice %arg3[%mul3A_2, %dma_start3A_108] : memref<1024x1000xi32, #tpu.memory_space<hbm>> -> memref<32x1000xi32, #tpu.memory_space<hbm>>
      tpu.enqueue_dma source(%dma_start3A_109 : memref<32x1000xi32, #tpu.memory_space<hbm>>) target(%arg6 : memref<32x1000xi32, #tpu.memory_space<vmem>>) target_semaphore(%run_scoped3A : memref<!tpu.dma_semaphore, #tpu.memory_space<semaphore_mem>>)
      %dma_wait3A = arith.constant 0 : i32
      %dma_wait3A_110 = tpu.memref_slice %arg3[%mul3A_2, %dma_wait3A] : memref<1024x1000xi32, #tpu.memory_space<hbm>> -> memref<32x1000xi32, #tpu.memory_space<hbm>>
      %dma_wait3A_111 = arith.constant 0 : i32
      %dma_wait3A_112 = tpu.memref_slice %arg3[%mul3A_2, %dma_wait3A_111] : memref<1024x1000xi32, #tpu.memory_space<hbm>> -> memref<32x1000xi32, #tpu.memory_space<hbm>>
      tpu.wait_dma2 semaphore(%run_scoped3A : memref<!tpu.dma_semaphore, #tpu.memory_space<semaphore_mem>>) src(%dma_wait3A_112 : memref<32x1000xi32, #tpu.memory_space<hbm>>) dst(%arg6 : memref<32x1000xi32, #tpu.memory_space<vmem>>)
      tpu.yield
    }) : () -> ()
    "tpu.region"() ({
      %run_scoped3A = tpu.sem_alloc : memref<!tpu.dma_semaphore, #tpu.memory_space<semaphore_mem>>
      %dma_start3A_106 = arith.constant 0 : i32
      %dma_start3A_107 = tpu.memref_slice %arg4[%mul3A_2, %dma_start3A_106] : memref<1024x32xf32, #tpu.memory_space<hbm>> -> memref<32x32xf32, #tpu.memory_space<hbm>>
      %dma_start3A_108 = arith.constant 0 : i32
      %dma_start3A_109 = tpu.memref_slice %arg4[%mul3A_2, %dma_start3A_108] : memref<1024x32xf32, #tpu.memory_space<hbm>> -> memref<32x32xf32, #tpu.memory_space<hbm>>
      tpu.enqueue_dma source(%dma_start3A_109 : memref<32x32xf32, #tpu.memory_space<hbm>>) target(%arg8 : memref<32x32xf32, #tpu.memory_space<vmem>>) target_semaphore(%run_scoped3A : memref<!tpu.dma_semaphore, #tpu.memory_space<semaphore_mem>>)
      %dma_wait3A = arith.constant 0 : i32
      %dma_wait3A_110 = tpu.memref_slice %arg4[%mul3A_2, %dma_wait3A] : memref<1024x32xf32, #tpu.memory_space<hbm>> -> memref<32x32xf32, #tpu.memory_space<hbm>>
      %dma_wait3A_111 = arith.constant 0 : i32
      %dma_wait3A_112 = tpu.memref_slice %arg4[%mul3A_2, %dma_wait3A_111] : memref<1024x32xf32, #tpu.memory_space<hbm>> -> memref<32x32xf32, #tpu.memory_space<hbm>>
      tpu.wait_dma2 semaphore(%run_scoped3A : memref<!tpu.dma_semaphore, #tpu.memory_space<semaphore_mem>>) src(%dma_wait3A_112 : memref<32x32xf32, #tpu.memory_space<hbm>>) dst(%arg8 : memref<32x32xf32, #tpu.memory_space<vmem>>)
      tpu.yield
    }) : () -> ()
    %dma_start3A = arith.constant 0 : i32
    %dma_start3A_6 = arith.constant 0 : i32
    %dma_start3A_7 = arith.constant 0 : i32
    %dma_start3A_8 = arith.constant 0 : i32
    %dma_start3A_9 = tpu.memref_slice %arg7[%dma_start3A_6, %dma_start3A_7, %dma_start3A_8] : memref<2x1000x32xi16, #tpu.memory_space<vmem>> -> memref<1x128x32xi16, #tpu.memory_space<vmem>>
    %dma_start3A_10 = tpu.memref_squeeze %dma_start3A_9 : memref<1x128x32xi16, #tpu.memory_space<vmem>> -> memref<128x32xi16, #tpu.memory_space<vmem>>
    %dma_start3A_11 = arith.constant 0 : i32
    %dma_start3A_12 = tpu.memref_slice %arg6[%dma_start3A, %dma_start3A_11] : memref<32x1000xi32, #tpu.memory_space<vmem>> -> memref<1x128xi32, #tpu.memory_space<vmem>>
    %dma_start3A_13 = tpu.memref_squeeze %dma_start3A_12 : memref<1x128xi32, #tpu.memory_space<vmem>> -> memref<128xi32, #tpu.memory_space<vmem>>
    %dma_start3A_14 = arith.constant 0 : i32
    %dma_start3A_15 = arith.constant 0 : i32
    %dma_start3A_16 = tpu.memref_slice %arg2[%dma_start3A_14, %dma_start3A_15] : memref<100000x32xi16, #tpu.memory_space<hbm>> -> memref<100000x32xi16, #tpu.memory_space<hbm>>
    tpu.enqueue_indirect_dma source(%dma_start3A_16 : memref<100000x32xi16, #tpu.memory_space<hbm>>) target(%dma_start3A_10 : memref<128x32xi16, #tpu.memory_space<vmem>>) offsets(%dma_start3A_13 : memref<128xi32, #tpu.memory_space<vmem>>) semaphore(%arg11 : memref<!tpu.dma_semaphore, #tpu.memory_space<semaphore_mem>>)
    %dma_start3A_17 = arith.constant 0 : i32
    %dma_start3A_18 = arith.constant 0 : i32
    %dma_start3A_19 = arith.constant 128 : i32
    %dma_start3A_20 = arith.constant 0 : i32
    %dma_start3A_21 = tpu.memref_slice %arg7[%dma_start3A_18, %dma_start3A_19, %dma_start3A_20] : memref<2x1000x32xi16, #tpu.memory_space<vmem>> -> memref<1x128x32xi16, #tpu.memory_space<vmem>>
    %dma_start3A_22 = tpu.memref_squeeze %dma_start3A_21 : memref<1x128x32xi16, #tpu.memory_space<vmem>> -> memref<128x32xi16, #tpu.memory_space<vmem>>
    %dma_start3A_23 = arith.constant 128 : i32
    %dma_start3A_24 = tpu.memref_slice %arg6[%dma_start3A_17, %dma_start3A_23] : memref<32x1000xi32, #tpu.memory_space<vmem>> -> memref<1x128xi32, #tpu.memory_space<vmem>>
    %dma_start3A_25 = tpu.memref_squeeze %dma_start3A_24 : memref<1x128xi32, #tpu.memory_space<vmem>> -> memref<128xi32, #tpu.memory_space<vmem>>
    %dma_start3A_26 = arith.constant 0 : i32
    %dma_start3A_27 = arith.constant 0 : i32
    %dma_start3A_28 = tpu.memref_slice %arg2[%dma_start3A_26, %dma_start3A_27] : memref<100000x32xi16, #tpu.memory_space<hbm>> -> memref<100000x32xi16, #tpu.memory_space<hbm>>
    tpu.enqueue_indirect_dma source(%dma_start3A_28 : memref<100000x32xi16, #tpu.memory_space<hbm>>) target(%dma_start3A_22 : memref<128x32xi16, #tpu.memory_space<vmem>>) offsets(%dma_start3A_25 : memref<128xi32, #tpu.memory_space<vmem>>) semaphore(%arg11 : memref<!tpu.dma_semaphore, #tpu.memory_space<semaphore_mem>>)
    %dma_start3A_29 = arith.constant 0 : i32
    %dma_start3A_30 = arith.constant 0 : i32
    %dma_start3A_31 = arith.constant 256 : i32
    %dma_start3A_32 = arith.constant 0 : i32
    %dma_start3A_33 = tpu.memref_slice %arg7[%dma_start3A_30, %dma_start3A_31, %dma_start3A_32] : memref<2x1000x32xi16, #tpu.memory_space<vmem>> -> memref<1x128x32xi16, #tpu.memory_space<vmem>>
    %dma_start3A_34 = tpu.memref_squeeze %dma_start3A_33 : memref<1x128x32xi16, #tpu.memory_space<vmem>> -> memref<128x32xi16, #tpu.memory_space<vmem>>
    %dma_start3A_35 = arith.constant 256 : i32
    %dma_start3A_36 = tpu.memref_slice %arg6[%dma_start3A_29, %dma_start3A_35] : memref<32x1000xi32, #tpu.memory_space<vmem>> -> memref<1x128xi32, #tpu.memory_space<vmem>>
    %dma_start3A_37 = tpu.memref_squeeze %dma_start3A_36 : memref<1x128xi32, #tpu.memory_space<vmem>> -> memref<128xi32, #tpu.memory_space<vmem>>
    %dma_start3A_38 = arith.constant 0 : i32
    %dma_start3A_39 = arith.constant 0 : i32
    %dma_start3A_40 = tpu.memref_slice %arg2[%dma_start3A_38, %dma_start3A_39] : memref<100000x32xi16, #tpu.memory_space<hbm>> -> memref<100000x32xi16, #tpu.memory_space<hbm>>
    tpu.enqueue_indirect_dma source(%dma_start3A_40 : memref<100000x32xi16, #tpu.memory_space<hbm>>) target(%dma_start3A_34 : memref<128x32xi16, #tpu.memory_space<vmem>>) offsets(%dma_start3A_37 : memref<128xi32, #tpu.memory_space<vmem>>) semaphore(%arg11 : memref<!tpu.dma_semaphore, #tpu.memory_space<semaphore_mem>>)
    %dma_start3A_41 = arith.constant 0 : i32
    %dma_start3A_42 = arith.constant 0 : i32
    %dma_start3A_43 = arith.constant 384 : i32
    %dma_start3A_44 = arith.constant 0 : i32
    %dma_start3A_45 = tpu.memref_slice %arg7[%dma_start3A_42, %dma_start3A_43, %dma_start3A_44] : memref<2x1000x32xi16, #tpu.memory_space<vmem>> -> memref<1x128x32xi16, #tpu.memory_space<vmem>>
    %dma_start3A_46 = tpu.memref_squeeze %dma_start3A_45 : memref<1x128x32xi16, #tpu.memory_space<vmem>> -> memref<128x32xi16, #tpu.memory_space<vmem>>
    %dma_start3A_47 = arith.constant 384 : i32
    %dma_start3A_48 = tpu.memref_slice %arg6[%dma_start3A_41, %dma_start3A_47] : memref<32x1000xi32, #tpu.memory_space<vmem>> -> memref<1x128xi32, #tpu.memory_space<vmem>>
    %dma_start3A_49 = tpu.memref_squeeze %dma_start3A_48 : memref<1x128xi32, #tpu.memory_space<vmem>> -> memref<128xi32, #tpu.memory_space<vmem>>
    %dma_start3A_50 = arith.constant 0 : i32
    %dma_start3A_51 = arith.constant 0 : i32
    %dma_start3A_52 = tpu.memref_slice %arg2[%dma_start3A_50, %dma_start3A_51] : memref<100000x32xi16, #tpu.memory_space<hbm>> -> memref<100000x32xi16, #tpu.memory_space<hbm>>
    tpu.enqueue_indirect_dma source(%dma_start3A_52 : memref<100000x32xi16, #tpu.memory_space<hbm>>) target(%dma_start3A_46 : memref<128x32xi16, #tpu.memory_space<vmem>>) offsets(%dma_start3A_49 : memref<128xi32, #tpu.memory_space<vmem>>) semaphore(%arg11 : memref<!tpu.dma_semaphore, #tpu.memory_space<semaphore_mem>>)
    %dma_start3A_53 = arith.constant 0 : i32
    %dma_start3A_54 = arith.constant 0 : i32
    %dma_start3A_55 = arith.constant 512 : i32
    %dma_start3A_56 = arith.constant 0 : i32
    %dma_start3A_57 = tpu.memref_slice %arg7[%dma_start3A_54, %dma_start3A_55, %dma_start3A_56] : memref<2x1000x32xi16, #tpu.memory_space<vmem>> -> memref<1x128x32xi16, #tpu.memory_space<vmem>>
    %dma_start3A_58 = tpu.memref_squeeze %dma_start3A_57 : memref<1x128x32xi16, #tpu.memory_space<vmem>> -> memref<128x32xi16, #tpu.memory_space<vmem>>
    %dma_start3A_59 = arith.constant 512 : i32
    %dma_start3A_60 = tpu.memref_slice %arg6[%dma_start3A_53, %dma_start3A_59] : memref<32x1000xi32, #tpu.memory_space<vmem>> -> memref<1x128xi32, #tpu.memory_space<vmem>>
    %dma_start3A_61 = tpu.memref_squeeze %dma_start3A_60 : memref<1x128xi32, #tpu.memory_space<vmem>> -> memref<128xi32, #tpu.memory_space<vmem>>
    %dma_start3A_62 = arith.constant 0 : i32
    %dma_start3A_63 = arith.constant 0 : i32
    %dma_start3A_64 = tpu.memref_slice %arg2[%dma_start3A_62, %dma_start3A_63] : memref<100000x32xi16, #tpu.memory_space<hbm>> -> memref<100000x32xi16, #tpu.memory_space<hbm>>
    tpu.enqueue_indirect_dma source(%dma_start3A_64 : memref<100000x32xi16, #tpu.memory_space<hbm>>) target(%dma_start3A_58 : memref<128x32xi16, #tpu.memory_space<vmem>>) offsets(%dma_start3A_61 : memref<128xi32, #tpu.memory_space<vmem>>) semaphore(%arg11 : memref<!tpu.dma_semaphore, #tpu.memory_space<semaphore_mem>>)
    %dma_start3A_65 = arith.constant 0 : i32
    %dma_start3A_66 = arith.constant 0 : i32
    %dma_start3A_67 = arith.constant 640 : i32
    %dma_start3A_68 = arith.constant 0 : i32
    %dma_start3A_69 = tpu.memref_slice %arg7[%dma_start3A_66, %dma_start3A_67, %dma_start3A_68] : memref<2x1000x32xi16, #tpu.memory_space<vmem>> -> memref<1x128x32xi16, #tpu.memory_space<vmem>>
    %dma_start3A_70 = tpu.memref_squeeze %dma_start3A_69 : memref<1x128x32xi16, #tpu.memory_space<vmem>> -> memref<128x32xi16, #tpu.memory_space<vmem>>
    %dma_start3A_71 = arith.constant 640 : i32
    %dma_start3A_72 = tpu.memref_slice %arg6[%dma_start3A_65, %dma_start3A_71] : memref<32x1000xi32, #tpu.memory_space<vmem>> -> memref<1x128xi32, #tpu.memory_space<vmem>>
    %dma_start3A_73 = tpu.memref_squeeze %dma_start3A_72 : memref<1x128xi32, #tpu.memory_space<vmem>> -> memref<128xi32, #tpu.memory_space<vmem>>
    %dma_start3A_74 = arith.constant 0 : i32
    %dma_start3A_75 = arith.constant 0 : i32
    %dma_start3A_76 = tpu.memref_slice %arg2[%dma_start3A_74, %dma_start3A_75] : memref<100000x32xi16, #tpu.memory_space<hbm>> -> memref<100000x32xi16, #tpu.memory_space<hbm>>
    tpu.enqueue_indirect_dma source(%dma_start3A_76 : memref<100000x32xi16, #tpu.memory_space<hbm>>) target(%dma_start3A_70 : memref<128x32xi16, #tpu.memory_space<vmem>>) offsets(%dma_start3A_73 : memref<128xi32, #tpu.memory_space<vmem>>) semaphore(%arg11 : memref<!tpu.dma_semaphore, #tpu.memory_space<semaphore_mem>>)
    %dma_start3A_77 = arith.constant 0 : i32
    %dma_start3A_78 = arith.constant 0 : i32
    %dma_start3A_79 = arith.constant 768 : i32
    %dma_start3A_80 = arith.constant 0 : i32
    %dma_start3A_81 = tpu.memref_slice %arg7[%dma_start3A_78, %dma_start3A_79, %dma_start3A_80] : memref<2x1000x32xi16, #tpu.memory_space<vmem>> -> memref<1x128x32xi16, #tpu.memory_space<vmem>>
    %dma_start3A_82 = tpu.memref_squeeze %dma_start3A_81 : memref<1x128x32xi16, #tpu.memory_space<vmem>> -> memref<128x32xi16, #tpu.memory_space<vmem>>
    %dma_start3A_83 = arith.constant 768 : i32
    %dma_start3A_84 = tpu.memref_slice %arg6[%dma_start3A_77, %dma_start3A_83] : memref<32x1000xi32, #tpu.memory_space<vmem>> -> memref<1x128xi32, #tpu.memory_space<vmem>>
    %dma_start3A_85 = tpu.memref_squeeze %dma_start3A_84 : memref<1x128xi32, #tpu.memory_space<vmem>> -> memref<128xi32, #tpu.memory_space<vmem>>
    %dma_start3A_86 = arith.constant 0 : i32
    %dma_start3A_87 = arith.constant 0 : i32
    %dma_start3A_88 = tpu.memref_slice %arg2[%dma_start3A_86, %dma_start3A_87] : memref<100000x32xi16, #tpu.memory_space<hbm>> -> memref<100000x32xi16, #tpu.memory_space<hbm>>
    tpu.enqueue_indirect_dma source(%dma_start3A_88 : memref<100000x32xi16, #tpu.memory_space<hbm>>) target(%dma_start3A_82 : memref<128x32xi16, #tpu.memory_space<vmem>>) offsets(%dma_start3A_85 : memref<128xi32, #tpu.memory_space<vmem>>) semaphore(%arg11 : memref<!tpu.dma_semaphore, #tpu.memory_space<semaphore_mem>>)
    %dma_start3A_89 = arith.constant 0 : i32
    %dma_start3A_90 = arith.constant 0 : i32
    %dma_start3A_91 = arith.constant 896 : i32
    %dma_start3A_92 = arith.constant 0 : i32
    %dma_start3A_93 = tpu.memref_slice %arg7[%dma_start3A_90, %dma_start3A_91, %dma_start3A_92] : memref<2x1000x32xi16, #tpu.memory_space<vmem>> -> memref<1x104x32xi16, #tpu.memory_space<vmem>>
    %dma_start3A_94 = tpu.memref_squeeze %dma_start3A_93 : memref<1x104x32xi16, #tpu.memory_space<vmem>> -> memref<104x32xi16, #tpu.memory_space<vmem>>
    %dma_start3A_95 = arith.constant 896 : i32
    %dma_start3A_96 = tpu.memref_slice %arg6[%dma_start3A_89, %dma_start3A_95] : memref<32x1000xi32, #tpu.memory_space<vmem>> -> memref<1x104xi32, #tpu.memory_space<vmem>>
    %dma_start3A_97 = tpu.memref_squeeze %dma_start3A_96 : memref<1x104xi32, #tpu.memory_space<vmem>> -> memref<104xi32, #tpu.memory_space<vmem>>
    %dma_start3A_98 = arith.constant 0 : i32
    %dma_start3A_99 = arith.constant 0 : i32
    %dma_start3A_100 = tpu.memref_slice %arg2[%dma_start3A_98, %dma_start3A_99] : memref<100000x32xi16, #tpu.memory_space<hbm>> -> memref<100000x32xi16, #tpu.memory_space<hbm>>
    tpu.enqueue_indirect_dma source(%dma_start3A_100 : memref<100000x32xi16, #tpu.memory_space<hbm>>) target(%dma_start3A_94 : memref<104x32xi16, #tpu.memory_space<vmem>>) offsets(%dma_start3A_97 : memref<104xi32, #tpu.memory_space<vmem>>) semaphore(%arg11 : memref<!tpu.dma_semaphore, #tpu.memory_space<semaphore_mem>>)
    %scan3A = arith.constant 0 : i32
    %scan3A_101 = arith.constant 0 : i32
    %scan3A_102 = arith.constant 16 : i32
    %scan3A_103 = arith.addi %scan3A_101, %scan3A_102 : i32
    %scan3A_104 = arith.constant 1 : i32
    scf.for %scan3A_106 = %scan3A_101 to %scan3A_103 step %scan3A_104  : i32 {
      %mul3A_107 = arith.constant 2 : i32
      %mul3A_108 = arith.muli %mul3A_107, %scan3A_106 : i32
      %add3A_109 = arith.constant 0 : i32
      %add3A_110 = arith.addi %mul3A_108, %add3A_109 : i32
      %dma_wait3A = arith.constant 0 : i32
      %dma_wait3A_111 = arith.constant 0 : i32
      %dma_wait3A_112 = arith.constant 0 : i32
      %dma_wait3A_113 = tpu.memref_slice %arg7[%dma_wait3A, %dma_wait3A_111, %dma_wait3A_112] : memref<2x1000x32xi16, #tpu.memory_space<vmem>> -> memref<1x1000x32xi16, #tpu.memory_space<vmem>>
      %dma_wait3A_114 = tpu.memref_squeeze %dma_wait3A_113 : memref<1x1000x32xi16, #tpu.memory_space<vmem>> -> memref<1000x32xi16, #tpu.memory_space<vmem>>
      %dma_wait3A_115 = arith.constant 0 : i32
      %dma_wait3A_116 = arith.constant 0 : i32
      %dma_wait3A_117 = tpu.memref_slice %arg2[%dma_wait3A_115, %dma_wait3A_116] : memref<100000x32xi16, #tpu.memory_space<hbm>> -> memref<1000x32xi16, #tpu.memory_space<hbm>>
      %dma_wait3A_118 = arith.constant 0 : i32
      %dma_wait3A_119 = arith.constant 0 : i32
      %dma_wait3A_120 = tpu.memref_slice %arg7[%dma_wait3A, %dma_wait3A_118, %dma_wait3A_119] : memref<2x1000x32xi16, #tpu.memory_space<vmem>> -> memref<1x1000x32xi16, #tpu.memory_space<vmem>>
      %dma_wait3A_121 = tpu.memref_squeeze %dma_wait3A_120 : memref<1x1000x32xi16, #tpu.memory_space<vmem>> -> memref<1000x32xi16, #tpu.memory_space<vmem>>
      %dma_wait3A_122 = arith.constant 0 : i32
      %dma_wait3A_123 = arith.constant 0 : i32
      %dma_wait3A_124 = tpu.memref_slice %arg2[%dma_wait3A_122, %dma_wait3A_123] : memref<100000x32xi16, #tpu.memory_space<hbm>> -> memref<1000x32xi16, #tpu.memory_space<hbm>>
      tpu.wait_dma2 semaphore(%arg11 : memref<!tpu.dma_semaphore, #tpu.memory_space<semaphore_mem>>) src(%dma_wait3A_124 : memref<1000x32xi16, #tpu.memory_space<hbm>>) dst(%dma_wait3A_121 : memref<1000x32xi16, #tpu.memory_space<vmem>>)
      %add3A_125 = arith.constant 1 : i32
      %add3A_126 = arith.addi %add3A_110, %add3A_125 : i32
      %lt3A = arith.constant 32 : i32
      %lt3A_127 = arith.cmpi slt, %add3A_126, %lt3A : i32
      %convert_element_type3A = arith.extui %lt3A_127 : i1 to i32
      %cond3A = arith.constant 0 : i32
      %cond3A_128 = arith.cmpi ne, %convert_element_type3A, %cond3A : i32
      scf.if %cond3A_128 {
        %add3A_577 = arith.constant 1 : i32
        %add3A_578 = arith.addi %add3A_110, %add3A_577 : i32
        %dma_start3A_579 = arith.constant 1 : i32
        %dma_start3A_580 = arith.constant 0 : i32
        %dma_start3A_581 = arith.constant 0 : i32
        %dma_start3A_582 = tpu.memref_slice %arg7[%dma_start3A_579, %dma_start3A_580, %dma_start3A_581] : memref<2x1000x32xi16, #tpu.memory_space<vmem>> -> memref<1x128x32xi16, #tpu.memory_space<vmem>>
        %dma_start3A_583 = tpu.memref_squeeze %dma_start3A_582 : memref<1x128x32xi16, #tpu.memory_space<vmem>> -> memref<128x32xi16, #tpu.memory_space<vmem>>
        %dma_start3A_584 = arith.constant 0 : i32
        %dma_start3A_585 = tpu.memref_slice %arg6[%add3A_578, %dma_start3A_584] : memref<32x1000xi32, #tpu.memory_space<vmem>> -> memref<1x128xi32, #tpu.memory_space<vmem>>
        %dma_start3A_586 = tpu.memref_squeeze %dma_start3A_585 : memref<1x128xi32, #tpu.memory_space<vmem>> -> memref<128xi32, #tpu.memory_space<vmem>>
        %dma_start3A_587 = arith.constant 0 : i32
        %dma_start3A_588 = arith.constant 0 : i32
        %dma_start3A_589 = tpu.memref_slice %arg2[%dma_start3A_587, %dma_start3A_588] : memref<100000x32xi16, #tpu.memory_space<hbm>> -> memref<100000x32xi16, #tpu.memory_space<hbm>>
        tpu.enqueue_indirect_dma source(%dma_start3A_589 : memref<100000x32xi16, #tpu.memory_space<hbm>>) target(%dma_start3A_583 : memref<128x32xi16, #tpu.memory_space<vmem>>) offsets(%dma_start3A_586 : memref<128xi32, #tpu.memory_space<vmem>>) semaphore(%arg12 : memref<!tpu.dma_semaphore, #tpu.memory_space<semaphore_mem>>)
        %dma_start3A_590 = arith.constant 1 : i32
        %dma_start3A_591 = arith.constant 128 : i32
        %dma_start3A_592 = arith.constant 0 : i32
        %dma_start3A_593 = tpu.memref_slice %arg7[%dma_start3A_590, %dma_start3A_591, %dma_start3A_592] : memref<2x1000x32xi16, #tpu.memory_space<vmem>> -> memref<1x128x32xi16, #tpu.memory_space<vmem>>
        %dma_start3A_594 = tpu.memref_squeeze %dma_start3A_593 : memref<1x128x32xi16, #tpu.memory_space<vmem>> -> memref<128x32xi16, #tpu.memory_space<vmem>>
        %dma_start3A_595 = arith.constant 128 : i32
        %dma_start3A_596 = tpu.memref_slice %arg6[%add3A_578, %dma_start3A_595] : memref<32x1000xi32, #tpu.memory_space<vmem>> -> memref<1x128xi32, #tpu.memory_space<vmem>>
        %dma_start3A_597 = tpu.memref_squeeze %dma_start3A_596 : memref<1x128xi32, #tpu.memory_space<vmem>> -> memref<128xi32, #tpu.memory_space<vmem>>
        %dma_start3A_598 = arith.constant 0 : i32
        %dma_start3A_599 = arith.constant 0 : i32
        %dma_start3A_600 = tpu.memref_slice %arg2[%dma_start3A_598, %dma_start3A_599] : memref<100000x32xi16, #tpu.memory_space<hbm>> -> memref<100000x32xi16, #tpu.memory_space<hbm>>
        tpu.enqueue_indirect_dma source(%dma_start3A_600 : memref<100000x32xi16, #tpu.memory_space<hbm>>) target(%dma_start3A_594 : memref<128x32xi16, #tpu.memory_space<vmem>>) offsets(%dma_start3A_597 : memref<128xi32, #tpu.memory_space<vmem>>) semaphore(%arg12 : memref<!tpu.dma_semaphore, #tpu.memory_space<semaphore_mem>>)
        %dma_start3A_601 = arith.constant 1 : i32
        %dma_start3A_602 = arith.constant 256 : i32
        %dma_start3A_603 = arith.constant 0 : i32
        %dma_start3A_604 = tpu.memref_slice %arg7[%dma_start3A_601, %dma_start3A_602, %dma_start3A_603] : memref<2x1000x32xi16, #tpu.memory_space<vmem>> -> memref<1x128x32xi16, #tpu.memory_space<vmem>>
        %dma_start3A_605 = tpu.memref_squeeze %dma_start3A_604 : memref<1x128x32xi16, #tpu.memory_space<vmem>> -> memref<128x32xi16, #tpu.memory_space<vmem>>
        %dma_start3A_606 = arith.constant 256 : i32
        %dma_start3A_607 = tpu.memref_slice %arg6[%add3A_578, %dma_start3A_606] : memref<32x1000xi32, #tpu.memory_space<vmem>> -> memref<1x128xi32, #tpu.memory_space<vmem>>
        %dma_start3A_608 = tpu.memref_squeeze %dma_start3A_607 : memref<1x128xi32, #tpu.memory_space<vmem>> -> memref<128xi32, #tpu.memory_space<vmem>>
        %dma_start3A_609 = arith.constant 0 : i32
        %dma_start3A_610 = arith.constant 0 : i32
        %dma_start3A_611 = tpu.memref_slice %arg2[%dma_start3A_609, %dma_start3A_610] : memref<100000x32xi16, #tpu.memory_space<hbm>> -> memref<100000x32xi16, #tpu.memory_space<hbm>>
        tpu.enqueue_indirect_dma source(%dma_start3A_611 : memref<100000x32xi16, #tpu.memory_space<hbm>>) target(%dma_start3A_605 : memref<128x32xi16, #tpu.memory_space<vmem>>) offsets(%dma_start3A_608 : memref<128xi32, #tpu.memory_space<vmem>>) semaphore(%arg12 : memref<!tpu.dma_semaphore, #tpu.memory_space<semaphore_mem>>)
        %dma_start3A_612 = arith.constant 1 : i32
        %dma_start3A_613 = arith.constant 384 : i32
        %dma_start3A_614 = arith.constant 0 : i32
        %dma_start3A_615 = tpu.memref_slice %arg7[%dma_start3A_612, %dma_start3A_613, %dma_start3A_614] : memref<2x1000x32xi16, #tpu.memory_space<vmem>> -> memref<1x128x32xi16, #tpu.memory_space<vmem>>
        %dma_start3A_616 = tpu.memref_squeeze %dma_start3A_615 : memref<1x128x32xi16, #tpu.memory_space<vmem>> -> memref<128x32xi16, #tpu.memory_space<vmem>>
        %dma_start3A_617 = arith.constant 384 : i32
        %dma_start3A_618 = tpu.memref_slice %arg6[%add3A_578, %dma_start3A_617] : memref<32x1000xi32, #tpu.memory_space<vmem>> -> memref<1x128xi32, #tpu.memory_space<vmem>>
        %dma_start3A_619 = tpu.memref_squeeze %dma_start3A_618 : memref<1x128xi32, #tpu.memory_space<vmem>> -> memref<128xi32, #tpu.memory_space<vmem>>
        %dma_start3A_620 = arith.constant 0 : i32
        %dma_start3A_621 = arith.constant 0 : i32
        %dma_start3A_622 = tpu.memref_slice %arg2[%dma_start3A_620, %dma_start3A_621] : memref<100000x32xi16, #tpu.memory_space<hbm>> -> memref<100000x32xi16, #tpu.memory_space<hbm>>
        tpu.enqueue_indirect_dma source(%dma_start3A_622 : memref<100000x32xi16, #tpu.memory_space<hbm>>) target(%dma_start3A_616 : memref<128x32xi16, #tpu.memory_space<vmem>>) offsets(%dma_start3A_619 : memref<128xi32, #tpu.memory_space<vmem>>) semaphore(%arg12 : memref<!tpu.dma_semaphore, #tpu.memory_space<semaphore_mem>>)
        %dma_start3A_623 = arith.constant 1 : i32
        %dma_start3A_624 = arith.constant 512 : i32
        %dma_start3A_625 = arith.constant 0 : i32
        %dma_start3A_626 = tpu.memref_slice %arg7[%dma_start3A_623, %dma_start3A_624, %dma_start3A_625] : memref<2x1000x32xi16, #tpu.memory_space<vmem>> -> memref<1x128x32xi16, #tpu.memory_space<vmem>>
        %dma_start3A_627 = tpu.memref_squeeze %dma_start3A_626 : memref<1x128x32xi16, #tpu.memory_space<vmem>> -> memref<128x32xi16, #tpu.memory_space<vmem>>
        %dma_start3A_628 = arith.constant 512 : i32
        %dma_start3A_629 = tpu.memref_slice %arg6[%add3A_578, %dma_start3A_628] : memref<32x1000xi32, #tpu.memory_space<vmem>> -> memref<1x128xi32, #tpu.memory_space<vmem>>
        %dma_start3A_630 = tpu.memref_squeeze %dma_start3A_629 : memref<1x128xi32, #tpu.memory_space<vmem>> -> memref<128xi32, #tpu.memory_space<vmem>>
        %dma_start3A_631 = arith.constant 0 : i32
        %dma_start3A_632 = arith.constant 0 : i32
        %dma_start3A_633 = tpu.memref_slice %arg2[%dma_start3A_631, %dma_start3A_632] : memref<100000x32xi16, #tpu.memory_space<hbm>> -> memref<100000x32xi16, #tpu.memory_space<hbm>>
        tpu.enqueue_indirect_dma source(%dma_start3A_633 : memref<100000x32xi16, #tpu.memory_space<hbm>>) target(%dma_start3A_627 : memref<128x32xi16, #tpu.memory_space<vmem>>) offsets(%dma_start3A_630 : memref<128xi32, #tpu.memory_space<vmem>>) semaphore(%arg12 : memref<!tpu.dma_semaphore, #tpu.memory_space<semaphore_mem>>)
        %dma_start3A_634 = arith.constant 1 : i32
        %dma_start3A_635 = arith.constant 640 : i32
        %dma_start3A_636 = arith.constant 0 : i32
        %dma_start3A_637 = tpu.memref_slice %arg7[%dma_start3A_634, %dma_start3A_635, %dma_start3A_636] : memref<2x1000x32xi16, #tpu.memory_space<vmem>> -> memref<1x128x32xi16, #tpu.memory_space<vmem>>
        %dma_start3A_638 = tpu.memref_squeeze %dma_start3A_637 : memref<1x128x32xi16, #tpu.memory_space<vmem>> -> memref<128x32xi16, #tpu.memory_space<vmem>>
        %dma_start3A_639 = arith.constant 640 : i32
        %dma_start3A_640 = tpu.memref_slice %arg6[%add3A_578, %dma_start3A_639] : memref<32x1000xi32, #tpu.memory_space<vmem>> -> memref<1x128xi32, #tpu.memory_space<vmem>>
        %dma_start3A_641 = tpu.memref_squeeze %dma_start3A_640 : memref<1x128xi32, #tpu.memory_space<vmem>> -> memref<128xi32, #tpu.memory_space<vmem>>
        %dma_start3A_642 = arith.constant 0 : i32
        %dma_start3A_643 = arith.constant 0 : i32
        %dma_start3A_644 = tpu.memref_slice %arg2[%dma_start3A_642, %dma_start3A_643] : memref<100000x32xi16, #tpu.memory_space<hbm>> -> memref<100000x32xi16, #tpu.memory_space<hbm>>
        tpu.enqueue_indirect_dma source(%dma_start3A_644 : memref<100000x32xi16, #tpu.memory_space<hbm>>) target(%dma_start3A_638 : memref<128x32xi16, #tpu.memory_space<vmem>>) offsets(%dma_start3A_641 : memref<128xi32, #tpu.memory_space<vmem>>) semaphore(%arg12 : memref<!tpu.dma_semaphore, #tpu.memory_space<semaphore_mem>>)
        %dma_start3A_645 = arith.constant 1 : i32
        %dma_start3A_646 = arith.constant 768 : i32
        %dma_start3A_647 = arith.constant 0 : i32
        %dma_start3A_648 = tpu.memref_slice %arg7[%dma_start3A_645, %dma_start3A_646, %dma_start3A_647] : memref<2x1000x32xi16, #tpu.memory_space<vmem>> -> memref<1x128x32xi16, #tpu.memory_space<vmem>>
        %dma_start3A_649 = tpu.memref_squeeze %dma_start3A_648 : memref<1x128x32xi16, #tpu.memory_space<vmem>> -> memref<128x32xi16, #tpu.memory_space<vmem>>
        %dma_start3A_650 = arith.constant 768 : i32
        %dma_start3A_651 = tpu.memref_slice %arg6[%add3A_578, %dma_start3A_650] : memref<32x1000xi32, #tpu.memory_space<vmem>> -> memref<1x128xi32, #tpu.memory_space<vmem>>
        %dma_start3A_652 = tpu.memref_squeeze %dma_start3A_651 : memref<1x128xi32, #tpu.memory_space<vmem>> -> memref<128xi32, #tpu.memory_space<vmem>>
        %dma_start3A_653 = arith.constant 0 : i32
        %dma_start3A_654 = arith.constant 0 : i32
        %dma_start3A_655 = tpu.memref_slice %arg2[%dma_start3A_653, %dma_start3A_654] : memref<100000x32xi16, #tpu.memory_space<hbm>> -> memref<100000x32xi16, #tpu.memory_space<hbm>>
        tpu.enqueue_indirect_dma source(%dma_start3A_655 : memref<100000x32xi16, #tpu.memory_space<hbm>>) target(%dma_start3A_649 : memref<128x32xi16, #tpu.memory_space<vmem>>) offsets(%dma_start3A_652 : memref<128xi32, #tpu.memory_space<vmem>>) semaphore(%arg12 : memref<!tpu.dma_semaphore, #tpu.memory_space<semaphore_mem>>)
        %dma_start3A_656 = arith.constant 1 : i32
        %dma_start3A_657 = arith.constant 896 : i32
        %dma_start3A_658 = arith.constant 0 : i32
        %dma_start3A_659 = tpu.memref_slice %arg7[%dma_start3A_656, %dma_start3A_657, %dma_start3A_658] : memref<2x1000x32xi16, #tpu.memory_space<vmem>> -> memref<1x104x32xi16, #tpu.memory_space<vmem>>
        %dma_start3A_660 = tpu.memref_squeeze %dma_start3A_659 : memref<1x104x32xi16, #tpu.memory_space<vmem>> -> memref<104x32xi16, #tpu.memory_space<vmem>>
        %dma_start3A_661 = arith.constant 896 : i32
        %dma_start3A_662 = tpu.memref_slice %arg6[%add3A_578, %dma_start3A_661] : memref<32x1000xi32, #tpu.memory_space<vmem>> -> memref<1x104xi32, #tpu.memory_space<vmem>>
        %dma_start3A_663 = tpu.memref_squeeze %dma_start3A_662 : memref<1x104xi32, #tpu.memory_space<vmem>> -> memref<104xi32, #tpu.memory_space<vmem>>
        %dma_start3A_664 = arith.constant 0 : i32
        %dma_start3A_665 = arith.constant 0 : i32
        %dma_start3A_666 = tpu.memref_slice %arg2[%dma_start3A_664, %dma_start3A_665] : memref<100000x32xi16, #tpu.memory_space<hbm>> -> memref<100000x32xi16, #tpu.memory_space<hbm>>
        tpu.enqueue_indirect_dma source(%dma_start3A_666 : memref<100000x32xi16, #tpu.memory_space<hbm>>) target(%dma_start3A_660 : memref<104x32xi16, #tpu.memory_space<vmem>>) offsets(%dma_start3A_663 : memref<104xi32, #tpu.memory_space<vmem>>) semaphore(%arg12 : memref<!tpu.dma_semaphore, #tpu.memory_space<semaphore_mem>>)
      } else {
      }
      %get3A = arith.index_cast %add3A_110 : i32 to index
      %get3A_129 = arith.constant 0 : index
      %get3A_130 = tpu.vector_load %arg8[%get3A, %get3A_129] {strides = array<i32>} : memref<32x32xf32, #tpu.memory_space<vmem>>, vector<16xf32>,
      %get3A_131 = arith.index_cast %add3A_110 : i32 to index
      %get3A_132 = arith.constant 16 : index
      %get3A_133 = tpu.vector_load %arg8[%get3A_131, %get3A_132] {strides = array<i32>} : memref<32x32xf32, #tpu.memory_space<vmem>>, vector<16xf32>,
      %scan3A_134 = arith.constant 0 : i32
      %scan3A_135 = arith.constant 0 : i32
      %scan3A_136 = arith.constant 25 : i32
      %scan3A_137 = arith.addi %scan3A_135, %scan3A_136 : i32
      %scan3A_138 = arith.constant 1 : i32
      scf.for %scan3A_577 = %scan3A_135 to %scan3A_137 step %scan3A_138  : i32 {
        %mul3A_578 = arith.constant 2 : i32
        %mul3A_579 = arith.muli %mul3A_578, %scan3A_577 : i32
        %mul3A_580 = arith.constant 20 : i32
        %mul3A_581 = arith.muli %mul3A_579, %mul3A_580 : i32
        %add3A_582 = arith.constant 0 : i32
        %add3A_583 = arith.addi %mul3A_581, %add3A_582 : i32
        %get3A_584 = arith.constant 0 : i32
        %get3A_585 = arith.index_cast %get3A_584 : i32 to index
        %get3A_586 = arith.index_cast %add3A_583 : i32 to index
        %get3A_587 = arith.constant 0 : index
        %get3A_588 = tpu.vector_load %arg7[%get3A_585, %get3A_586, %get3A_587] {strides = array<i32>} : memref<2x1000x32xi16, #tpu.memory_space<vmem>>, vector<32xi16>,
        %bitcast3A = vector.bitcast %get3A_588 : vector<32xi16> to vector<16xi32>
        %shift_left3A = arith.constant 16 : i32
        %shift_left3A_589 = vector.broadcast %shift_left3A : i32 to vector<16xi32>
        %shift_left3A_590 = arith.shli %bitcast3A, %shift_left3A_589 : vector<16xi32>
        %shift_right_arithmetic3A = arith.constant 16 : i32
        %shift_right_arithmetic3A_591 = vector.broadcast %shift_right_arithmetic3A : i32 to vector<16xi32>
        %shift_right_arithmetic3A_592 = arith.shrsi %shift_left3A_590, %shift_right_arithmetic3A_591 : vector<16xi32>
        %shift_right_arithmetic3A_593 = arith.constant 16 : i32
        %shift_right_arithmetic3A_594 = vector.broadcast %shift_right_arithmetic3A_593 : i32 to vector<16xi32>
        %shift_right_arithmetic3A_595 = arith.shrsi %bitcast3A, %shift_right_arithmetic3A_594 : vector<16xi32>
        %add3A_596 = arith.constant 1 : i32
        %add3A_597 = arith.addi %mul3A_581, %add3A_596 : i32
        %get3A_598 = arith.constant 0 : i32
        %get3A_599 = arith.index_cast %get3A_598 : i32 to index
        %get3A_600 = arith.index_cast %add3A_597 : i32 to index
        %get3A_601 = arith.constant 0 : index
        %get3A_602 = tpu.vector_load %arg7[%get3A_599, %get3A_600, %get3A_601] {strides = array<i32>} : memref<2x1000x32xi16, #tpu.memory_space<vmem>>, vector<32xi16>,
        %bitcast3A_603 = vector.bitcast %get3A_602 : vector<32xi16> to vector<16xi32>
        %shift_left3A_604 = arith.constant 16 : i32
        %shift_left3A_605 = vector.broadcast %shift_left3A_604 : i32 to vector<16xi32>
        %shift_left3A_606 = arith.shli %bitcast3A_603, %shift_left3A_605 : vector<16xi32>
        %shift_right_arithmetic3A_607 = arith.constant 16 : i32
        %shift_right_arithmetic3A_608 = vector.broadcast %shift_right_arithmetic3A_607 : i32 to vector<16xi32>
        %shift_right_arithmetic3A_609 = arith.shrsi %shift_left3A_606, %shift_right_arithmetic3A_608 : vector<16xi32>
        %shift_right_arithmetic3A_610 = arith.constant 16 : i32
        %shift_right_arithmetic3A_611 = vector.broadcast %shift_right_arithmetic3A_610 : i32 to vector<16xi32>
        %shift_right_arithmetic3A_612 = arith.shrsi %bitcast3A_603, %shift_right_arithmetic3A_611 : vector<16xi32>
        %add3A_613 = arith.constant 2 : i32
        %add3A_614 = arith.addi %mul3A_581, %add3A_613 : i32
        %get3A_615 = arith.constant 0 : i32
        %get3A_616 = arith.index_cast %get3A_615 : i32 to index
        %get3A_617 = arith.index_cast %add3A_614 : i32 to index
        %get3A_618 = arith.constant 0 : index
        %get3A_619 = tpu.vector_load %arg7[%get3A_616, %get3A_617, %get3A_618] {strides = array<i32>} : memref<2x1000x32xi16, #tpu.memory_space<vmem>>, vector<32xi16>,
        %bitcast3A_620 = vector.bitcast %get3A_619 : vector<32xi16> to vector<16xi32>
        %shift_left3A_621 = arith.constant 16 : i32
        %shift_left3A_622 = vector.broadcast %shift_left3A_621 : i32 to vector<16xi32>
        %shift_left3A_623 = arith.shli %bitcast3A_620, %shift_left3A_622 : vector<16xi32>
        %shift_right_arithmetic3A_624 = arith.constant 16 : i32
        %shift_right_arithmetic3A_625 = vector.broadcast %shift_right_arithmetic3A_624 : i32 to vector<16xi32>
        %shift_right_arithmetic3A_626 = arith.shrsi %shift_left3A_623, %shift_right_arithmetic3A_625 : vector<16xi32>
        %shift_right_arithmetic3A_627 = arith.constant 16 : i32
        %shift_right_arithmetic3A_628 = vector.broadcast %shift_right_arithmetic3A_627 : i32 to vector<16xi32>
        %shift_right_arithmetic3A_629 = arith.shrsi %bitcast3A_620, %shift_right_arithmetic3A_628 : vector<16xi32>
        %add3A_630 = arith.addi %shift_right_arithmetic3A_592, %shift_right_arithmetic3A_626 : vector<16xi32>
        %add3A_631 = arith.addi %shift_right_arithmetic3A_595, %shift_right_arithmetic3A_629 : vector<16xi32>
        %add3A_632 = arith.constant 3 : i32
        %add3A_633 = arith.addi %mul3A_581, %add3A_632 : i32
        %get3A_634 = arith.constant 0 : i32
        %get3A_635 = arith.index_cast %get3A_634 : i32 to index
        %get3A_636 = arith.index_cast %add3A_633 : i32 to index
        %get3A_637 = arith.constant 0 : index
        %get3A_638 = tpu.vector_load %arg7[%get3A_635, %get3A_636, %get3A_637] {strides = array<i32>} : memref<2x1000x32xi16, #tpu.memory_space<vmem>>, vector<32xi16>,
        %bitcast3A_639 = vector.bitcast %get3A_638 : vector<32xi16> to vector<16xi32>
        %shift_left3A_640 = arith.constant 16 : i32
        %shift_left3A_641 = vector.broadcast %shift_left3A_640 : i32 to vector<16xi32>
        %shift_left3A_642 = arith.shli %bitcast3A_639, %shift_left3A_641 : vector<16xi32>
        %shift_right_arithmetic3A_643 = arith.constant 16 : i32
        %shift_right_arithmetic3A_644 = vector.broadcast %shift_right_arithmetic3A_643 : i32 to vector<16xi32>
        %shift_right_arithmetic3A_645 = arith.shrsi %shift_left3A_642, %shift_right_arithmetic3A_644 : vector<16xi32>
        %shift_right_arithmetic3A_646 = arith.constant 16 : i32
        %shift_right_arithmetic3A_647 = vector.broadcast %shift_right_arithmetic3A_646 : i32 to vector<16xi32>
        %shift_right_arithmetic3A_648 = arith.shrsi %bitcast3A_639, %shift_right_arithmetic3A_647 : vector<16xi32>
        %add3A_649 = arith.addi %shift_right_arithmetic3A_609, %shift_right_arithmetic3A_645 : vector<16xi32>
        %add3A_650 = arith.addi %shift_right_arithmetic3A_612, %shift_right_arithmetic3A_648 : vector<16xi32>
        %add3A_651 = arith.constant 4 : i32
        %add3A_652 = arith.addi %mul3A_581, %add3A_651 : i32
        %get3A_653 = arith.constant 0 : i32
        %get3A_654 = arith.index_cast %get3A_653 : i32 to index
        %get3A_655 = arith.index_cast %add3A_652 : i32 to index
        %get3A_656 = arith.constant 0 : index
        %get3A_657 = tpu.vector_load %arg7[%get3A_654, %get3A_655, %get3A_656] {strides = array<i32>} : memref<2x1000x32xi16, #tpu.memory_space<vmem>>, vector<32xi16>,
        %bitcast3A_658 = vector.bitcast %get3A_657 : vector<32xi16> to vector<16xi32>
        %shift_left3A_659 = arith.constant 16 : i32
        %shift_left3A_660 = vector.broadcast %shift_left3A_659 : i32 to vector<16xi32>
        %shift_left3A_661 = arith.shli %bitcast3A_658, %shift_left3A_660 : vector<16xi32>
        %shift_right_arithmetic3A_662 = arith.constant 16 : i32
        %shift_right_arithmetic3A_663 = vector.broadcast %shift_right_arithmetic3A_662 : i32 to vector<16xi32>
        %shift_right_arithmetic3A_664 = arith.shrsi %shift_left3A_661, %shift_right_arithmetic3A_663 : vector<16xi32>
        %shift_right_arithmetic3A_665 = arith.constant 16 : i32
        %shift_right_arithmetic3A_666 = vector.broadcast %shift_right_arithmetic3A_665 : i32 to vector<16xi32>
        %shift_right_arithmetic3A_667 = arith.shrsi %bitcast3A_658, %shift_right_arithmetic3A_666 : vector<16xi32>
        %add3A_668 = arith.addi %add3A_630, %shift_right_arithmetic3A_664 : vector<16xi32>
        %add3A_669 = arith.addi %add3A_631, %shift_right_arithmetic3A_667 : vector<16xi32>
        %add3A_670 = arith.constant 5 : i32
        %add3A_671 = arith.addi %mul3A_581, %add3A_670 : i32
        %get3A_672 = arith.constant 0 : i32
        %get3A_673 = arith.index_cast %get3A_672 : i32 to index
        %get3A_674 = arith.index_cast %add3A_671 : i32 to index
        %get3A_675 = arith.constant 0 : index
        %get3A_676 = tpu.vector_load %arg7[%get3A_673, %get3A_674, %get3A_675] {strides = array<i32>} : memref<2x1000x32xi16, #tpu.memory_space<vmem>>, vector<32xi16>,
        %bitcast3A_677 = vector.bitcast %get3A_676 : vector<32xi16> to vector<16xi32>
        %shift_left3A_678 = arith.constant 16 : i32
        %shift_left3A_679 = vector.broadcast %shift_left3A_678 : i32 to vector<16xi32>
        %shift_left3A_680 = arith.shli %bitcast3A_677, %shift_left3A_679 : vector<16xi32>
        %shift_right_arithmetic3A_681 = arith.constant 16 : i32
        %shift_right_arithmetic3A_682 = vector.broadcast %shift_right_arithmetic3A_681 : i32 to vector<16xi32>
        %shift_right_arithmetic3A_683 = arith.shrsi %shift_left3A_680, %shift_right_arithmetic3A_682 : vector<16xi32>
        %shift_right_arithmetic3A_684 = arith.constant 16 : i32
        %shift_right_arithmetic3A_685 = vector.broadcast %shift_right_arithmetic3A_684 : i32 to vector<16xi32>
        %shift_right_arithmetic3A_686 = arith.shrsi %bitcast3A_677, %shift_right_arithmetic3A_685 : vector<16xi32>
        %add3A_687 = arith.addi %add3A_649, %shift_right_arithmetic3A_683 : vector<16xi32>
        %add3A_688 = arith.addi %add3A_650, %shift_right_arithmetic3A_686 : vector<16xi32>
        %add3A_689 = arith.constant 6 : i32
        %add3A_690 = arith.addi %mul3A_581, %add3A_689 : i32
        %get3A_691 = arith.constant 0 : i32
        %get3A_692 = arith.index_cast %get3A_691 : i32 to index
        %get3A_693 = arith.index_cast %add3A_690 : i32 to index
        %get3A_694 = arith.constant 0 : index
        %get3A_695 = tpu.vector_load %arg7[%get3A_692, %get3A_693, %get3A_694] {strides = array<i32>} : memref<2x1000x32xi16, #tpu.memory_space<vmem>>, vector<32xi16>,
        %bitcast3A_696 = vector.bitcast %get3A_695 : vector<32xi16> to vector<16xi32>
        %shift_left3A_697 = arith.constant 16 : i32
        %shift_left3A_698 = vector.broadcast %shift_left3A_697 : i32 to vector<16xi32>
        %shift_left3A_699 = arith.shli %bitcast3A_696, %shift_left3A_698 : vector<16xi32>
        %shift_right_arithmetic3A_700 = arith.constant 16 : i32
        %shift_right_arithmetic3A_701 = vector.broadcast %shift_right_arithmetic3A_700 : i32 to vector<16xi32>
        %shift_right_arithmetic3A_702 = arith.shrsi %shift_left3A_699, %shift_right_arithmetic3A_701 : vector<16xi32>
        %shift_right_arithmetic3A_703 = arith.constant 16 : i32
        %shift_right_arithmetic3A_704 = vector.broadcast %shift_right_arithmetic3A_703 : i32 to vector<16xi32>
        %shift_right_arithmetic3A_705 = arith.shrsi %bitcast3A_696, %shift_right_arithmetic3A_704 : vector<16xi32>
        %add3A_706 = arith.addi %add3A_668, %shift_right_arithmetic3A_702 : vector<16xi32>
        %add3A_707 = arith.addi %add3A_669, %shift_right_arithmetic3A_705 : vector<16xi32>
        %add3A_708 = arith.constant 7 : i32
        %add3A_709 = arith.addi %mul3A_581, %add3A_708 : i32
        %get3A_710 = arith.constant 0 : i32
        %get3A_711 = arith.index_cast %get3A_710 : i32 to index
        %get3A_712 = arith.index_cast %add3A_709 : i32 to index
        %get3A_713 = arith.constant 0 : index
        %get3A_714 = tpu.vector_load %arg7[%get3A_711, %get3A_712, %get3A_713] {strides = array<i32>} : memref<2x1000x32xi16, #tpu.memory_space<vmem>>, vector<32xi16>,
        %bitcast3A_715 = vector.bitcast %get3A_714 : vector<32xi16> to vector<16xi32>
        %shift_left3A_716 = arith.constant 16 : i32
        %shift_left3A_717 = vector.broadcast %shift_left3A_716 : i32 to vector<16xi32>
        %shift_left3A_718 = arith.shli %bitcast3A_715, %shift_left3A_717 : vector<16xi32>
        %shift_right_arithmetic3A_719 = arith.constant 16 : i32
        %shift_right_arithmetic3A_720 = vector.broadcast %shift_right_arithmetic3A_719 : i32 to vector<16xi32>
        %shift_right_arithmetic3A_721 = arith.shrsi %shift_left3A_718, %shift_right_arithmetic3A_720 : vector<16xi32>
        %shift_right_arithmetic3A_722 = arith.constant 16 : i32
        %shift_right_arithmetic3A_723 = vector.broadcast %shift_right_arithmetic3A_722 : i32 to vector<16xi32>
        %shift_right_arithmetic3A_724 = arith.shrsi %bitcast3A_715, %shift_right_arithmetic3A_723 : vector<16xi32>
        %add3A_725 = arith.addi %add3A_687, %shift_right_arithmetic3A_721 : vector<16xi32>
        %add3A_726 = arith.addi %add3A_688, %shift_right_arithmetic3A_724 : vector<16xi32>
        %add3A_727 = arith.constant 8 : i32
        %add3A_728 = arith.addi %mul3A_581, %add3A_727 : i32
        %get3A_729 = arith.constant 0 : i32
        %get3A_730 = arith.index_cast %get3A_729 : i32 to index
        %get3A_731 = arith.index_cast %add3A_728 : i32 to index
        %get3A_732 = arith.constant 0 : index
        %get3A_733 = tpu.vector_load %arg7[%get3A_730, %get3A_731, %get3A_732] {strides = array<i32>} : memref<2x1000x32xi16, #tpu.memory_space<vmem>>, vector<32xi16>,
        %bitcast3A_734 = vector.bitcast %get3A_733 : vector<32xi16> to vector<16xi32>
        %shift_left3A_735 = arith.constant 16 : i32
        %shift_left3A_736 = vector.broadcast %shift_left3A_735 : i32 to vector<16xi32>
        %shift_left3A_737 = arith.shli %bitcast3A_734, %shift_left3A_736 : vector<16xi32>
        %shift_right_arithmetic3A_738 = arith.constant 16 : i32
        %shift_right_arithmetic3A_739 = vector.broadcast %shift_right_arithmetic3A_738 : i32 to vector<16xi32>
        %shift_right_arithmetic3A_740 = arith.shrsi %shift_left3A_737, %shift_right_arithmetic3A_739 : vector<16xi32>
        %shift_right_arithmetic3A_741 = arith.constant 16 : i32
        %shift_right_arithmetic3A_742 = vector.broadcast %shift_right_arithmetic3A_741 : i32 to vector<16xi32>
        %shift_right_arithmetic3A_743 = arith.shrsi %bitcast3A_734, %shift_right_arithmetic3A_742 : vector<16xi32>
        %add3A_744 = arith.addi %add3A_706, %shift_right_arithmetic3A_740 : vector<16xi32>
        %add3A_745 = arith.addi %add3A_707, %shift_right_arithmetic3A_743 : vector<16xi32>
        %add3A_746 = arith.constant 9 : i32
        %add3A_747 = arith.addi %mul3A_581, %add3A_746 : i32
        %get3A_748 = arith.constant 0 : i32
        %get3A_749 = arith.index_cast %get3A_748 : i32 to index
        %get3A_750 = arith.index_cast %add3A_747 : i32 to index
        %get3A_751 = arith.constant 0 : index
        %get3A_752 = tpu.vector_load %arg7[%get3A_749, %get3A_750, %get3A_751] {strides = array<i32>} : memref<2x1000x32xi16, #tpu.memory_space<vmem>>, vector<32xi16>,
        %bitcast3A_753 = vector.bitcast %get3A_752 : vector<32xi16> to vector<16xi32>
        %shift_left3A_754 = arith.constant 16 : i32
        %shift_left3A_755 = vector.broadcast %shift_left3A_754 : i32 to vector<16xi32>
        %shift_left3A_756 = arith.shli %bitcast3A_753, %shift_left3A_755 : vector<16xi32>
        %shift_right_arithmetic3A_757 = arith.constant 16 : i32
        %shift_right_arithmetic3A_758 = vector.broadcast %shift_right_arithmetic3A_757 : i32 to vector<16xi32>
        %shift_right_arithmetic3A_759 = arith.shrsi %shift_left3A_756, %shift_right_arithmetic3A_758 : vector<16xi32>
        %shift_right_arithmetic3A_760 = arith.constant 16 : i32
        %shift_right_arithmetic3A_761 = vector.broadcast %shift_right_arithmetic3A_760 : i32 to vector<16xi32>
        %shift_right_arithmetic3A_762 = arith.shrsi %bitcast3A_753, %shift_right_arithmetic3A_761 : vector<16xi32>
        %add3A_763 = arith.addi %add3A_725, %shift_right_arithmetic3A_759 : vector<16xi32>
        %add3A_764 = arith.addi %add3A_726, %shift_right_arithmetic3A_762 : vector<16xi32>
        %add3A_765 = arith.constant 10 : i32
        %add3A_766 = arith.addi %mul3A_581, %add3A_765 : i32
        %get3A_767 = arith.constant 0 : i32
        %get3A_768 = arith.index_cast %get3A_767 : i32 to index
        %get3A_769 = arith.index_cast %add3A_766 : i32 to index
        %get3A_770 = arith.constant 0 : index
        %get3A_771 = tpu.vector_load %arg7[%get3A_768, %get3A_769, %get3A_770] {strides = array<i32>} : memref<2x1000x32xi16, #tpu.memory_space<vmem>>, vector<32xi16>,
        %bitcast3A_772 = vector.bitcast %get3A_771 : vector<32xi16> to vector<16xi32>
        %shift_left3A_773 = arith.constant 16 : i32
        %shift_left3A_774 = vector.broadcast %shift_left3A_773 : i32 to vector<16xi32>
        %shift_left3A_775 = arith.shli %bitcast3A_772, %shift_left3A_774 : vector<16xi32>
        %shift_right_arithmetic3A_776 = arith.constant 16 : i32
        %shift_right_arithmetic3A_777 = vector.broadcast %shift_right_arithmetic3A_776 : i32 to vector<16xi32>
        %shift_right_arithmetic3A_778 = arith.shrsi %shift_left3A_775, %shift_right_arithmetic3A_777 : vector<16xi32>
        %shift_right_arithmetic3A_779 = arith.constant 16 : i32
        %shift_right_arithmetic3A_780 = vector.broadcast %shift_right_arithmetic3A_779 : i32 to vector<16xi32>
        %shift_right_arithmetic3A_781 = arith.shrsi %bitcast3A_772, %shift_right_arithmetic3A_780 : vector<16xi32>
        %add3A_782 = arith.addi %add3A_744, %shift_right_arithmetic3A_778 : vector<16xi32>
        %add3A_783 = arith.addi %add3A_745, %shift_right_arithmetic3A_781 : vector<16xi32>
        %add3A_784 = arith.constant 11 : i32
        %add3A_785 = arith.addi %mul3A_581, %add3A_784 : i32
        %get3A_786 = arith.constant 0 : i32
        %get3A_787 = arith.index_cast %get3A_786 : i32 to index
        %get3A_788 = arith.index_cast %add3A_785 : i32 to index
        %get3A_789 = arith.constant 0 : index
        %get3A_790 = tpu.vector_load %arg7[%get3A_787, %get3A_788, %get3A_789] {strides = array<i32>} : memref<2x1000x32xi16, #tpu.memory_space<vmem>>, vector<32xi16>,
        %bitcast3A_791 = vector.bitcast %get3A_790 : vector<32xi16> to vector<16xi32>
        %shift_left3A_792 = arith.constant 16 : i32
        %shift_left3A_793 = vector.broadcast %shift_left3A_792 : i32 to vector<16xi32>
        %shift_left3A_794 = arith.shli %bitcast3A_791, %shift_left3A_793 : vector<16xi32>
        %shift_right_arithmetic3A_795 = arith.constant 16 : i32
        %shift_right_arithmetic3A_796 = vector.broadcast %shift_right_arithmetic3A_795 : i32 to vector<16xi32>
        %shift_right_arithmetic3A_797 = arith.shrsi %shift_left3A_794, %shift_right_arithmetic3A_796 : vector<16xi32>
        %shift_right_arithmetic3A_798 = arith.constant 16 : i32
        %shift_right_arithmetic3A_799 = vector.broadcast %shift_right_arithmetic3A_798 : i32 to vector<16xi32>
        %shift_right_arithmetic3A_800 = arith.shrsi %bitcast3A_791, %shift_right_arithmetic3A_799 : vector<16xi32>
        %add3A_801 = arith.addi %add3A_763, %shift_right_arithmetic3A_797 : vector<16xi32>
        %add3A_802 = arith.addi %add3A_764, %shift_right_arithmetic3A_800 : vector<16xi32>
        %add3A_803 = arith.constant 12 : i32
        %add3A_804 = arith.addi %mul3A_581, %add3A_803 : i32
        %get3A_805 = arith.constant 0 : i32
        %get3A_806 = arith.index_cast %get3A_805 : i32 to index
        %get3A_807 = arith.index_cast %add3A_804 : i32 to index
        %get3A_808 = arith.constant 0 : index
        %get3A_809 = tpu.vector_load %arg7[%get3A_806, %get3A_807, %get3A_808] {strides = array<i32>} : memref<2x1000x32xi16, #tpu.memory_space<vmem>>, vector<32xi16>,
        %bitcast3A_810 = vector.bitcast %get3A_809 : vector<32xi16> to vector<16xi32>
        %shift_left3A_811 = arith.constant 16 : i32
        %shift_left3A_812 = vector.broadcast %shift_left3A_811 : i32 to vector<16xi32>
        %shift_left3A_813 = arith.shli %bitcast3A_810, %shift_left3A_812 : vector<16xi32>
        %shift_right_arithmetic3A_814 = arith.constant 16 : i32
        %shift_right_arithmetic3A_815 = vector.broadcast %shift_right_arithmetic3A_814 : i32 to vector<16xi32>
        %shift_right_arithmetic3A_816 = arith.shrsi %shift_left3A_813, %shift_right_arithmetic3A_815 : vector<16xi32>
        %shift_right_arithmetic3A_817 = arith.constant 16 : i32
        %shift_right_arithmetic3A_818 = vector.broadcast %shift_right_arithmetic3A_817 : i32 to vector<16xi32>
        %shift_right_arithmetic3A_819 = arith.shrsi %bitcast3A_810, %shift_right_arithmetic3A_818 : vector<16xi32>
        %add3A_820 = arith.addi %add3A_782, %shift_right_arithmetic3A_816 : vector<16xi32>
        %add3A_821 = arith.addi %add3A_783, %shift_right_arithmetic3A_819 : vector<16xi32>
        %add3A_822 = arith.constant 13 : i32
        %add3A_823 = arith.addi %mul3A_581, %add3A_822 : i32
        %get3A_824 = arith.constant 0 : i32
        %get3A_825 = arith.index_cast %get3A_824 : i32 to index
        %get3A_826 = arith.index_cast %add3A_823 : i32 to index
        %get3A_827 = arith.constant 0 : index
        %get3A_828 = tpu.vector_load %arg7[%get3A_825, %get3A_826, %get3A_827] {strides = array<i32>} : memref<2x1000x32xi16, #tpu.memory_space<vmem>>, vector<32xi16>,
        %bitcast3A_829 = vector.bitcast %get3A_828 : vector<32xi16> to vector<16xi32>
        %shift_left3A_830 = arith.constant 16 : i32
        %shift_left3A_831 = vector.broadcast %shift_left3A_830 : i32 to vector<16xi32>
        %shift_left3A_832 = arith.shli %bitcast3A_829, %shift_left3A_831 : vector<16xi32>
        %shift_right_arithmetic3A_833 = arith.constant 16 : i32
        %shift_right_arithmetic3A_834 = vector.broadcast %shift_right_arithmetic3A_833 : i32 to vector<16xi32>
        %shift_right_arithmetic3A_835 = arith.shrsi %shift_left3A_832, %shift_right_arithmetic3A_834 : vector<16xi32>
        %shift_right_arithmetic3A_836 = arith.constant 16 : i32
        %shift_right_arithmetic3A_837 = vector.broadcast %shift_right_arithmetic3A_836 : i32 to vector<16xi32>
        %shift_right_arithmetic3A_838 = arith.shrsi %bitcast3A_829, %shift_right_arithmetic3A_837 : vector<16xi32>
        %add3A_839 = arith.addi %add3A_801, %shift_right_arithmetic3A_835 : vector<16xi32>
        %add3A_840 = arith.addi %add3A_802, %shift_right_arithmetic3A_838 : vector<16xi32>
        %add3A_841 = arith.constant 14 : i32
        %add3A_842 = arith.addi %mul3A_581, %add3A_841 : i32
        %get3A_843 = arith.constant 0 : i32
        %get3A_844 = arith.index_cast %get3A_843 : i32 to index
        %get3A_845 = arith.index_cast %add3A_842 : i32 to index
        %get3A_846 = arith.constant 0 : index
        %get3A_847 = tpu.vector_load %arg7[%get3A_844, %get3A_845, %get3A_846] {strides = array<i32>} : memref<2x1000x32xi16, #tpu.memory_space<vmem>>, vector<32xi16>,
        %bitcast3A_848 = vector.bitcast %get3A_847 : vector<32xi16> to vector<16xi32>
        %shift_left3A_849 = arith.constant 16 : i32
        %shift_left3A_850 = vector.broadcast %shift_left3A_849 : i32 to vector<16xi32>
        %shift_left3A_851 = arith.shli %bitcast3A_848, %shift_left3A_850 : vector<16xi32>
        %shift_right_arithmetic3A_852 = arith.constant 16 : i32
        %shift_right_arithmetic3A_853 = vector.broadcast %shift_right_arithmetic3A_852 : i32 to vector<16xi32>
        %shift_right_arithmetic3A_854 = arith.shrsi %shift_left3A_851, %shift_right_arithmetic3A_853 : vector<16xi32>
        %shift_right_arithmetic3A_855 = arith.constant 16 : i32
        %shift_right_arithmetic3A_856 = vector.broadcast %shift_right_arithmetic3A_855 : i32 to vector<16xi32>
        %shift_right_arithmetic3A_857 = arith.shrsi %bitcast3A_848, %shift_right_arithmetic3A_856 : vector<16xi32>
        %add3A_858 = arith.addi %add3A_820, %shift_right_arithmetic3A_854 : vector<16xi32>
        %add3A_859 = arith.addi %add3A_821, %shift_right_arithmetic3A_857 : vector<16xi32>
        %add3A_860 = arith.constant 15 : i32
        %add3A_861 = arith.addi %mul3A_581, %add3A_860 : i32
        %get3A_862 = arith.constant 0 : i32
        %get3A_863 = arith.index_cast %get3A_862 : i32 to index
        %get3A_864 = arith.index_cast %add3A_861 : i32 to index
        %get3A_865 = arith.constant 0 : index
        %get3A_866 = tpu.vector_load %arg7[%get3A_863, %get3A_864, %get3A_865] {strides = array<i32>} : memref<2x1000x32xi16, #tpu.memory_space<vmem>>, vector<32xi16>,
        %bitcast3A_867 = vector.bitcast %get3A_866 : vector<32xi16> to vector<16xi32>
        %shift_left3A_868 = arith.constant 16 : i32
        %shift_left3A_869 = vector.broadcast %shift_left3A_868 : i32 to vector<16xi32>
        %shift_left3A_870 = arith.shli %bitcast3A_867, %shift_left3A_869 : vector<16xi32>
        %shift_right_arithmetic3A_871 = arith.constant 16 : i32
        %shift_right_arithmetic3A_872 = vector.broadcast %shift_right_arithmetic3A_871 : i32 to vector<16xi32>
        %shift_right_arithmetic3A_873 = arith.shrsi %shift_left3A_870, %shift_right_arithmetic3A_872 : vector<16xi32>
        %shift_right_arithmetic3A_874 = arith.constant 16 : i32
        %shift_right_arithmetic3A_875 = vector.broadcast %shift_right_arithmetic3A_874 : i32 to vector<16xi32>
        %shift_right_arithmetic3A_876 = arith.shrsi %bitcast3A_867, %shift_right_arithmetic3A_875 : vector<16xi32>
        %add3A_877 = arith.addi %add3A_839, %shift_right_arithmetic3A_873 : vector<16xi32>
        %add3A_878 = arith.addi %add3A_840, %shift_right_arithmetic3A_876 : vector<16xi32>
        %add3A_879 = arith.constant 16 : i32
        %add3A_880 = arith.addi %mul3A_581, %add3A_879 : i32
        %get3A_881 = arith.constant 0 : i32
        %get3A_882 = arith.index_cast %get3A_881 : i32 to index
        %get3A_883 = arith.index_cast %add3A_880 : i32 to index
        %get3A_884 = arith.constant 0 : index
        %get3A_885 = tpu.vector_load %arg7[%get3A_882, %get3A_883, %get3A_884] {strides = array<i32>} : memref<2x1000x32xi16, #tpu.memory_space<vmem>>, vector<32xi16>,
        %bitcast3A_886 = vector.bitcast %get3A_885 : vector<32xi16> to vector<16xi32>
        %shift_left3A_887 = arith.constant 16 : i32
        %shift_left3A_888 = vector.broadcast %shift_left3A_887 : i32 to vector<16xi32>
        %shift_left3A_889 = arith.shli %bitcast3A_886, %shift_left3A_888 : vector<16xi32>
        %shift_right_arithmetic3A_890 = arith.constant 16 : i32
        %shift_right_arithmetic3A_891 = vector.broadcast %shift_right_arithmetic3A_890 : i32 to vector<16xi32>
        %shift_right_arithmetic3A_892 = arith.shrsi %shift_left3A_889, %shift_right_arithmetic3A_891 : vector<16xi32>
        %shift_right_arithmetic3A_893 = arith.constant 16 : i32
        %shift_right_arithmetic3A_894 = vector.broadcast %shift_right_arithmetic3A_893 : i32 to vector<16xi32>
        %shift_right_arithmetic3A_895 = arith.shrsi %bitcast3A_886, %shift_right_arithmetic3A_894 : vector<16xi32>
        %add3A_896 = arith.addi %add3A_858, %shift_right_arithmetic3A_892 : vector<16xi32>
        %add3A_897 = arith.addi %add3A_859, %shift_right_arithmetic3A_895 : vector<16xi32>
        %add3A_898 = arith.constant 17 : i32
        %add3A_899 = arith.addi %mul3A_581, %add3A_898 : i32
        %get3A_900 = arith.constant 0 : i32
        %get3A_901 = arith.index_cast %get3A_900 : i32 to index
        %get3A_902 = arith.index_cast %add3A_899 : i32 to index
        %get3A_903 = arith.constant 0 : index
        %get3A_904 = tpu.vector_load %arg7[%get3A_901, %get3A_902, %get3A_903] {strides = array<i32>} : memref<2x1000x32xi16, #tpu.memory_space<vmem>>, vector<32xi16>,
        %bitcast3A_905 = vector.bitcast %get3A_904 : vector<32xi16> to vector<16xi32>
        %shift_left3A_906 = arith.constant 16 : i32
        %shift_left3A_907 = vector.broadcast %shift_left3A_906 : i32 to vector<16xi32>
        %shift_left3A_908 = arith.shli %bitcast3A_905, %shift_left3A_907 : vector<16xi32>
        %shift_right_arithmetic3A_909 = arith.constant 16 : i32
        %shift_right_arithmetic3A_910 = vector.broadcast %shift_right_arithmetic3A_909 : i32 to vector<16xi32>
        %shift_right_arithmetic3A_911 = arith.shrsi %shift_left3A_908, %shift_right_arithmetic3A_910 : vector<16xi32>
        %shift_right_arithmetic3A_912 = arith.constant 16 : i32
        %shift_right_arithmetic3A_913 = vector.broadcast %shift_right_arithmetic3A_912 : i32 to vector<16xi32>
        %shift_right_arithmetic3A_914 = arith.shrsi %bitcast3A_905, %shift_right_arithmetic3A_913 : vector<16xi32>
        %add3A_915 = arith.addi %add3A_877, %shift_right_arithmetic3A_911 : vector<16xi32>
        %add3A_916 = arith.addi %add3A_878, %shift_right_arithmetic3A_914 : vector<16xi32>
        %add3A_917 = arith.constant 18 : i32
        %add3A_918 = arith.addi %mul3A_581, %add3A_917 : i32
        %get3A_919 = arith.constant 0 : i32
        %get3A_920 = arith.index_cast %get3A_919 : i32 to index
        %get3A_921 = arith.index_cast %add3A_918 : i32 to index
        %get3A_922 = arith.constant 0 : index
        %get3A_923 = tpu.vector_load %arg7[%get3A_920, %get3A_921, %get3A_922] {strides = array<i32>} : memref<2x1000x32xi16, #tpu.memory_space<vmem>>, vector<32xi16>,
        %bitcast3A_924 = vector.bitcast %get3A_923 : vector<32xi16> to vector<16xi32>
        %shift_left3A_925 = arith.constant 16 : i32
        %shift_left3A_926 = vector.broadcast %shift_left3A_925 : i32 to vector<16xi32>
        %shift_left3A_927 = arith.shli %bitcast3A_924, %shift_left3A_926 : vector<16xi32>
        %shift_right_arithmetic3A_928 = arith.constant 16 : i32
        %shift_right_arithmetic3A_929 = vector.broadcast %shift_right_arithmetic3A_928 : i32 to vector<16xi32>
        %shift_right_arithmetic3A_930 = arith.shrsi %shift_left3A_927, %shift_right_arithmetic3A_929 : vector<16xi32>
        %shift_right_arithmetic3A_931 = arith.constant 16 : i32
        %shift_right_arithmetic3A_932 = vector.broadcast %shift_right_arithmetic3A_931 : i32 to vector<16xi32>
        %shift_right_arithmetic3A_933 = arith.shrsi %bitcast3A_924, %shift_right_arithmetic3A_932 : vector<16xi32>
        %add3A_934 = arith.addi %add3A_896, %shift_right_arithmetic3A_930 : vector<16xi32>
        %add3A_935 = arith.addi %add3A_897, %shift_right_arithmetic3A_933 : vector<16xi32>
        %add3A_936 = arith.constant 19 : i32
        %add3A_937 = arith.addi %mul3A_581, %add3A_936 : i32
        %get3A_938 = arith.constant 0 : i32
        %get3A_939 = arith.index_cast %get3A_938 : i32 to index
        %get3A_940 = arith.index_cast %add3A_937 : i32 to index
        %get3A_941 = arith.constant 0 : index
        %get3A_942 = tpu.vector_load %arg7[%get3A_939, %get3A_940, %get3A_941] {strides = array<i32>} : memref<2x1000x32xi16, #tpu.memory_space<vmem>>, vector<32xi16>,
        %bitcast3A_943 = vector.bitcast %get3A_942 : vector<32xi16> to vector<16xi32>
        %shift_left3A_944 = arith.constant 16 : i32
        %shift_left3A_945 = vector.broadcast %shift_left3A_944 : i32 to vector<16xi32>
        %shift_left3A_946 = arith.shli %bitcast3A_943, %shift_left3A_945 : vector<16xi32>
        %shift_right_arithmetic3A_947 = arith.constant 16 : i32
        %shift_right_arithmetic3A_948 = vector.broadcast %shift_right_arithmetic3A_947 : i32 to vector<16xi32>
        %shift_right_arithmetic3A_949 = arith.shrsi %shift_left3A_946, %shift_right_arithmetic3A_948 : vector<16xi32>
        %shift_right_arithmetic3A_950 = arith.constant 16 : i32
        %shift_right_arithmetic3A_951 = vector.broadcast %shift_right_arithmetic3A_950 : i32 to vector<16xi32>
        %shift_right_arithmetic3A_952 = arith.shrsi %bitcast3A_943, %shift_right_arithmetic3A_951 : vector<16xi32>
        %add3A_953 = arith.addi %add3A_915, %shift_right_arithmetic3A_949 : vector<16xi32>
        %add3A_954 = arith.addi %add3A_916, %shift_right_arithmetic3A_952 : vector<16xi32>
        %add3A_955 = arith.addi %add3A_934, %add3A_953 : vector<16xi32>
        %max3A = arith.constant 0 : i32
        %max3A_956 = vector.broadcast %max3A : i32 to vector<16xi32>
        %max3A_957 = arith.maxsi %add3A_955, %max3A_956 : vector<16xi32>
        %convert_element_type3A_958 = arith.sitofp %max3A_957 : vector<16xi32> to vector<16xf32>
        %add3A_959 = arith.addi %add3A_935, %add3A_954 : vector<16xi32>
        %max3A_960 = arith.constant 0 : i32
        %max3A_961 = vector.broadcast %max3A_960 : i32 to vector<16xi32>
        %max3A_962 = arith.maxsi %add3A_959, %max3A_961 : vector<16xi32>
        %convert_element_type3A_963 = arith.sitofp %max3A_962 : vector<16xi32> to vector<16xf32>
        %mul3A_964 = arith.mulf %convert_element_type3A_958, %get3A_130 : vector<16xf32>
        %mul3A_965 = arith.mulf %convert_element_type3A_963, %get3A_133 : vector<16xf32>
        %add3A_966 = arith.addf %mul3A_964, %mul3A_965 : vector<16xf32>
        %add3A_967 = vector.broadcast %mul3A_579 : i32 to vector<16xi32>
        %add3A_968 = arith.addi %mul3A_5, %add3A_967 : vector<16xi32>
        tpu.vector_store_idx %arg9[%add3A_968], %add3A_966 : memref<1024xf32, #tpu.memory_space<vmem>>[vector<16xi32>], vector<16xf32>,
        %mul3A_969 = arith.constant 2 : i32
        %mul3A_970 = arith.muli %mul3A_969, %scan3A_577 : i32
        %add3A_971 = arith.constant 1 : i32
        %add3A_972 = arith.addi %mul3A_970, %add3A_971 : i32
        %mul3A_973 = arith.constant 20 : i32
        %mul3A_974 = arith.muli %add3A_972, %mul3A_973 : i32
        %add3A_975 = arith.constant 0 : i32
        %add3A_976 = arith.addi %mul3A_974, %add3A_975 : i32
        %get3A_977 = arith.constant 0 : i32
        %get3A_978 = arith.index_cast %get3A_977 : i32 to index
        %get3A_979 = arith.index_cast %add3A_976 : i32 to index
        %get3A_980 = arith.constant 0 : index
        %get3A_981 = tpu.vector_load %arg7[%get3A_978, %get3A_979, %get3A_980] {strides = array<i32>} : memref<2x1000x32xi16, #tpu.memory_space<vmem>>, vector<32xi16>,
        %bitcast3A_982 = vector.bitcast %get3A_981 : vector<32xi16> to vector<16xi32>
        %shift_left3A_983 = arith.constant 16 : i32
        %shift_left3A_984 = vector.broadcast %shift_left3A_983 : i32 to vector<16xi32>
        %shift_left3A_985 = arith.shli %bitcast3A_982, %shift_left3A_984 : vector<16xi32>
        %shift_right_arithmetic3A_986 = arith.constant 16 : i32
        %shift_right_arithmetic3A_987 = vector.broadcast %shift_right_arithmetic3A_986 : i32 to vector<16xi32>
        %shift_right_arithmetic3A_988 = arith.shrsi %shift_left3A_985, %shift_right_arithmetic3A_987 : vector<16xi32>
        %shift_right_arithmetic3A_989 = arith.constant 16 : i32
        %shift_right_arithmetic3A_990 = vector.broadcast %shift_right_arithmetic3A_989 : i32 to vector<16xi32>
        %shift_right_arithmetic3A_991 = arith.shrsi %bitcast3A_982, %shift_right_arithmetic3A_990 : vector<16xi32>
        %add3A_992 = arith.constant 1 : i32
        %add3A_993 = arith.addi %mul3A_974, %add3A_992 : i32
        %get3A_994 = arith.constant 0 : i32
        %get3A_995 = arith.index_cast %get3A_994 : i32 to index
        %get3A_996 = arith.index_cast %add3A_993 : i32 to index
        %get3A_997 = arith.constant 0 : index
        %get3A_998 = tpu.vector_load %arg7[%get3A_995, %get3A_996, %get3A_997] {strides = array<i32>} : memref<2x1000x32xi16, #tpu.memory_space<vmem>>, vector<32xi16>,
        %bitcast3A_999 = vector.bitcast %get3A_998 : vector<32xi16> to vector<16xi32>
        %shift_left3A_1000 = arith.constant 16 : i32
        %shift_left3A_1001 = vector.broadcast %shift_left3A_1000 : i32 to vector<16xi32>
        %shift_left3A_1002 = arith.shli %bitcast3A_999, %shift_left3A_1001 : vector<16xi32>
        %shift_right_arithmetic3A_1003 = arith.constant 16 : i32
        %shift_right_arithmetic3A_1004 = vector.broadcast %shift_right_arithmetic3A_1003 : i32 to vector<16xi32>
        %shift_right_arithmetic3A_1005 = arith.shrsi %shift_left3A_1002, %shift_right_arithmetic3A_1004 : vector<16xi32>
        %shift_right_arithmetic3A_1006 = arith.constant 16 : i32
        %shift_right_arithmetic3A_1007 = vector.broadcast %shift_right_arithmetic3A_1006 : i32 to vector<16xi32>
        %shift_right_arithmetic3A_1008 = arith.shrsi %bitcast3A_999, %shift_right_arithmetic3A_1007 : vector<16xi32>
        %add3A_1009 = arith.constant 2 : i32
        %add3A_1010 = arith.addi %mul3A_974, %add3A_1009 : i32
        %get3A_1011 = arith.constant 0 : i32
        %get3A_1012 = arith.index_cast %get3A_1011 : i32 to index
        %get3A_1013 = arith.index_cast %add3A_1010 : i32 to index
        %get3A_1014 = arith.constant 0 : index
        %get3A_1015 = tpu.vector_load %arg7[%get3A_1012, %get3A_1013, %get3A_1014] {strides = array<i32>} : memref<2x1000x32xi16, #tpu.memory_space<vmem>>, vector<32xi16>,
        %bitcast3A_1016 = vector.bitcast %get3A_1015 : vector<32xi16> to vector<16xi32>
        %shift_left3A_1017 = arith.constant 16 : i32
        %shift_left3A_1018 = vector.broadcast %shift_left3A_1017 : i32 to vector<16xi32>
        %shift_left3A_1019 = arith.shli %bitcast3A_1016, %shift_left3A_1018 : vector<16xi32>
        %shift_right_arithmetic3A_1020 = arith.constant 16 : i32
        %shift_right_arithmetic3A_1021 = vector.broadcast %shift_right_arithmetic3A_1020 : i32 to vector<16xi32>
        %shift_right_arithmetic3A_1022 = arith.shrsi %shift_left3A_1019, %shift_right_arithmetic3A_1021 : vector<16xi32>
        %shift_right_arithmetic3A_1023 = arith.constant 16 : i32
        %shift_right_arithmetic3A_1024 = vector.broadcast %shift_right_arithmetic3A_1023 : i32 to vector<16xi32>
        %shift_right_arithmetic3A_1025 = arith.shrsi %bitcast3A_1016, %shift_right_arithmetic3A_1024 : vector<16xi32>
        %add3A_1026 = arith.addi %shift_right_arithmetic3A_988, %shift_right_arithmetic3A_1022 : vector<16xi32>
        %add3A_1027 = arith.addi %shift_right_arithmetic3A_991, %shift_right_arithmetic3A_1025 : vector<16xi32>
        %add3A_1028 = arith.constant 3 : i32
        %add3A_1029 = arith.addi %mul3A_974, %add3A_1028 : i32
        %get3A_1030 = arith.constant 0 : i32
        %get3A_1031 = arith.index_cast %get3A_1030 : i32 to index
        %get3A_1032 = arith.index_cast %add3A_1029 : i32 to index
        %get3A_1033 = arith.constant 0 : index
        %get3A_1034 = tpu.vector_load %arg7[%get3A_1031, %get3A_1032, %get3A_1033] {strides = array<i32>} : memref<2x1000x32xi16, #tpu.memory_space<vmem>>, vector<32xi16>,
        %bitcast3A_1035 = vector.bitcast %get3A_1034 : vector<32xi16> to vector<16xi32>
        %shift_left3A_1036 = arith.constant 16 : i32
        %shift_left3A_1037 = vector.broadcast %shift_left3A_1036 : i32 to vector<16xi32>
        %shift_left3A_1038 = arith.shli %bitcast3A_1035, %shift_left3A_1037 : vector<16xi32>
        %shift_right_arithmetic3A_1039 = arith.constant 16 : i32
        %shift_right_arithmetic3A_1040 = vector.broadcast %shift_right_arithmetic3A_1039 : i32 to vector<16xi32>
        %shift_right_arithmetic3A_1041 = arith.shrsi %shift_left3A_1038, %shift_right_arithmetic3A_1040 : vector<16xi32>
        %shift_right_arithmetic3A_1042 = arith.constant 16 : i32
        %shift_right_arithmetic3A_1043 = vector.broadcast %shift_right_arithmetic3A_1042 : i32 to vector<16xi32>
        %shift_right_arithmetic3A_1044 = arith.shrsi %bitcast3A_1035, %shift_right_arithmetic3A_1043 : vector<16xi32>
        %add3A_1045 = arith.addi %shift_right_arithmetic3A_1005, %shift_right_arithmetic3A_1041 : vector<16xi32>
        %add3A_1046 = arith.addi %shift_right_arithmetic3A_1008, %shift_right_arithmetic3A_1044 : vector<16xi32>
        %add3A_1047 = arith.constant 4 : i32
        %add3A_1048 = arith.addi %mul3A_974, %add3A_1047 : i32
        %get3A_1049 = arith.constant 0 : i32
        %get3A_1050 = arith.index_cast %get3A_1049 : i32 to index
        %get3A_1051 = arith.index_cast %add3A_1048 : i32 to index
        %get3A_1052 = arith.constant 0 : index
        %get3A_1053 = tpu.vector_load %arg7[%get3A_1050, %get3A_1051, %get3A_1052] {strides = array<i32>} : memref<2x1000x32xi16, #tpu.memory_space<vmem>>, vector<32xi16>,
        %bitcast3A_1054 = vector.bitcast %get3A_1053 : vector<32xi16> to vector<16xi32>
        %shift_left3A_1055 = arith.constant 16 : i32
        %shift_left3A_1056 = vector.broadcast %shift_left3A_1055 : i32 to vector<16xi32>
        %shift_left3A_1057 = arith.shli %bitcast3A_1054, %shift_left3A_1056 : vector<16xi32>
        %shift_right_arithmetic3A_1058 = arith.constant 16 : i32
        %shift_right_arithmetic3A_1059 = vector.broadcast %shift_right_arithmetic3A_1058 : i32 to vector<16xi32>
        %shift_right_arithmetic3A_1060 = arith.shrsi %shift_left3A_1057, %shift_right_arithmetic3A_1059 : vector<16xi32>
        %shift_right_arithmetic3A_1061 = arith.constant 16 : i32
        %shift_right_arithmetic3A_1062 = vector.broadcast %shift_right_arithmetic3A_1061 : i32 to vector<16xi32>
        %shift_right_arithmetic3A_1063 = arith.shrsi %bitcast3A_1054, %shift_right_arithmetic3A_1062 : vector<16xi32>
        %add3A_1064 = arith.addi %add3A_1026, %shift_right_arithmetic3A_1060 : vector<16xi32>
        %add3A_1065 = arith.addi %add3A_1027, %shift_right_arithmetic3A_1063 : vector<16xi32>
        %add3A_1066 = arith.constant 5 : i32
        %add3A_1067 = arith.addi %mul3A_974, %add3A_1066 : i32
        %get3A_1068 = arith.constant 0 : i32
        %get3A_1069 = arith.index_cast %get3A_1068 : i32 to index
        %get3A_1070 = arith.index_cast %add3A_1067 : i32 to index
        %get3A_1071 = arith.constant 0 : index
        %get3A_1072 = tpu.vector_load %arg7[%get3A_1069, %get3A_1070, %get3A_1071] {strides = array<i32>} : memref<2x1000x32xi16, #tpu.memory_space<vmem>>, vector<32xi16>,
        %bitcast3A_1073 = vector.bitcast %get3A_1072 : vector<32xi16> to vector<16xi32>
        %shift_left3A_1074 = arith.constant 16 : i32
        %shift_left3A_1075 = vector.broadcast %shift_left3A_1074 : i32 to vector<16xi32>
        %shift_left3A_1076 = arith.shli %bitcast3A_1073, %shift_left3A_1075 : vector<16xi32>
        %shift_right_arithmetic3A_1077 = arith.constant 16 : i32
        %shift_right_arithmetic3A_1078 = vector.broadcast %shift_right_arithmetic3A_1077 : i32 to vector<16xi32>
        %shift_right_arithmetic3A_1079 = arith.shrsi %shift_left3A_1076, %shift_right_arithmetic3A_1078 : vector<16xi32>
        %shift_right_arithmetic3A_1080 = arith.constant 16 : i32
        %shift_right_arithmetic3A_1081 = vector.broadcast %shift_right_arithmetic3A_1080 : i32 to vector<16xi32>
        %shift_right_arithmetic3A_1082 = arith.shrsi %bitcast3A_1073, %shift_right_arithmetic3A_1081 : vector<16xi32>
        %add3A_1083 = arith.addi %add3A_1045, %shift_right_arithmetic3A_1079 : vector<16xi32>
        %add3A_1084 = arith.addi %add3A_1046, %shift_right_arithmetic3A_1082 : vector<16xi32>
        %add3A_1085 = arith.constant 6 : i32
        %add3A_1086 = arith.addi %mul3A_974, %add3A_1085 : i32
        %get3A_1087 = arith.constant 0 : i32
        %get3A_1088 = arith.index_cast %get3A_1087 : i32 to index
        %get3A_1089 = arith.index_cast %add3A_1086 : i32 to index
        %get3A_1090 = arith.constant 0 : index
        %get3A_1091 = tpu.vector_load %arg7[%get3A_1088, %get3A_1089, %get3A_1090] {strides = array<i32>} : memref<2x1000x32xi16, #tpu.memory_space<vmem>>, vector<32xi16>,
        %bitcast3A_1092 = vector.bitcast %get3A_1091 : vector<32xi16> to vector<16xi32>
        %shift_left3A_1093 = arith.constant 16 : i32
        %shift_left3A_1094 = vector.broadcast %shift_left3A_1093 : i32 to vector<16xi32>
        %shift_left3A_1095 = arith.shli %bitcast3A_1092, %shift_left3A_1094 : vector<16xi32>
        %shift_right_arithmetic3A_1096 = arith.constant 16 : i32
        %shift_right_arithmetic3A_1097 = vector.broadcast %shift_right_arithmetic3A_1096 : i32 to vector<16xi32>
        %shift_right_arithmetic3A_1098 = arith.shrsi %shift_left3A_1095, %shift_right_arithmetic3A_1097 : vector<16xi32>
        %shift_right_arithmetic3A_1099 = arith.constant 16 : i32
        %shift_right_arithmetic3A_1100 = vector.broadcast %shift_right_arithmetic3A_1099 : i32 to vector<16xi32>
        %shift_right_arithmetic3A_1101 = arith.shrsi %bitcast3A_1092, %shift_right_arithmetic3A_1100 : vector<16xi32>
        %add3A_1102 = arith.addi %add3A_1064, %shift_right_arithmetic3A_1098 : vector<16xi32>
        %add3A_1103 = arith.addi %add3A_1065, %shift_right_arithmetic3A_1101 : vector<16xi32>
        %add3A_1104 = arith.constant 7 : i32
        %add3A_1105 = arith.addi %mul3A_974, %add3A_1104 : i32
        %get3A_1106 = arith.constant 0 : i32
        %get3A_1107 = arith.index_cast %get3A_1106 : i32 to index
        %get3A_1108 = arith.index_cast %add3A_1105 : i32 to index
        %get3A_1109 = arith.constant 0 : index
        %get3A_1110 = tpu.vector_load %arg7[%get3A_1107, %get3A_1108, %get3A_1109] {strides = array<i32>} : memref<2x1000x32xi16, #tpu.memory_space<vmem>>, vector<32xi16>,
        %bitcast3A_1111 = vector.bitcast %get3A_1110 : vector<32xi16> to vector<16xi32>
        %shift_left3A_1112 = arith.constant 16 : i32
        %shift_left3A_1113 = vector.broadcast %shift_left3A_1112 : i32 to vector<16xi32>
        %shift_left3A_1114 = arith.shli %bitcast3A_1111, %shift_left3A_1113 : vector<16xi32>
        %shift_right_arithmetic3A_1115 = arith.constant 16 : i32
        %shift_right_arithmetic3A_1116 = vector.broadcast %shift_right_arithmetic3A_1115 : i32 to vector<16xi32>
        %shift_right_arithmetic3A_1117 = arith.shrsi %shift_left3A_1114, %shift_right_arithmetic3A_1116 : vector<16xi32>
        %shift_right_arithmetic3A_1118 = arith.constant 16 : i32
        %shift_right_arithmetic3A_1119 = vector.broadcast %shift_right_arithmetic3A_1118 : i32 to vector<16xi32>
        %shift_right_arithmetic3A_1120 = arith.shrsi %bitcast3A_1111, %shift_right_arithmetic3A_1119 : vector<16xi32>
        %add3A_1121 = arith.addi %add3A_1083, %shift_right_arithmetic3A_1117 : vector<16xi32>
        %add3A_1122 = arith.addi %add3A_1084, %shift_right_arithmetic3A_1120 : vector<16xi32>
        %add3A_1123 = arith.constant 8 : i32
        %add3A_1124 = arith.addi %mul3A_974, %add3A_1123 : i32
        %get3A_1125 = arith.constant 0 : i32
        %get3A_1126 = arith.index_cast %get3A_1125 : i32 to index
        %get3A_1127 = arith.index_cast %add3A_1124 : i32 to index
        %get3A_1128 = arith.constant 0 : index
        %get3A_1129 = tpu.vector_load %arg7[%get3A_1126, %get3A_1127, %get3A_1128] {strides = array<i32>} : memref<2x1000x32xi16, #tpu.memory_space<vmem>>, vector<32xi16>,
        %bitcast3A_1130 = vector.bitcast %get3A_1129 : vector<32xi16> to vector<16xi32>
        %shift_left3A_1131 = arith.constant 16 : i32
        %shift_left3A_1132 = vector.broadcast %shift_left3A_1131 : i32 to vector<16xi32>
        %shift_left3A_1133 = arith.shli %bitcast3A_1130, %shift_left3A_1132 : vector<16xi32>
        %shift_right_arithmetic3A_1134 = arith.constant 16 : i32
        %shift_right_arithmetic3A_1135 = vector.broadcast %shift_right_arithmetic3A_1134 : i32 to vector<16xi32>
        %shift_right_arithmetic3A_1136 = arith.shrsi %shift_left3A_1133, %shift_right_arithmetic3A_1135 : vector<16xi32>
        %shift_right_arithmetic3A_1137 = arith.constant 16 : i32
        %shift_right_arithmetic3A_1138 = vector.broadcast %shift_right_arithmetic3A_1137 : i32 to vector<16xi32>
        %shift_right_arithmetic3A_1139 = arith.shrsi %bitcast3A_1130, %shift_right_arithmetic3A_1138 : vector<16xi32>
        %add3A_1140 = arith.addi %add3A_1102, %shift_right_arithmetic3A_1136 : vector<16xi32>
        %add3A_1141 = arith.addi %add3A_1103, %shift_right_arithmetic3A_1139 : vector<16xi32>
        %add3A_1142 = arith.constant 9 : i32
        %add3A_1143 = arith.addi %mul3A_974, %add3A_1142 : i32
        %get3A_1144 = arith.constant 0 : i32
        %get3A_1145 = arith.index_cast %get3A_1144 : i32 to index
        %get3A_1146 = arith.index_cast %add3A_1143 : i32 to index
        %get3A_1147 = arith.constant 0 : index
        %get3A_1148 = tpu.vector_load %arg7[%get3A_1145, %get3A_1146, %get3A_1147] {strides = array<i32>} : memref<2x1000x32xi16, #tpu.memory_space<vmem>>, vector<32xi16>,
        %bitcast3A_1149 = vector.bitcast %get3A_1148 : vector<32xi16> to vector<16xi32>
        %shift_left3A_1150 = arith.constant 16 : i32
        %shift_left3A_1151 = vector.broadcast %shift_left3A_1150 : i32 to vector<16xi32>
        %shift_left3A_1152 = arith.shli %bitcast3A_1149, %shift_left3A_1151 : vector<16xi32>
        %shift_right_arithmetic3A_1153 = arith.constant 16 : i32
        %shift_right_arithmetic3A_1154 = vector.broadcast %shift_right_arithmetic3A_1153 : i32 to vector<16xi32>
        %shift_right_arithmetic3A_1155 = arith.shrsi %shift_left3A_1152, %shift_right_arithmetic3A_1154 : vector<16xi32>
        %shift_right_arithmetic3A_1156 = arith.constant 16 : i32
        %shift_right_arithmetic3A_1157 = vector.broadcast %shift_right_arithmetic3A_1156 : i32 to vector<16xi32>
        %shift_right_arithmetic3A_1158 = arith.shrsi %bitcast3A_1149, %shift_right_arithmetic3A_1157 : vector<16xi32>
        %add3A_1159 = arith.addi %add3A_1121, %shift_right_arithmetic3A_1155 : vector<16xi32>
        %add3A_1160 = arith.addi %add3A_1122, %shift_right_arithmetic3A_1158 : vector<16xi32>
        %add3A_1161 = arith.constant 10 : i32
        %add3A_1162 = arith.addi %mul3A_974, %add3A_1161 : i32
        %get3A_1163 = arith.constant 0 : i32
        %get3A_1164 = arith.index_cast %get3A_1163 : i32 to index
        %get3A_1165 = arith.index_cast %add3A_1162 : i32 to index
        %get3A_1166 = arith.constant 0 : index
        %get3A_1167 = tpu.vector_load %arg7[%get3A_1164, %get3A_1165, %get3A_1166] {strides = array<i32>} : memref<2x1000x32xi16, #tpu.memory_space<vmem>>, vector<32xi16>,
        %bitcast3A_1168 = vector.bitcast %get3A_1167 : vector<32xi16> to vector<16xi32>
        %shift_left3A_1169 = arith.constant 16 : i32
        %shift_left3A_1170 = vector.broadcast %shift_left3A_1169 : i32 to vector<16xi32>
        %shift_left3A_1171 = arith.shli %bitcast3A_1168, %shift_left3A_1170 : vector<16xi32>
        %shift_right_arithmetic3A_1172 = arith.constant 16 : i32
        %shift_right_arithmetic3A_1173 = vector.broadcast %shift_right_arithmetic3A_1172 : i32 to vector<16xi32>
        %shift_right_arithmetic3A_1174 = arith.shrsi %shift_left3A_1171, %shift_right_arithmetic3A_1173 : vector<16xi32>
        %shift_right_arithmetic3A_1175 = arith.constant 16 : i32
        %shift_right_arithmetic3A_1176 = vector.broadcast %shift_right_arithmetic3A_1175 : i32 to vector<16xi32>
        %shift_right_arithmetic3A_1177 = arith.shrsi %bitcast3A_1168, %shift_right_arithmetic3A_1176 : vector<16xi32>
        %add3A_1178 = arith.addi %add3A_1140, %shift_right_arithmetic3A_1174 : vector<16xi32>
        %add3A_1179 = arith.addi %add3A_1141, %shift_right_arithmetic3A_1177 : vector<16xi32>
        %add3A_1180 = arith.constant 11 : i32
        %add3A_1181 = arith.addi %mul3A_974, %add3A_1180 : i32
        %get3A_1182 = arith.constant 0 : i32
        %get3A_1183 = arith.index_cast %get3A_1182 : i32 to index
        %get3A_1184 = arith.index_cast %add3A_1181 : i32 to index
        %get3A_1185 = arith.constant 0 : index
        %get3A_1186 = tpu.vector_load %arg7[%get3A_1183, %get3A_1184, %get3A_1185] {strides = array<i32>} : memref<2x1000x32xi16, #tpu.memory_space<vmem>>, vector<32xi16>,
        %bitcast3A_1187 = vector.bitcast %get3A_1186 : vector<32xi16> to vector<16xi32>
        %shift_left3A_1188 = arith.constant 16 : i32
        %shift_left3A_1189 = vector.broadcast %shift_left3A_1188 : i32 to vector<16xi32>
        %shift_left3A_1190 = arith.shli %bitcast3A_1187, %shift_left3A_1189 : vector<16xi32>
        %shift_right_arithmetic3A_1191 = arith.constant 16 : i32
        %shift_right_arithmetic3A_1192 = vector.broadcast %shift_right_arithmetic3A_1191 : i32 to vector<16xi32>
        %shift_right_arithmetic3A_1193 = arith.shrsi %shift_left3A_1190, %shift_right_arithmetic3A_1192 : vector<16xi32>
        %shift_right_arithmetic3A_1194 = arith.constant 16 : i32
        %shift_right_arithmetic3A_1195 = vector.broadcast %shift_right_arithmetic3A_1194 : i32 to vector<16xi32>
        %shift_right_arithmetic3A_1196 = arith.shrsi %bitcast3A_1187, %shift_right_arithmetic3A_1195 : vector<16xi32>
        %add3A_1197 = arith.addi %add3A_1159, %shift_right_arithmetic3A_1193 : vector<16xi32>
        %add3A_1198 = arith.addi %add3A_1160, %shift_right_arithmetic3A_1196 : vector<16xi32>
        %add3A_1199 = arith.constant 12 : i32
        %add3A_1200 = arith.addi %mul3A_974, %add3A_1199 : i32
        %get3A_1201 = arith.constant 0 : i32
        %get3A_1202 = arith.index_cast %get3A_1201 : i32 to index
        %get3A_1203 = arith.index_cast %add3A_1200 : i32 to index
        %get3A_1204 = arith.constant 0 : index
        %get3A_1205 = tpu.vector_load %arg7[%get3A_1202, %get3A_1203, %get3A_1204] {strides = array<i32>} : memref<2x1000x32xi16, #tpu.memory_space<vmem>>, vector<32xi16>,
        %bitcast3A_1206 = vector.bitcast %get3A_1205 : vector<32xi16> to vector<16xi32>
        %shift_left3A_1207 = arith.constant 16 : i32
        %shift_left3A_1208 = vector.broadcast %shift_left3A_1207 : i32 to vector<16xi32>
        %shift_left3A_1209 = arith.shli %bitcast3A_1206, %shift_left3A_1208 : vector<16xi32>
        %shift_right_arithmetic3A_1210 = arith.constant 16 : i32
        %shift_right_arithmetic3A_1211 = vector.broadcast %shift_right_arithmetic3A_1210 : i32 to vector<16xi32>
        %shift_right_arithmetic3A_1212 = arith.shrsi %shift_left3A_1209, %shift_right_arithmetic3A_1211 : vector<16xi32>
        %shift_right_arithmetic3A_1213 = arith.constant 16 : i32
        %shift_right_arithmetic3A_1214 = vector.broadcast %shift_right_arithmetic3A_1213 : i32 to vector<16xi32>
        %shift_right_arithmetic3A_1215 = arith.shrsi %bitcast3A_1206, %shift_right_arithmetic3A_1214 : vector<16xi32>
        %add3A_1216 = arith.addi %add3A_1178, %shift_right_arithmetic3A_1212 : vector<16xi32>
        %add3A_1217 = arith.addi %add3A_1179, %shift_right_arithmetic3A_1215 : vector<16xi32>
        %add3A_1218 = arith.constant 13 : i32
        %add3A_1219 = arith.addi %mul3A_974, %add3A_1218 : i32
        %get3A_1220 = arith.constant 0 : i32
        %get3A_1221 = arith.index_cast %get3A_1220 : i32 to index
        %get3A_1222 = arith.index_cast %add3A_1219 : i32 to index
        %get3A_1223 = arith.constant 0 : index
        %get3A_1224 = tpu.vector_load %arg7[%get3A_1221, %get3A_1222, %get3A_1223] {strides = array<i32>} : memref<2x1000x32xi16, #tpu.memory_space<vmem>>, vector<32xi16>,
        %bitcast3A_1225 = vector.bitcast %get3A_1224 : vector<32xi16> to vector<16xi32>
        %shift_left3A_1226 = arith.constant 16 : i32
        %shift_left3A_1227 = vector.broadcast %shift_left3A_1226 : i32 to vector<16xi32>
        %shift_left3A_1228 = arith.shli %bitcast3A_1225, %shift_left3A_1227 : vector<16xi32>
        %shift_right_arithmetic3A_1229 = arith.constant 16 : i32
        %shift_right_arithmetic3A_1230 = vector.broadcast %shift_right_arithmetic3A_1229 : i32 to vector<16xi32>
        %shift_right_arithmetic3A_1231 = arith.shrsi %shift_left3A_1228, %shift_right_arithmetic3A_1230 : vector<16xi32>
        %shift_right_arithmetic3A_1232 = arith.constant 16 : i32
        %shift_right_arithmetic3A_1233 = vector.broadcast %shift_right_arithmetic3A_1232 : i32 to vector<16xi32>
        %shift_right_arithmetic3A_1234 = arith.shrsi %bitcast3A_1225, %shift_right_arithmetic3A_1233 : vector<16xi32>
        %add3A_1235 = arith.addi %add3A_1197, %shift_right_arithmetic3A_1231 : vector<16xi32>
        %add3A_1236 = arith.addi %add3A_1198, %shift_right_arithmetic3A_1234 : vector<16xi32>
        %add3A_1237 = arith.constant 14 : i32
        %add3A_1238 = arith.addi %mul3A_974, %add3A_1237 : i32
        %get3A_1239 = arith.constant 0 : i32
        %get3A_1240 = arith.index_cast %get3A_1239 : i32 to index
        %get3A_1241 = arith.index_cast %add3A_1238 : i32 to index
        %get3A_1242 = arith.constant 0 : index
        %get3A_1243 = tpu.vector_load %arg7[%get3A_1240, %get3A_1241, %get3A_1242] {strides = array<i32>} : memref<2x1000x32xi16, #tpu.memory_space<vmem>>, vector<32xi16>,
        %bitcast3A_1244 = vector.bitcast %get3A_1243 : vector<32xi16> to vector<16xi32>
        %shift_left3A_1245 = arith.constant 16 : i32
        %shift_left3A_1246 = vector.broadcast %shift_left3A_1245 : i32 to vector<16xi32>
        %shift_left3A_1247 = arith.shli %bitcast3A_1244, %shift_left3A_1246 : vector<16xi32>
        %shift_right_arithmetic3A_1248 = arith.constant 16 : i32
        %shift_right_arithmetic3A_1249 = vector.broadcast %shift_right_arithmetic3A_1248 : i32 to vector<16xi32>
        %shift_right_arithmetic3A_1250 = arith.shrsi %shift_left3A_1247, %shift_right_arithmetic3A_1249 : vector<16xi32>
        %shift_right_arithmetic3A_1251 = arith.constant 16 : i32
        %shift_right_arithmetic3A_1252 = vector.broadcast %shift_right_arithmetic3A_1251 : i32 to vector<16xi32>
        %shift_right_arithmetic3A_1253 = arith.shrsi %bitcast3A_1244, %shift_right_arithmetic3A_1252 : vector<16xi32>
        %add3A_1254 = arith.addi %add3A_1216, %shift_right_arithmetic3A_1250 : vector<16xi32>
        %add3A_1255 = arith.addi %add3A_1217, %shift_right_arithmetic3A_1253 : vector<16xi32>
        %add3A_1256 = arith.constant 15 : i32
        %add3A_1257 = arith.addi %mul3A_974, %add3A_1256 : i32
        %get3A_1258 = arith.constant 0 : i32
        %get3A_1259 = arith.index_cast %get3A_1258 : i32 to index
        %get3A_1260 = arith.index_cast %add3A_1257 : i32 to index
        %get3A_1261 = arith.constant 0 : index
        %get3A_1262 = tpu.vector_load %arg7[%get3A_1259, %get3A_1260, %get3A_1261] {strides = array<i32>} : memref<2x1000x32xi16, #tpu.memory_space<vmem>>, vector<32xi16>,
        %bitcast3A_1263 = vector.bitcast %get3A_1262 : vector<32xi16> to vector<16xi32>
        %shift_left3A_1264 = arith.constant 16 : i32
        %shift_left3A_1265 = vector.broadcast %shift_left3A_1264 : i32 to vector<16xi32>
        %shift_left3A_1266 = arith.shli %bitcast3A_1263, %shift_left3A_1265 : vector<16xi32>
        %shift_right_arithmetic3A_1267 = arith.constant 16 : i32
        %shift_right_arithmetic3A_1268 = vector.broadcast %shift_right_arithmetic3A_1267 : i32 to vector<16xi32>
        %shift_right_arithmetic3A_1269 = arith.shrsi %shift_left3A_1266, %shift_right_arithmetic3A_1268 : vector<16xi32>
        %shift_right_arithmetic3A_1270 = arith.constant 16 : i32
        %shift_right_arithmetic3A_1271 = vector.broadcast %shift_right_arithmetic3A_1270 : i32 to vector<16xi32>
        %shift_right_arithmetic3A_1272 = arith.shrsi %bitcast3A_1263, %shift_right_arithmetic3A_1271 : vector<16xi32>
        %add3A_1273 = arith.addi %add3A_1235, %shift_right_arithmetic3A_1269 : vector<16xi32>
        %add3A_1274 = arith.addi %add3A_1236, %shift_right_arithmetic3A_1272 : vector<16xi32>
        %add3A_1275 = arith.constant 16 : i32
        %add3A_1276 = arith.addi %mul3A_974, %add3A_1275 : i32
        %get3A_1277 = arith.constant 0 : i32
        %get3A_1278 = arith.index_cast %get3A_1277 : i32 to index
        %get3A_1279 = arith.index_cast %add3A_1276 : i32 to index
        %get3A_1280 = arith.constant 0 : index
        %get3A_1281 = tpu.vector_load %arg7[%get3A_1278, %get3A_1279, %get3A_1280] {strides = array<i32>} : memref<2x1000x32xi16, #tpu.memory_space<vmem>>, vector<32xi16>,
        %bitcast3A_1282 = vector.bitcast %get3A_1281 : vector<32xi16> to vector<16xi32>
        %shift_left3A_1283 = arith.constant 16 : i32
        %shift_left3A_1284 = vector.broadcast %shift_left3A_1283 : i32 to vector<16xi32>
        %shift_left3A_1285 = arith.shli %bitcast3A_1282, %shift_left3A_1284 : vector<16xi32>
        %shift_right_arithmetic3A_1286 = arith.constant 16 : i32
        %shift_right_arithmetic3A_1287 = vector.broadcast %shift_right_arithmetic3A_1286 : i32 to vector<16xi32>
        %shift_right_arithmetic3A_1288 = arith.shrsi %shift_left3A_1285, %shift_right_arithmetic3A_1287 : vector<16xi32>
        %shift_right_arithmetic3A_1289 = arith.constant 16 : i32
        %shift_right_arithmetic3A_1290 = vector.broadcast %shift_right_arithmetic3A_1289 : i32 to vector<16xi32>
        %shift_right_arithmetic3A_1291 = arith.shrsi %bitcast3A_1282, %shift_right_arithmetic3A_1290 : vector<16xi32>
        %add3A_1292 = arith.addi %add3A_1254, %shift_right_arithmetic3A_1288 : vector<16xi32>
        %add3A_1293 = arith.addi %add3A_1255, %shift_right_arithmetic3A_1291 : vector<16xi32>
        %add3A_1294 = arith.constant 17 : i32
        %add3A_1295 = arith.addi %mul3A_974, %add3A_1294 : i32
        %get3A_1296 = arith.constant 0 : i32
        %get3A_1297 = arith.index_cast %get3A_1296 : i32 to index
        %get3A_1298 = arith.index_cast %add3A_1295 : i32 to index
        %get3A_1299 = arith.constant 0 : index
        %get3A_1300 = tpu.vector_load %arg7[%get3A_1297, %get3A_1298, %get3A_1299] {strides = array<i32>} : memref<2x1000x32xi16, #tpu.memory_space<vmem>>, vector<32xi16>,
        %bitcast3A_1301 = vector.bitcast %get3A_1300 : vector<32xi16> to vector<16xi32>
        %shift_left3A_1302 = arith.constant 16 : i32
        %shift_left3A_1303 = vector.broadcast %shift_left3A_1302 : i32 to vector<16xi32>
        %shift_left3A_1304 = arith.shli %bitcast3A_1301, %shift_left3A_1303 : vector<16xi32>
        %shift_right_arithmetic3A_1305 = arith.constant 16 : i32
        %shift_right_arithmetic3A_1306 = vector.broadcast %shift_right_arithmetic3A_1305 : i32 to vector<16xi32>
        %shift_right_arithmetic3A_1307 = arith.shrsi %shift_left3A_1304, %shift_right_arithmetic3A_1306 : vector<16xi32>
        %shift_right_arithmetic3A_1308 = arith.constant 16 : i32
        %shift_right_arithmetic3A_1309 = vector.broadcast %shift_right_arithmetic3A_1308 : i32 to vector<16xi32>
        %shift_right_arithmetic3A_1310 = arith.shrsi %bitcast3A_1301, %shift_right_arithmetic3A_1309 : vector<16xi32>
        %add3A_1311 = arith.addi %add3A_1273, %shift_right_arithmetic3A_1307 : vector<16xi32>
        %add3A_1312 = arith.addi %add3A_1274, %shift_right_arithmetic3A_1310 : vector<16xi32>
        %add3A_1313 = arith.constant 18 : i32
        %add3A_1314 = arith.addi %mul3A_974, %add3A_1313 : i32
        %get3A_1315 = arith.constant 0 : i32
        %get3A_1316 = arith.index_cast %get3A_1315 : i32 to index
        %get3A_1317 = arith.index_cast %add3A_1314 : i32 to index
        %get3A_1318 = arith.constant 0 : index
        %get3A_1319 = tpu.vector_load %arg7[%get3A_1316, %get3A_1317, %get3A_1318] {strides = array<i32>} : memref<2x1000x32xi16, #tpu.memory_space<vmem>>, vector<32xi16>,
        %bitcast3A_1320 = vector.bitcast %get3A_1319 : vector<32xi16> to vector<16xi32>
        %shift_left3A_1321 = arith.constant 16 : i32
        %shift_left3A_1322 = vector.broadcast %shift_left3A_1321 : i32 to vector<16xi32>
        %shift_left3A_1323 = arith.shli %bitcast3A_1320, %shift_left3A_1322 : vector<16xi32>
        %shift_right_arithmetic3A_1324 = arith.constant 16 : i32
        %shift_right_arithmetic3A_1325 = vector.broadcast %shift_right_arithmetic3A_1324 : i32 to vector<16xi32>
        %shift_right_arithmetic3A_1326 = arith.shrsi %shift_left3A_1323, %shift_right_arithmetic3A_1325 : vector<16xi32>
        %shift_right_arithmetic3A_1327 = arith.constant 16 : i32
        %shift_right_arithmetic3A_1328 = vector.broadcast %shift_right_arithmetic3A_1327 : i32 to vector<16xi32>
        %shift_right_arithmetic3A_1329 = arith.shrsi %bitcast3A_1320, %shift_right_arithmetic3A_1328 : vector<16xi32>
        %add3A_1330 = arith.addi %add3A_1292, %shift_right_arithmetic3A_1326 : vector<16xi32>
        %add3A_1331 = arith.addi %add3A_1293, %shift_right_arithmetic3A_1329 : vector<16xi32>
        %add3A_1332 = arith.constant 19 : i32
        %add3A_1333 = arith.addi %mul3A_974, %add3A_1332 : i32
        %get3A_1334 = arith.constant 0 : i32
        %get3A_1335 = arith.index_cast %get3A_1334 : i32 to index
        %get3A_1336 = arith.index_cast %add3A_1333 : i32 to index
        %get3A_1337 = arith.constant 0 : index
        %get3A_1338 = tpu.vector_load %arg7[%get3A_1335, %get3A_1336, %get3A_1337] {strides = array<i32>} : memref<2x1000x32xi16, #tpu.memory_space<vmem>>, vector<32xi16>,
        %bitcast3A_1339 = vector.bitcast %get3A_1338 : vector<32xi16> to vector<16xi32>
        %shift_left3A_1340 = arith.constant 16 : i32
        %shift_left3A_1341 = vector.broadcast %shift_left3A_1340 : i32 to vector<16xi32>
        %shift_left3A_1342 = arith.shli %bitcast3A_1339, %shift_left3A_1341 : vector<16xi32>
        %shift_right_arithmetic3A_1343 = arith.constant 16 : i32
        %shift_right_arithmetic3A_1344 = vector.broadcast %shift_right_arithmetic3A_1343 : i32 to vector<16xi32>
        %shift_right_arithmetic3A_1345 = arith.shrsi %shift_left3A_1342, %shift_right_arithmetic3A_1344 : vector<16xi32>
        %shift_right_arithmetic3A_1346 = arith.constant 16 : i32
        %shift_right_arithmetic3A_1347 = vector.broadcast %shift_right_arithmetic3A_1346 : i32 to vector<16xi32>
        %shift_right_arithmetic3A_1348 = arith.shrsi %bitcast3A_1339, %shift_right_arithmetic3A_1347 : vector<16xi32>
        %add3A_1349 = arith.addi %add3A_1311, %shift_right_arithmetic3A_1345 : vector<16xi32>
        %add3A_1350 = arith.addi %add3A_1312, %shift_right_arithmetic3A_1348 : vector<16xi32>
        %add3A_1351 = arith.addi %add3A_1330, %add3A_1349 : vector<16xi32>
        %max3A_1352 = arith.constant 0 : i32
        %max3A_1353 = vector.broadcast %max3A_1352 : i32 to vector<16xi32>
        %max3A_1354 = arith.maxsi %add3A_1351, %max3A_1353 : vector<16xi32>
        %convert_element_type3A_1355 = arith.sitofp %max3A_1354 : vector<16xi32> to vector<16xf32>
        %add3A_1356 = arith.addi %add3A_1331, %add3A_1350 : vector<16xi32>
        %max3A_1357 = arith.constant 0 : i32
        %max3A_1358 = vector.broadcast %max3A_1357 : i32 to vector<16xi32>
        %max3A_1359 = arith.maxsi %add3A_1356, %max3A_1358 : vector<16xi32>
        %convert_element_type3A_1360 = arith.sitofp %max3A_1359 : vector<16xi32> to vector<16xf32>
        %mul3A_1361 = arith.mulf %convert_element_type3A_1355, %get3A_130 : vector<16xf32>
        %mul3A_1362 = arith.mulf %convert_element_type3A_1360, %get3A_133 : vector<16xf32>
        %add3A_1363 = arith.addf %mul3A_1361, %mul3A_1362 : vector<16xf32>
        %add3A_1364 = vector.broadcast %add3A_972 : i32 to vector<16xi32>
        %add3A_1365 = arith.addi %mul3A_5, %add3A_1364 : vector<16xi32>
        tpu.vector_store_idx %arg9[%add3A_1365], %add3A_1363 : memref<1024xf32, #tpu.memory_space<vmem>>[vector<16xi32>], vector<16xf32>,
      }
      %scan3A_139 = arith.constant 25 : i32
      %get3A_140 = arith.constant 0 : index
      %get3A_141 = tpu.vector_load %arg9[%get3A_140] {strides = array<i32>} : memref<1024xf32, #tpu.memory_space<vmem>>, vector<16xf32>,
      %get3A_142 = arith.constant 64 : index
      %get3A_143 = tpu.vector_load %arg9[%get3A_142] {strides = array<i32>} : memref<1024xf32, #tpu.memory_space<vmem>>, vector<16xf32>,
      %add3A_144 = arith.addf %get3A_141, %get3A_143 : vector<16xf32>
      %get3A_145 = arith.constant 128 : index
      %get3A_146 = tpu.vector_load %arg9[%get3A_145] {strides = array<i32>} : memref<1024xf32, #tpu.memory_space<vmem>>, vector<16xf32>,
      %add3A_147 = arith.addf %add3A_144, %get3A_146 : vector<16xf32>
      %get3A_148 = arith.constant 192 : index
      %get3A_149 = tpu.vector_load %arg9[%get3A_148] {strides = array<i32>} : memref<1024xf32, #tpu.memory_space<vmem>>, vector<16xf32>,
      %add3A_150 = arith.addf %add3A_147, %get3A_149 : vector<16xf32>
      %get3A_151 = arith.constant 256 : index
      %get3A_152 = tpu.vector_load %arg9[%get3A_151] {strides = array<i32>} : memref<1024xf32, #tpu.memory_space<vmem>>, vector<16xf32>,
      %add3A_153 = arith.addf %add3A_150, %get3A_152 : vector<16xf32>
      %get3A_154 = arith.constant 320 : index
      %get3A_155 = tpu.vector_load %arg9[%get3A_154] {strides = array<i32>} : memref<1024xf32, #tpu.memory_space<vmem>>, vector<16xf32>,
      %add3A_156 = arith.addf %add3A_153, %get3A_155 : vector<16xf32>
      %get3A_157 = arith.constant 384 : index
      %get3A_158 = tpu.vector_load %arg9[%get3A_157] {strides = array<i32>} : memref<1024xf32, #tpu.memory_space<vmem>>, vector<16xf32>,
      %add3A_159 = arith.addf %add3A_156, %get3A_158 : vector<16xf32>
      %get3A_160 = arith.constant 448 : index
      %get3A_161 = tpu.vector_load %arg9[%get3A_160] {strides = array<i32>} : memref<1024xf32, #tpu.memory_space<vmem>>, vector<16xf32>,
      %add3A_162 = arith.addf %add3A_159, %get3A_161 : vector<16xf32>
      %get3A_163 = arith.constant 512 : index
      %get3A_164 = tpu.vector_load %arg9[%get3A_163] {strides = array<i32>} : memref<1024xf32, #tpu.memory_space<vmem>>, vector<16xf32>,
      %add3A_165 = arith.addf %add3A_162, %get3A_164 : vector<16xf32>
      %get3A_166 = arith.constant 576 : index
      %get3A_167 = tpu.vector_load %arg9[%get3A_166] {strides = array<i32>} : memref<1024xf32, #tpu.memory_space<vmem>>, vector<16xf32>,
      %add3A_168 = arith.addf %add3A_165, %get3A_167 : vector<16xf32>
      %get3A_169 = arith.constant 640 : index
      %get3A_170 = tpu.vector_load %arg9[%get3A_169] {strides = array<i32>} : memref<1024xf32, #tpu.memory_space<vmem>>, vector<16xf32>,
      %add3A_171 = arith.addf %add3A_168, %get3A_170 : vector<16xf32>
      %get3A_172 = arith.constant 704 : index
      %get3A_173 = tpu.vector_load %arg9[%get3A_172] {strides = array<i32>} : memref<1024xf32, #tpu.memory_space<vmem>>, vector<16xf32>,
      %add3A_174 = arith.addf %add3A_171, %get3A_173 : vector<16xf32>
      %get3A_175 = arith.constant 768 : index
      %get3A_176 = tpu.vector_load %arg9[%get3A_175] {strides = array<i32>} : memref<1024xf32, #tpu.memory_space<vmem>>, vector<16xf32>,
      %add3A_177 = arith.addf %add3A_174, %get3A_176 : vector<16xf32>
      %get3A_178 = arith.constant 832 : index
      %get3A_179 = tpu.vector_load %arg9[%get3A_178] {strides = array<i32>} : memref<1024xf32, #tpu.memory_space<vmem>>, vector<16xf32>,
      %add3A_180 = arith.addf %add3A_177, %get3A_179 : vector<16xf32>
      %get3A_181 = arith.constant 896 : index
      %get3A_182 = tpu.vector_load %arg9[%get3A_181] {strides = array<i32>} : memref<1024xf32, #tpu.memory_space<vmem>>, vector<16xf32>,
      %add3A_183 = arith.addf %add3A_180, %get3A_182 : vector<16xf32>
      %get3A_184 = arith.constant 960 : index
      %get3A_185 = tpu.vector_load %arg9[%get3A_184] {strides = array<i32>} : memref<1024xf32, #tpu.memory_space<vmem>>, vector<16xf32>,
      %add3A_186 = arith.addf %add3A_183, %get3A_185 : vector<16xf32>
      %swap3A = arith.index_cast %add3A_110 : i32 to index
      %swap3A_187 = arith.constant 0 : index
      %swap3A_188 = tpu.vector_load %arg10[%swap3A, %swap3A_187] {strides = array<i32>} : memref<32x64xf32, #tpu.memory_space<vmem>>, vector<16xf32>,
      tpu.vector_store %arg10[%swap3A, %swap3A_187], %add3A_186 {strides = array<i32>} : memref<32x64xf32, #tpu.memory_space<vmem>>, vector<16xf32>,
      %get3A_189 = arith.constant 16 : index
      %get3A_190 = tpu.vector_load %arg9[%get3A_189] {strides = array<i32>} : memref<1024xf32, #tpu.memory_space<vmem>>, vector<16xf32>,
      %get3A_191 = arith.constant 80 : index
      %get3A_192 = tpu.vector_load %arg9[%get3A_191] {strides = array<i32>} : memref<1024xf32, #tpu.memory_space<vmem>>, vector<16xf32>,
      %add3A_193 = arith.addf %get3A_190, %get3A_192 : vector<16xf32>
      %get3A_194 = arith.constant 144 : index
      %get3A_195 = tpu.vector_load %arg9[%get3A_194] {strides = array<i32>} : memref<1024xf32, #tpu.memory_space<vmem>>, vector<16xf32>,
      %add3A_196 = arith.addf %add3A_193, %get3A_195 : vector<16xf32>
      %get3A_197 = arith.constant 208 : index
      %get3A_198 = tpu.vector_load %arg9[%get3A_197] {strides = array<i32>} : memref<1024xf32, #tpu.memory_space<vmem>>, vector<16xf32>,
      %add3A_199 = arith.addf %add3A_196, %get3A_198 : vector<16xf32>
      %get3A_200 = arith.constant 272 : index
      %get3A_201 = tpu.vector_load %arg9[%get3A_200] {strides = array<i32>} : memref<1024xf32, #tpu.memory_space<vmem>>, vector<16xf32>,
      %add3A_202 = arith.addf %add3A_199, %get3A_201 : vector<16xf32>
      %get3A_203 = arith.constant 336 : index
      %get3A_204 = tpu.vector_load %arg9[%get3A_203] {strides = array<i32>} : memref<1024xf32, #tpu.memory_space<vmem>>, vector<16xf32>,
      %add3A_205 = arith.addf %add3A_202, %get3A_204 : vector<16xf32>
      %get3A_206 = arith.constant 400 : index
      %get3A_207 = tpu.vector_load %arg9[%get3A_206] {strides = array<i32>} : memref<1024xf32, #tpu.memory_space<vmem>>, vector<16xf32>,
      %add3A_208 = arith.addf %add3A_205, %get3A_207 : vector<16xf32>
      %get3A_209 = arith.constant 464 : index
      %get3A_210 = tpu.vector_load %arg9[%get3A_209] {strides = array<i32>} : memref<1024xf32, #tpu.memory_space<vmem>>, vector<16xf32>,
      %add3A_211 = arith.addf %add3A_208, %get3A_210 : vector<16xf32>
      %get3A_212 = arith.constant 528 : index
      %get3A_213 = tpu.vector_load %arg9[%get3A_212] {strides = array<i32>} : memref<1024xf32, #tpu.memory_space<vmem>>, vector<16xf32>,
      %add3A_214 = arith.addf %add3A_211, %get3A_213 : vector<16xf32>
      %get3A_215 = arith.constant 592 : index
      %get3A_216 = tpu.vector_load %arg9[%get3A_215] {strides = array<i32>} : memref<1024xf32, #tpu.memory_space<vmem>>, vector<16xf32>,
      %add3A_217 = arith.addf %add3A_214, %get3A_216 : vector<16xf32>
      %get3A_218 = arith.constant 656 : index
      %get3A_219 = tpu.vector_load %arg9[%get3A_218] {strides = array<i32>} : memref<1024xf32, #tpu.memory_space<vmem>>, vector<16xf32>,
      %add3A_220 = arith.addf %add3A_217, %get3A_219 : vector<16xf32>
      %get3A_221 = arith.constant 720 : index
      %get3A_222 = tpu.vector_load %arg9[%get3A_221] {strides = array<i32>} : memref<1024xf32, #tpu.memory_space<vmem>>, vector<16xf32>,
      %add3A_223 = arith.addf %add3A_220, %get3A_222 : vector<16xf32>
      %get3A_224 = arith.constant 784 : index
      %get3A_225 = tpu.vector_load %arg9[%get3A_224] {strides = array<i32>} : memref<1024xf32, #tpu.memory_space<vmem>>, vector<16xf32>,
      %add3A_226 = arith.addf %add3A_223, %get3A_225 : vector<16xf32>
      %get3A_227 = arith.constant 848 : index
      %get3A_228 = tpu.vector_load %arg9[%get3A_227] {strides = array<i32>} : memref<1024xf32, #tpu.memory_space<vmem>>, vector<16xf32>,
      %add3A_229 = arith.addf %add3A_226, %get3A_228 : vector<16xf32>
      %get3A_230 = arith.constant 912 : index
      %get3A_231 = tpu.vector_load %arg9[%get3A_230] {strides = array<i32>} : memref<1024xf32, #tpu.memory_space<vmem>>, vector<16xf32>,
      %add3A_232 = arith.addf %add3A_229, %get3A_231 : vector<16xf32>
      %get3A_233 = arith.constant 976 : index
      %get3A_234 = tpu.vector_load %arg9[%get3A_233] {strides = array<i32>} : memref<1024xf32, #tpu.memory_space<vmem>>, vector<16xf32>,
      %add3A_235 = arith.addf %add3A_232, %get3A_234 : vector<16xf32>
      %swap3A_236 = arith.index_cast %add3A_110 : i32 to index
      %swap3A_237 = arith.constant 16 : index
      %swap3A_238 = tpu.vector_load %arg10[%swap3A_236, %swap3A_237] {strides = array<i32>} : memref<32x64xf32, #tpu.memory_space<vmem>>, vector<16xf32>,
      tpu.vector_store %arg10[%swap3A_236, %swap3A_237], %add3A_235 {strides = array<i32>} : memref<32x64xf32, #tpu.memory_space<vmem>>, vector<16xf32>,
      %get3A_239 = arith.constant 32 : index
      %get3A_240 = tpu.vector_load %arg9[%get3A_239] {strides = array<i32>} : memref<1024xf32, #tpu.memory_space<vmem>>, vector<16xf32>,
      %get3A_241 = arith.constant 96 : index
      %get3A_242 = tpu.vector_load %arg9[%get3A_241] {strides = array<i32>} : memref<1024xf32, #tpu.memory_space<vmem>>, vector<16xf32>,
      %add3A_243 = arith.addf %get3A_240, %get3A_242 : vector<16xf32>
      %get3A_244 = arith.constant 160 : index
      %get3A_245 = tpu.vector_load %arg9[%get3A_244] {strides = array<i32>} : memref<1024xf32, #tpu.memory_space<vmem>>, vector<16xf32>,
      %add3A_246 = arith.addf %add3A_243, %get3A_245 : vector<16xf32>
      %get3A_247 = arith.constant 224 : index
      %get3A_248 = tpu.vector_load %arg9[%get3A_247] {strides = array<i32>} : memref<1024xf32, #tpu.memory_space<vmem>>, vector<16xf32>,
      %add3A_249 = arith.addf %add3A_246, %get3A_248 : vector<16xf32>
      %get3A_250 = arith.constant 288 : index
      %get3A_251 = tpu.vector_load %arg9[%get3A_250] {strides = array<i32>} : memref<1024xf32, #tpu.memory_space<vmem>>, vector<16xf32>,
      %add3A_252 = arith.addf %add3A_249, %get3A_251 : vector<16xf32>
      %get3A_253 = arith.constant 352 : index
      %get3A_254 = tpu.vector_load %arg9[%get3A_253] {strides = array<i32>} : memref<1024xf32, #tpu.memory_space<vmem>>, vector<16xf32>,
      %add3A_255 = arith.addf %add3A_252, %get3A_254 : vector<16xf32>
      %get3A_256 = arith.constant 416 : index
      %get3A_257 = tpu.vector_load %arg9[%get3A_256] {strides = array<i32>} : memref<1024xf32, #tpu.memory_space<vmem>>, vector<16xf32>,
      %add3A_258 = arith.addf %add3A_255, %get3A_257 : vector<16xf32>
      %get3A_259 = arith.constant 480 : index
      %get3A_260 = tpu.vector_load %arg9[%get3A_259] {strides = array<i32>} : memref<1024xf32, #tpu.memory_space<vmem>>, vector<16xf32>,
      %add3A_261 = arith.addf %add3A_258, %get3A_260 : vector<16xf32>
      %get3A_262 = arith.constant 544 : index
      %get3A_263 = tpu.vector_load %arg9[%get3A_262] {strides = array<i32>} : memref<1024xf32, #tpu.memory_space<vmem>>, vector<16xf32>,
      %add3A_264 = arith.addf %add3A_261, %get3A_263 : vector<16xf32>
      %get3A_265 = arith.constant 608 : index
      %get3A_266 = tpu.vector_load %arg9[%get3A_265] {strides = array<i32>} : memref<1024xf32, #tpu.memory_space<vmem>>, vector<16xf32>,
      %add3A_267 = arith.addf %add3A_264, %get3A_266 : vector<16xf32>
      %get3A_268 = arith.constant 672 : index
      %get3A_269 = tpu.vector_load %arg9[%get3A_268] {strides = array<i32>} : memref<1024xf32, #tpu.memory_space<vmem>>, vector<16xf32>,
      %add3A_270 = arith.addf %add3A_267, %get3A_269 : vector<16xf32>
      %get3A_271 = arith.constant 736 : index
      %get3A_272 = tpu.vector_load %arg9[%get3A_271] {strides = array<i32>} : memref<1024xf32, #tpu.memory_space<vmem>>, vector<16xf32>,
      %add3A_273 = arith.addf %add3A_270, %get3A_272 : vector<16xf32>
      %get3A_274 = arith.constant 800 : index
      %get3A_275 = tpu.vector_load %arg9[%get3A_274] {strides = array<i32>} : memref<1024xf32, #tpu.memory_space<vmem>>, vector<16xf32>,
      %add3A_276 = arith.addf %add3A_273, %get3A_275 : vector<16xf32>
      %get3A_277 = arith.constant 864 : index
      %get3A_278 = tpu.vector_load %arg9[%get3A_277] {strides = array<i32>} : memref<1024xf32, #tpu.memory_space<vmem>>, vector<16xf32>,
      %add3A_279 = arith.addf %add3A_276, %get3A_278 : vector<16xf32>
      %get3A_280 = arith.constant 928 : index
      %get3A_281 = tpu.vector_load %arg9[%get3A_280] {strides = array<i32>} : memref<1024xf32, #tpu.memory_space<vmem>>, vector<16xf32>,
      %add3A_282 = arith.addf %add3A_279, %get3A_281 : vector<16xf32>
      %get3A_283 = arith.constant 992 : index
      %get3A_284 = tpu.vector_load %arg9[%get3A_283] {strides = array<i32>} : memref<1024xf32, #tpu.memory_space<vmem>>, vector<16xf32>,
      %add3A_285 = arith.addf %add3A_282, %get3A_284 : vector<16xf32>
      %swap3A_286 = arith.index_cast %add3A_110 : i32 to index
      %swap3A_287 = arith.constant 32 : index
      %swap3A_288 = tpu.vector_load %arg10[%swap3A_286, %swap3A_287] {strides = array<i32>} : memref<32x64xf32, #tpu.memory_space<vmem>>, vector<16xf32>,
      tpu.vector_store %arg10[%swap3A_286, %swap3A_287], %add3A_285 {strides = array<i32>} : memref<32x64xf32, #tpu.memory_space<vmem>>, vector<16xf32>,
      %get3A_289 = arith.constant 48 : index
      %get3A_290 = tpu.vector_load %arg9[%get3A_289] {strides = array<i32>} : memref<1024xf32, #tpu.memory_space<vmem>>, vector<16xf32>,
      %get3A_291 = arith.constant 112 : index
      %get3A_292 = tpu.vector_load %arg9[%get3A_291] {strides = array<i32>} : memref<1024xf32, #tpu.memory_space<vmem>>, vector<16xf32>,
      %add3A_293 = arith.addf %get3A_290, %get3A_292 : vector<16xf32>
      %get3A_294 = arith.constant 176 : index
      %get3A_295 = tpu.vector_load %arg9[%get3A_294] {strides = array<i32>} : memref<1024xf32, #tpu.memory_space<vmem>>, vector<16xf32>,
      %add3A_296 = arith.addf %add3A_293, %get3A_295 : vector<16xf32>
      %get3A_297 = arith.constant 240 : index
      %get3A_298 = tpu.vector_load %arg9[%get3A_297] {strides = array<i32>} : memref<1024xf32, #tpu.memory_space<vmem>>, vector<16xf32>,
      %add3A_299 = arith.addf %add3A_296, %get3A_298 : vector<16xf32>
      %get3A_300 = arith.constant 304 : index
      %get3A_301 = tpu.vector_load %arg9[%get3A_300] {strides = array<i32>} : memref<1024xf32, #tpu.memory_space<vmem>>, vector<16xf32>,
      %add3A_302 = arith.addf %add3A_299, %get3A_301 : vector<16xf32>
      %get3A_303 = arith.constant 368 : index
      %get3A_304 = tpu.vector_load %arg9[%get3A_303] {strides = array<i32>} : memref<1024xf32, #tpu.memory_space<vmem>>, vector<16xf32>,
      %add3A_305 = arith.addf %add3A_302, %get3A_304 : vector<16xf32>
      %get3A_306 = arith.constant 432 : index
      %get3A_307 = tpu.vector_load %arg9[%get3A_306] {strides = array<i32>} : memref<1024xf32, #tpu.memory_space<vmem>>, vector<16xf32>,
      %add3A_308 = arith.addf %add3A_305, %get3A_307 : vector<16xf32>
      %get3A_309 = arith.constant 496 : index
      %get3A_310 = tpu.vector_load %arg9[%get3A_309] {strides = array<i32>} : memref<1024xf32, #tpu.memory_space<vmem>>, vector<16xf32>,
      %add3A_311 = arith.addf %add3A_308, %get3A_310 : vector<16xf32>
      %get3A_312 = arith.constant 560 : index
      %get3A_313 = tpu.vector_load %arg9[%get3A_312] {strides = array<i32>} : memref<1024xf32, #tpu.memory_space<vmem>>, vector<16xf32>,
      %add3A_314 = arith.addf %add3A_311, %get3A_313 : vector<16xf32>
      %get3A_315 = arith.constant 624 : index
      %get3A_316 = tpu.vector_load %arg9[%get3A_315] {strides = array<i32>} : memref<1024xf32, #tpu.memory_space<vmem>>, vector<16xf32>,
      %add3A_317 = arith.addf %add3A_314, %get3A_316 : vector<16xf32>
      %get3A_318 = arith.constant 688 : index
      %get3A_319 = tpu.vector_load %arg9[%get3A_318] {strides = array<i32>} : memref<1024xf32, #tpu.memory_space<vmem>>, vector<16xf32>,
      %add3A_320 = arith.addf %add3A_317, %get3A_319 : vector<16xf32>
      %get3A_321 = arith.constant 752 : index
      %get3A_322 = tpu.vector_load %arg9[%get3A_321] {strides = array<i32>} : memref<1024xf32, #tpu.memory_space<vmem>>, vector<16xf32>,
      %add3A_323 = arith.addf %add3A_320, %get3A_322 : vector<16xf32>
      %get3A_324 = arith.constant 816 : index
      %get3A_325 = tpu.vector_load %arg9[%get3A_324] {strides = array<i32>} : memref<1024xf32, #tpu.memory_space<vmem>>, vector<16xf32>,
      %add3A_326 = arith.addf %add3A_323, %get3A_325 : vector<16xf32>
      %get3A_327 = arith.constant 880 : index
      %get3A_328 = tpu.vector_load %arg9[%get3A_327] {strides = array<i32>} : memref<1024xf32, #tpu.memory_space<vmem>>, vector<16xf32>,
      %add3A_329 = arith.addf %add3A_326, %get3A_328 : vector<16xf32>
      %get3A_330 = arith.constant 944 : index
      %get3A_331 = tpu.vector_load %arg9[%get3A_330] {strides = array<i32>} : memref<1024xf32, #tpu.memory_space<vmem>>, vector<16xf32>,
      %add3A_332 = arith.addf %add3A_329, %get3A_331 : vector<16xf32>
      %get3A_333 = arith.constant 1008 : index
      %get3A_334 = tpu.vector_load %arg9[%get3A_333] {strides = array<i32>} : memref<1024xf32, #tpu.memory_space<vmem>>, vector<16xf32>,
      %add3A_335 = arith.addf %add3A_332, %get3A_334 : vector<16xf32>
      %swap3A_336 = arith.index_cast %add3A_110 : i32 to index
      %swap3A_337 = arith.constant 48 : index
      %swap3A_338 = tpu.vector_load %arg10[%swap3A_336, %swap3A_337] {strides = array<i32>} : memref<32x64xf32, #tpu.memory_space<vmem>>, vector<16xf32>,
      tpu.vector_store %arg10[%swap3A_336, %swap3A_337], %add3A_335 {strides = array<i32>} : memref<32x64xf32, #tpu.memory_space<vmem>>, vector<16xf32>,
      %mul3A_339 = arith.constant 2 : i32
      %mul3A_340 = arith.muli %mul3A_339, %scan3A_106 : i32
      %add3A_341 = arith.constant 1 : i32
      %add3A_342 = arith.addi %mul3A_340, %add3A_341 : i32
      %dma_wait3A_343 = arith.constant 1 : i32
      %dma_wait3A_344 = arith.constant 0 : i32
      %dma_wait3A_345 = arith.constant 0 : i32
      %dma_wait3A_346 = tpu.memref_slice %arg7[%dma_wait3A_343, %dma_wait3A_344, %dma_wait3A_345] : memref<2x1000x32xi16, #tpu.memory_space<vmem>> -> memref<1x1000x32xi16, #tpu.memory_space<vmem>>
      %dma_wait3A_347 = tpu.memref_squeeze %dma_wait3A_346 : memref<1x1000x32xi16, #tpu.memory_space<vmem>> -> memref<1000x32xi16, #tpu.memory_space<vmem>>
      %dma_wait3A_348 = arith.constant 0 : i32
      %dma_wait3A_349 = arith.constant 0 : i32
      %dma_wait3A_350 = tpu.memref_slice %arg2[%dma_wait3A_348, %dma_wait3A_349] : memref<100000x32xi16, #tpu.memory_space<hbm>> -> memref<1000x32xi16, #tpu.memory_space<hbm>>
      %dma_wait3A_351 = arith.constant 0 : i32
      %dma_wait3A_352 = arith.constant 0 : i32
      %dma_wait3A_353 = tpu.memref_slice %arg7[%dma_wait3A_343, %dma_wait3A_351, %dma_wait3A_352] : memref<2x1000x32xi16, #tpu.memory_space<vmem>> -> memref<1x1000x32xi16, #tpu.memory_space<vmem>>
      %dma_wait3A_354 = tpu.memref_squeeze %dma_wait3A_353 : memref<1x1000x32xi16, #tpu.memory_space<vmem>> -> memref<1000x32xi16, #tpu.memory_space<vmem>>
      %dma_wait3A_355 = arith.constant 0 : i32
      %dma_wait3A_356 = arith.constant 0 : i32
      %dma_wait3A_357 = tpu.memref_slice %arg2[%dma_wait3A_355, %dma_wait3A_356] : memref<100000x32xi16, #tpu.memory_space<hbm>> -> memref<1000x32xi16, #tpu.memory_space<hbm>>
      tpu.wait_dma2 semaphore(%arg12 : memref<!tpu.dma_semaphore, #tpu.memory_space<semaphore_mem>>) src(%dma_wait3A_357 : memref<1000x32xi16, #tpu.memory_space<hbm>>) dst(%dma_wait3A_354 : memref<1000x32xi16, #tpu.memory_space<vmem>>)
      %add3A_358 = arith.constant 1 : i32
      %add3A_359 = arith.addi %add3A_342, %add3A_358 : i32
      %lt3A_360 = arith.constant 32 : i32
      %lt3A_361 = arith.cmpi slt, %add3A_359, %lt3A_360 : i32
      %convert_element_type3A_362 = arith.extui %lt3A_361 : i1 to i32
      %cond3A_363 = arith.constant 0 : i32
      %cond3A_364 = arith.cmpi ne, %convert_element_type3A_362, %cond3A_363 : i32
      scf.if %cond3A_364 {
        %add3A_577 = arith.constant 1 : i32
        %add3A_578 = arith.addi %add3A_342, %add3A_577 : i32
        %dma_start3A_579 = arith.constant 0 : i32
        %dma_start3A_580 = arith.constant 0 : i32
        %dma_start3A_581 = arith.constant 0 : i32
        %dma_start3A_582 = tpu.memref_slice %arg7[%dma_start3A_579, %dma_start3A_580, %dma_start3A_581] : memref<2x1000x32xi16, #tpu.memory_space<vmem>> -> memref<1x128x32xi16, #tpu.memory_space<vmem>>
        %dma_start3A_583 = tpu.memref_squeeze %dma_start3A_582 : memref<1x128x32xi16, #tpu.memory_space<vmem>> -> memref<128x32xi16, #tpu.memory_space<vmem>>
        %dma_start3A_584 = arith.constant 0 : i32
        %dma_start3A_585 = tpu.memref_slice %arg6[%add3A_578, %dma_start3A_584] : memref<32x1000xi32, #tpu.memory_space<vmem>> -> memref<1x128xi32, #tpu.memory_space<vmem>>
        %dma_start3A_586 = tpu.memref_squeeze %dma_start3A_585 : memref<1x128xi32, #tpu.memory_space<vmem>> -> memref<128xi32, #tpu.memory_space<vmem>>
        %dma_start3A_587 = arith.constant 0 : i32
        %dma_start3A_588 = arith.constant 0 : i32
        %dma_start3A_589 = tpu.memref_slice %arg2[%dma_start3A_587, %dma_start3A_588] : memref<100000x32xi16, #tpu.memory_space<hbm>> -> memref<100000x32xi16, #tpu.memory_space<hbm>>
        tpu.enqueue_indirect_dma source(%dma_start3A_589 : memref<100000x32xi16, #tpu.memory_space<hbm>>) target(%dma_start3A_583 : memref<128x32xi16, #tpu.memory_space<vmem>>) offsets(%dma_start3A_586 : memref<128xi32, #tpu.memory_space<vmem>>) semaphore(%arg11 : memref<!tpu.dma_semaphore, #tpu.memory_space<semaphore_mem>>)
        %dma_start3A_590 = arith.constant 0 : i32
        %dma_start3A_591 = arith.constant 128 : i32
        %dma_start3A_592 = arith.constant 0 : i32
        %dma_start3A_593 = tpu.memref_slice %arg7[%dma_start3A_590, %dma_start3A_591, %dma_start3A_592] : memref<2x1000x32xi16, #tpu.memory_space<vmem>> -> memref<1x128x32xi16, #tpu.memory_space<vmem>>
        %dma_start3A_594 = tpu.memref_squeeze %dma_start3A_593 : memref<1x128x32xi16, #tpu.memory_space<vmem>> -> memref<128x32xi16, #tpu.memory_space<vmem>>
        %dma_start3A_595 = arith.constant 128 : i32
        %dma_start3A_596 = tpu.memref_slice %arg6[%add3A_578, %dma_start3A_595] : memref<32x1000xi32, #tpu.memory_space<vmem>> -> memref<1x128xi32, #tpu.memory_space<vmem>>
        %dma_start3A_597 = tpu.memref_squeeze %dma_start3A_596 : memref<1x128xi32, #tpu.memory_space<vmem>> -> memref<128xi32, #tpu.memory_space<vmem>>
        %dma_start3A_598 = arith.constant 0 : i32
        %dma_start3A_599 = arith.constant 0 : i32
        %dma_start3A_600 = tpu.memref_slice %arg2[%dma_start3A_598, %dma_start3A_599] : memref<100000x32xi16, #tpu.memory_space<hbm>> -> memref<100000x32xi16, #tpu.memory_space<hbm>>
        tpu.enqueue_indirect_dma source(%dma_start3A_600 : memref<100000x32xi16, #tpu.memory_space<hbm>>) target(%dma_start3A_594 : memref<128x32xi16, #tpu.memory_space<vmem>>) offsets(%dma_start3A_597 : memref<128xi32, #tpu.memory_space<vmem>>) semaphore(%arg11 : memref<!tpu.dma_semaphore, #tpu.memory_space<semaphore_mem>>)
        %dma_start3A_601 = arith.constant 0 : i32
        %dma_start3A_602 = arith.constant 256 : i32
        %dma_start3A_603 = arith.constant 0 : i32
        %dma_start3A_604 = tpu.memref_slice %arg7[%dma_start3A_601, %dma_start3A_602, %dma_start3A_603] : memref<2x1000x32xi16, #tpu.memory_space<vmem>> -> memref<1x128x32xi16, #tpu.memory_space<vmem>>
        %dma_start3A_605 = tpu.memref_squeeze %dma_start3A_604 : memref<1x128x32xi16, #tpu.memory_space<vmem>> -> memref<128x32xi16, #tpu.memory_space<vmem>>
        %dma_start3A_606 = arith.constant 256 : i32
        %dma_start3A_607 = tpu.memref_slice %arg6[%add3A_578, %dma_start3A_606] : memref<32x1000xi32, #tpu.memory_space<vmem>> -> memref<1x128xi32, #tpu.memory_space<vmem>>
        %dma_start3A_608 = tpu.memref_squeeze %dma_start3A_607 : memref<1x128xi32, #tpu.memory_space<vmem>> -> memref<128xi32, #tpu.memory_space<vmem>>
        %dma_start3A_609 = arith.constant 0 : i32
        %dma_start3A_610 = arith.constant 0 : i32
        %dma_start3A_611 = tpu.memref_slice %arg2[%dma_start3A_609, %dma_start3A_610] : memref<100000x32xi16, #tpu.memory_space<hbm>> -> memref<100000x32xi16, #tpu.memory_space<hbm>>
        tpu.enqueue_indirect_dma source(%dma_start3A_611 : memref<100000x32xi16, #tpu.memory_space<hbm>>) target(%dma_start3A_605 : memref<128x32xi16, #tpu.memory_space<vmem>>) offsets(%dma_start3A_608 : memref<128xi32, #tpu.memory_space<vmem>>) semaphore(%arg11 : memref<!tpu.dma_semaphore, #tpu.memory_space<semaphore_mem>>)
        %dma_start3A_612 = arith.constant 0 : i32
        %dma_start3A_613 = arith.constant 384 : i32
        %dma_start3A_614 = arith.constant 0 : i32
        %dma_start3A_615 = tpu.memref_slice %arg7[%dma_start3A_612, %dma_start3A_613, %dma_start3A_614] : memref<2x1000x32xi16, #tpu.memory_space<vmem>> -> memref<1x128x32xi16, #tpu.memory_space<vmem>>
        %dma_start3A_616 = tpu.memref_squeeze %dma_start3A_615 : memref<1x128x32xi16, #tpu.memory_space<vmem>> -> memref<128x32xi16, #tpu.memory_space<vmem>>
        %dma_start3A_617 = arith.constant 384 : i32
        %dma_start3A_618 = tpu.memref_slice %arg6[%add3A_578, %dma_start3A_617] : memref<32x1000xi32, #tpu.memory_space<vmem>> -> memref<1x128xi32, #tpu.memory_space<vmem>>
        %dma_start3A_619 = tpu.memref_squeeze %dma_start3A_618 : memref<1x128xi32, #tpu.memory_space<vmem>> -> memref<128xi32, #tpu.memory_space<vmem>>
        %dma_start3A_620 = arith.constant 0 : i32
        %dma_start3A_621 = arith.constant 0 : i32
        %dma_start3A_622 = tpu.memref_slice %arg2[%dma_start3A_620, %dma_start3A_621] : memref<100000x32xi16, #tpu.memory_space<hbm>> -> memref<100000x32xi16, #tpu.memory_space<hbm>>
        tpu.enqueue_indirect_dma source(%dma_start3A_622 : memref<100000x32xi16, #tpu.memory_space<hbm>>) target(%dma_start3A_616 : memref<128x32xi16, #tpu.memory_space<vmem>>) offsets(%dma_start3A_619 : memref<128xi32, #tpu.memory_space<vmem>>) semaphore(%arg11 : memref<!tpu.dma_semaphore, #tpu.memory_space<semaphore_mem>>)
        %dma_start3A_623 = arith.constant 0 : i32
        %dma_start3A_624 = arith.constant 512 : i32
        %dma_start3A_625 = arith.constant 0 : i32
        %dma_start3A_626 = tpu.memref_slice %arg7[%dma_start3A_623, %dma_start3A_624, %dma_start3A_625] : memref<2x1000x32xi16, #tpu.memory_space<vmem>> -> memref<1x128x32xi16, #tpu.memory_space<vmem>>
        %dma_start3A_627 = tpu.memref_squeeze %dma_start3A_626 : memref<1x128x32xi16, #tpu.memory_space<vmem>> -> memref<128x32xi16, #tpu.memory_space<vmem>>
        %dma_start3A_628 = arith.constant 512 : i32
        %dma_start3A_629 = tpu.memref_slice %arg6[%add3A_578, %dma_start3A_628] : memref<32x1000xi32, #tpu.memory_space<vmem>> -> memref<1x128xi32, #tpu.memory_space<vmem>>
        %dma_start3A_630 = tpu.memref_squeeze %dma_start3A_629 : memref<1x128xi32, #tpu.memory_space<vmem>> -> memref<128xi32, #tpu.memory_space<vmem>>
        %dma_start3A_631 = arith.constant 0 : i32
        %dma_start3A_632 = arith.constant 0 : i32
        %dma_start3A_633 = tpu.memref_slice %arg2[%dma_start3A_631, %dma_start3A_632] : memref<100000x32xi16, #tpu.memory_space<hbm>> -> memref<100000x32xi16, #tpu.memory_space<hbm>>
        tpu.enqueue_indirect_dma source(%dma_start3A_633 : memref<100000x32xi16, #tpu.memory_space<hbm>>) target(%dma_start3A_627 : memref<128x32xi16, #tpu.memory_space<vmem>>) offsets(%dma_start3A_630 : memref<128xi32, #tpu.memory_space<vmem>>) semaphore(%arg11 : memref<!tpu.dma_semaphore, #tpu.memory_space<semaphore_mem>>)
        %dma_start3A_634 = arith.constant 0 : i32
        %dma_start3A_635 = arith.constant 640 : i32
        %dma_start3A_636 = arith.constant 0 : i32
        %dma_start3A_637 = tpu.memref_slice %arg7[%dma_start3A_634, %dma_start3A_635, %dma_start3A_636] : memref<2x1000x32xi16, #tpu.memory_space<vmem>> -> memref<1x128x32xi16, #tpu.memory_space<vmem>>
        %dma_start3A_638 = tpu.memref_squeeze %dma_start3A_637 : memref<1x128x32xi16, #tpu.memory_space<vmem>> -> memref<128x32xi16, #tpu.memory_space<vmem>>
        %dma_start3A_639 = arith.constant 640 : i32
        %dma_start3A_640 = tpu.memref_slice %arg6[%add3A_578, %dma_start3A_639] : memref<32x1000xi32, #tpu.memory_space<vmem>> -> memref<1x128xi32, #tpu.memory_space<vmem>>
        %dma_start3A_641 = tpu.memref_squeeze %dma_start3A_640 : memref<1x128xi32, #tpu.memory_space<vmem>> -> memref<128xi32, #tpu.memory_space<vmem>>
        %dma_start3A_642 = arith.constant 0 : i32
        %dma_start3A_643 = arith.constant 0 : i32
        %dma_start3A_644 = tpu.memref_slice %arg2[%dma_start3A_642, %dma_start3A_643] : memref<100000x32xi16, #tpu.memory_space<hbm>> -> memref<100000x32xi16, #tpu.memory_space<hbm>>
        tpu.enqueue_indirect_dma source(%dma_start3A_644 : memref<100000x32xi16, #tpu.memory_space<hbm>>) target(%dma_start3A_638 : memref<128x32xi16, #tpu.memory_space<vmem>>) offsets(%dma_start3A_641 : memref<128xi32, #tpu.memory_space<vmem>>) semaphore(%arg11 : memref<!tpu.dma_semaphore, #tpu.memory_space<semaphore_mem>>)
        %dma_start3A_645 = arith.constant 0 : i32
        %dma_start3A_646 = arith.constant 768 : i32
        %dma_start3A_647 = arith.constant 0 : i32
        %dma_start3A_648 = tpu.memref_slice %arg7[%dma_start3A_645, %dma_start3A_646, %dma_start3A_647] : memref<2x1000x32xi16, #tpu.memory_space<vmem>> -> memref<1x128x32xi16, #tpu.memory_space<vmem>>
        %dma_start3A_649 = tpu.memref_squeeze %dma_start3A_648 : memref<1x128x32xi16, #tpu.memory_space<vmem>> -> memref<128x32xi16, #tpu.memory_space<vmem>>
        %dma_start3A_650 = arith.constant 768 : i32
        %dma_start3A_651 = tpu.memref_slice %arg6[%add3A_578, %dma_start3A_650] : memref<32x1000xi32, #tpu.memory_space<vmem>> -> memref<1x128xi32, #tpu.memory_space<vmem>>
        %dma_start3A_652 = tpu.memref_squeeze %dma_start3A_651 : memref<1x128xi32, #tpu.memory_space<vmem>> -> memref<128xi32, #tpu.memory_space<vmem>>
        %dma_start3A_653 = arith.constant 0 : i32
        %dma_start3A_654 = arith.constant 0 : i32
        %dma_start3A_655 = tpu.memref_slice %arg2[%dma_start3A_653, %dma_start3A_654] : memref<100000x32xi16, #tpu.memory_space<hbm>> -> memref<100000x32xi16, #tpu.memory_space<hbm>>
        tpu.enqueue_indirect_dma source(%dma_start3A_655 : memref<100000x32xi16, #tpu.memory_space<hbm>>) target(%dma_start3A_649 : memref<128x32xi16, #tpu.memory_space<vmem>>) offsets(%dma_start3A_652 : memref<128xi32, #tpu.memory_space<vmem>>) semaphore(%arg11 : memref<!tpu.dma_semaphore, #tpu.memory_space<semaphore_mem>>)
        %dma_start3A_656 = arith.constant 0 : i32
        %dma_start3A_657 = arith.constant 896 : i32
        %dma_start3A_658 = arith.constant 0 : i32
        %dma_start3A_659 = tpu.memref_slice %arg7[%dma_start3A_656, %dma_start3A_657, %dma_start3A_658] : memref<2x1000x32xi16, #tpu.memory_space<vmem>> -> memref<1x104x32xi16, #tpu.memory_space<vmem>>
        %dma_start3A_660 = tpu.memref_squeeze %dma_start3A_659 : memref<1x104x32xi16, #tpu.memory_space<vmem>> -> memref<104x32xi16, #tpu.memory_space<vmem>>
        %dma_start3A_661 = arith.constant 896 : i32
        %dma_start3A_662 = tpu.memref_slice %arg6[%add3A_578, %dma_start3A_661] : memref<32x1000xi32, #tpu.memory_space<vmem>> -> memref<1x104xi32, #tpu.memory_space<vmem>>
        %dma_start3A_663 = tpu.memref_squeeze %dma_start3A_662 : memref<1x104xi32, #tpu.memory_space<vmem>> -> memref<104xi32, #tpu.memory_space<vmem>>
        %dma_start3A_664 = arith.constant 0 : i32
        %dma_start3A_665 = arith.constant 0 : i32
        %dma_start3A_666 = tpu.memref_slice %arg2[%dma_start3A_664, %dma_start3A_665] : memref<100000x32xi16, #tpu.memory_space<hbm>> -> memref<100000x32xi16, #tpu.memory_space<hbm>>
        tpu.enqueue_indirect_dma source(%dma_start3A_666 : memref<100000x32xi16, #tpu.memory_space<hbm>>) target(%dma_start3A_660 : memref<104x32xi16, #tpu.memory_space<vmem>>) offsets(%dma_start3A_663 : memref<104xi32, #tpu.memory_space<vmem>>) semaphore(%arg11 : memref<!tpu.dma_semaphore, #tpu.memory_space<semaphore_mem>>)
      } else {
      }
      %get3A_365 = arith.index_cast %add3A_342 : i32 to index
      %get3A_366 = arith.constant 0 : index
      %get3A_367 = tpu.vector_load %arg8[%get3A_365, %get3A_366] {strides = array<i32>} : memref<32x32xf32, #tpu.memory_space<vmem>>, vector<16xf32>,
      %get3A_368 = arith.index_cast %add3A_342 : i32 to index
      %get3A_369 = arith.constant 16 : index
      %get3A_370 = tpu.vector_load %arg8[%get3A_368, %get3A_369] {strides = array<i32>} : memref<32x32xf32, #tpu.memory_space<vmem>>, vector<16xf32>,
      %scan3A_371 = arith.constant 0 : i32
      %scan3A_372 = arith.constant 0 : i32
      %scan3A_373 = arith.constant 25 : i32
      %scan3A_374 = arith.addi %scan3A_372, %scan3A_373 : i32
      %scan3A_375 = arith.constant 1 : i32
      scf.for %scan3A_577 = %scan3A_372 to %scan3A_374 step %scan3A_375  : i32 {
        %mul3A_578 = arith.constant 2 : i32
        %mul3A_579 = arith.muli %mul3A_578, %scan3A_577 : i32
        %mul3A_580 = arith.constant 20 : i32
        %mul3A_581 = arith.muli %mul3A_579, %mul3A_580 : i32
        %add3A_582 = arith.constant 0 : i32
        %add3A_583 = arith.addi %mul3A_581, %add3A_582 : i32
        %get3A_584 = arith.constant 1 : i32
        %get3A_585 = arith.index_cast %get3A_584 : i32 to index
        %get3A_586 = arith.index_cast %add3A_583 : i32 to index
        %get3A_587 = arith.constant 0 : index
        %get3A_588 = tpu.vector_load %arg7[%get3A_585, %get3A_586, %get3A_587] {strides = array<i32>} : memref<2x1000x32xi16, #tpu.memory_space<vmem>>, vector<32xi16>,
        %bitcast3A = vector.bitcast %get3A_588 : vector<32xi16> to vector<16xi32>
        %shift_left3A = arith.constant 16 : i32
        %shift_left3A_589 = vector.broadcast %shift_left3A : i32 to vector<16xi32>
        %shift_left3A_590 = arith.shli %bitcast3A, %shift_left3A_589 : vector<16xi32>
        %shift_right_arithmetic3A = arith.constant 16 : i32
        %shift_right_arithmetic3A_591 = vector.broadcast %shift_right_arithmetic3A : i32 to vector<16xi32>
        %shift_right_arithmetic3A_592 = arith.shrsi %shift_left3A_590, %shift_right_arithmetic3A_591 : vector<16xi32>
        %shift_right_arithmetic3A_593 = arith.constant 16 : i32
        %shift_right_arithmetic3A_594 = vector.broadcast %shift_right_arithmetic3A_593 : i32 to vector<16xi32>
        %shift_right_arithmetic3A_595 = arith.shrsi %bitcast3A, %shift_right_arithmetic3A_594 : vector<16xi32>
        %add3A_596 = arith.constant 1 : i32
        %add3A_597 = arith.addi %mul3A_581, %add3A_596 : i32
        %get3A_598 = arith.constant 1 : i32
        %get3A_599 = arith.index_cast %get3A_598 : i32 to index
        %get3A_600 = arith.index_cast %add3A_597 : i32 to index
        %get3A_601 = arith.constant 0 : index
        %get3A_602 = tpu.vector_load %arg7[%get3A_599, %get3A_600, %get3A_601] {strides = array<i32>} : memref<2x1000x32xi16, #tpu.memory_space<vmem>>, vector<32xi16>,
        %bitcast3A_603 = vector.bitcast %get3A_602 : vector<32xi16> to vector<16xi32>
        %shift_left3A_604 = arith.constant 16 : i32
        %shift_left3A_605 = vector.broadcast %shift_left3A_604 : i32 to vector<16xi32>
        %shift_left3A_606 = arith.shli %bitcast3A_603, %shift_left3A_605 : vector<16xi32>
        %shift_right_arithmetic3A_607 = arith.constant 16 : i32
        %shift_right_arithmetic3A_608 = vector.broadcast %shift_right_arithmetic3A_607 : i32 to vector<16xi32>
        %shift_right_arithmetic3A_609 = arith.shrsi %shift_left3A_606, %shift_right_arithmetic3A_608 : vector<16xi32>
        %shift_right_arithmetic3A_610 = arith.constant 16 : i32
        %shift_right_arithmetic3A_611 = vector.broadcast %shift_right_arithmetic3A_610 : i32 to vector<16xi32>
        %shift_right_arithmetic3A_612 = arith.shrsi %bitcast3A_603, %shift_right_arithmetic3A_611 : vector<16xi32>
        %add3A_613 = arith.constant 2 : i32
        %add3A_614 = arith.addi %mul3A_581, %add3A_613 : i32
        %get3A_615 = arith.constant 1 : i32
        %get3A_616 = arith.index_cast %get3A_615 : i32 to index
        %get3A_617 = arith.index_cast %add3A_614 : i32 to index
        %get3A_618 = arith.constant 0 : index
        %get3A_619 = tpu.vector_load %arg7[%get3A_616, %get3A_617, %get3A_618] {strides = array<i32>} : memref<2x1000x32xi16, #tpu.memory_space<vmem>>, vector<32xi16>,
        %bitcast3A_620 = vector.bitcast %get3A_619 : vector<32xi16> to vector<16xi32>
        %shift_left3A_621 = arith.constant 16 : i32
        %shift_left3A_622 = vector.broadcast %shift_left3A_621 : i32 to vector<16xi32>
        %shift_left3A_623 = arith.shli %bitcast3A_620, %shift_left3A_622 : vector<16xi32>
        %shift_right_arithmetic3A_624 = arith.constant 16 : i32
        %shift_right_arithmetic3A_625 = vector.broadcast %shift_right_arithmetic3A_624 : i32 to vector<16xi32>
        %shift_right_arithmetic3A_626 = arith.shrsi %shift_left3A_623, %shift_right_arithmetic3A_625 : vector<16xi32>
        %shift_right_arithmetic3A_627 = arith.constant 16 : i32
        %shift_right_arithmetic3A_628 = vector.broadcast %shift_right_arithmetic3A_627 : i32 to vector<16xi32>
        %shift_right_arithmetic3A_629 = arith.shrsi %bitcast3A_620, %shift_right_arithmetic3A_628 : vector<16xi32>
        %add3A_630 = arith.addi %shift_right_arithmetic3A_592, %shift_right_arithmetic3A_626 : vector<16xi32>
        %add3A_631 = arith.addi %shift_right_arithmetic3A_595, %shift_right_arithmetic3A_629 : vector<16xi32>
        %add3A_632 = arith.constant 3 : i32
        %add3A_633 = arith.addi %mul3A_581, %add3A_632 : i32
        %get3A_634 = arith.constant 1 : i32
        %get3A_635 = arith.index_cast %get3A_634 : i32 to index
        %get3A_636 = arith.index_cast %add3A_633 : i32 to index
        %get3A_637 = arith.constant 0 : index
        %get3A_638 = tpu.vector_load %arg7[%get3A_635, %get3A_636, %get3A_637] {strides = array<i32>} : memref<2x1000x32xi16, #tpu.memory_space<vmem>>, vector<32xi16>,
        %bitcast3A_639 = vector.bitcast %get3A_638 : vector<32xi16> to vector<16xi32>
        %shift_left3A_640 = arith.constant 16 : i32
        %shift_left3A_641 = vector.broadcast %shift_left3A_640 : i32 to vector<16xi32>
        %shift_left3A_642 = arith.shli %bitcast3A_639, %shift_left3A_641 : vector<16xi32>
        %shift_right_arithmetic3A_643 = arith.constant 16 : i32
        %shift_right_arithmetic3A_644 = vector.broadcast %shift_right_arithmetic3A_643 : i32 to vector<16xi32>
        %shift_right_arithmetic3A_645 = arith.shrsi %shift_left3A_642, %shift_right_arithmetic3A_644 : vector<16xi32>
        %shift_right_arithmetic3A_646 = arith.constant 16 : i32
        %shift_right_arithmetic3A_647 = vector.broadcast %shift_right_arithmetic3A_646 : i32 to vector<16xi32>
        %shift_right_arithmetic3A_648 = arith.shrsi %bitcast3A_639, %shift_right_arithmetic3A_647 : vector<16xi32>
        %add3A_649 = arith.addi %shift_right_arithmetic3A_609, %shift_right_arithmetic3A_645 : vector<16xi32>
        %add3A_650 = arith.addi %shift_right_arithmetic3A_612, %shift_right_arithmetic3A_648 : vector<16xi32>
        %add3A_651 = arith.constant 4 : i32
        %add3A_652 = arith.addi %mul3A_581, %add3A_651 : i32
        %get3A_653 = arith.constant 1 : i32
        %get3A_654 = arith.index_cast %get3A_653 : i32 to index
        %get3A_655 = arith.index_cast %add3A_652 : i32 to index
        %get3A_656 = arith.constant 0 : index
        %get3A_657 = tpu.vector_load %arg7[%get3A_654, %get3A_655, %get3A_656] {strides = array<i32>} : memref<2x1000x32xi16, #tpu.memory_space<vmem>>, vector<32xi16>,
        %bitcast3A_658 = vector.bitcast %get3A_657 : vector<32xi16> to vector<16xi32>
        %shift_left3A_659 = arith.constant 16 : i32
        %shift_left3A_660 = vector.broadcast %shift_left3A_659 : i32 to vector<16xi32>
        %shift_left3A_661 = arith.shli %bitcast3A_658, %shift_left3A_660 : vector<16xi32>
        %shift_right_arithmetic3A_662 = arith.constant 16 : i32
        %shift_right_arithmetic3A_663 = vector.broadcast %shift_right_arithmetic3A_662 : i32 to vector<16xi32>
        %shift_right_arithmetic3A_664 = arith.shrsi %shift_left3A_661, %shift_right_arithmetic3A_663 : vector<16xi32>
        %shift_right_arithmetic3A_665 = arith.constant 16 : i32
        %shift_right_arithmetic3A_666 = vector.broadcast %shift_right_arithmetic3A_665 : i32 to vector<16xi32>
        %shift_right_arithmetic3A_667 = arith.shrsi %bitcast3A_658, %shift_right_arithmetic3A_666 : vector<16xi32>
        %add3A_668 = arith.addi %add3A_630, %shift_right_arithmetic3A_664 : vector<16xi32>
        %add3A_669 = arith.addi %add3A_631, %shift_right_arithmetic3A_667 : vector<16xi32>
        %add3A_670 = arith.constant 5 : i32
        %add3A_671 = arith.addi %mul3A_581, %add3A_670 : i32
        %get3A_672 = arith.constant 1 : i32
        %get3A_673 = arith.index_cast %get3A_672 : i32 to index
        %get3A_674 = arith.index_cast %add3A_671 : i32 to index
        %get3A_675 = arith.constant 0 : index
        %get3A_676 = tpu.vector_load %arg7[%get3A_673, %get3A_674, %get3A_675] {strides = array<i32>} : memref<2x1000x32xi16, #tpu.memory_space<vmem>>, vector<32xi16>,
        %bitcast3A_677 = vector.bitcast %get3A_676 : vector<32xi16> to vector<16xi32>
        %shift_left3A_678 = arith.constant 16 : i32
        %shift_left3A_679 = vector.broadcast %shift_left3A_678 : i32 to vector<16xi32>
        %shift_left3A_680 = arith.shli %bitcast3A_677, %shift_left3A_679 : vector<16xi32>
        %shift_right_arithmetic3A_681 = arith.constant 16 : i32
        %shift_right_arithmetic3A_682 = vector.broadcast %shift_right_arithmetic3A_681 : i32 to vector<16xi32>
        %shift_right_arithmetic3A_683 = arith.shrsi %shift_left3A_680, %shift_right_arithmetic3A_682 : vector<16xi32>
        %shift_right_arithmetic3A_684 = arith.constant 16 : i32
        %shift_right_arithmetic3A_685 = vector.broadcast %shift_right_arithmetic3A_684 : i32 to vector<16xi32>
        %shift_right_arithmetic3A_686 = arith.shrsi %bitcast3A_677, %shift_right_arithmetic3A_685 : vector<16xi32>
        %add3A_687 = arith.addi %add3A_649, %shift_right_arithmetic3A_683 : vector<16xi32>
        %add3A_688 = arith.addi %add3A_650, %shift_right_arithmetic3A_686 : vector<16xi32>
        %add3A_689 = arith.constant 6 : i32
        %add3A_690 = arith.addi %mul3A_581, %add3A_689 : i32
        %get3A_691 = arith.constant 1 : i32
        %get3A_692 = arith.index_cast %get3A_691 : i32 to index
        %get3A_693 = arith.index_cast %add3A_690 : i32 to index
        %get3A_694 = arith.constant 0 : index
        %get3A_695 = tpu.vector_load %arg7[%get3A_692, %get3A_693, %get3A_694] {strides = array<i32>} : memref<2x1000x32xi16, #tpu.memory_space<vmem>>, vector<32xi16>,
        %bitcast3A_696 = vector.bitcast %get3A_695 : vector<32xi16> to vector<16xi32>
        %shift_left3A_697 = arith.constant 16 : i32
        %shift_left3A_698 = vector.broadcast %shift_left3A_697 : i32 to vector<16xi32>
        %shift_left3A_699 = arith.shli %bitcast3A_696, %shift_left3A_698 : vector<16xi32>
        %shift_right_arithmetic3A_700 = arith.constant 16 : i32
        %shift_right_arithmetic3A_701 = vector.broadcast %shift_right_arithmetic3A_700 : i32 to vector<16xi32>
        %shift_right_arithmetic3A_702 = arith.shrsi %shift_left3A_699, %shift_right_arithmetic3A_701 : vector<16xi32>
        %shift_right_arithmetic3A_703 = arith.constant 16 : i32
        %shift_right_arithmetic3A_704 = vector.broadcast %shift_right_arithmetic3A_703 : i32 to vector<16xi32>
        %shift_right_arithmetic3A_705 = arith.shrsi %bitcast3A_696, %shift_right_arithmetic3A_704 : vector<16xi32>
        %add3A_706 = arith.addi %add3A_668, %shift_right_arithmetic3A_702 : vector<16xi32>
        %add3A_707 = arith.addi %add3A_669, %shift_right_arithmetic3A_705 : vector<16xi32>
        %add3A_708 = arith.constant 7 : i32
        %add3A_709 = arith.addi %mul3A_581, %add3A_708 : i32
        %get3A_710 = arith.constant 1 : i32
        %get3A_711 = arith.index_cast %get3A_710 : i32 to index
        %get3A_712 = arith.index_cast %add3A_709 : i32 to index
        %get3A_713 = arith.constant 0 : index
        %get3A_714 = tpu.vector_load %arg7[%get3A_711, %get3A_712, %get3A_713] {strides = array<i32>} : memref<2x1000x32xi16, #tpu.memory_space<vmem>>, vector<32xi16>,
        %bitcast3A_715 = vector.bitcast %get3A_714 : vector<32xi16> to vector<16xi32>
        %shift_left3A_716 = arith.constant 16 : i32
        %shift_left3A_717 = vector.broadcast %shift_left3A_716 : i32 to vector<16xi32>
        %shift_left3A_718 = arith.shli %bitcast3A_715, %shift_left3A_717 : vector<16xi32>
        %shift_right_arithmetic3A_719 = arith.constant 16 : i32
        %shift_right_arithmetic3A_720 = vector.broadcast %shift_right_arithmetic3A_719 : i32 to vector<16xi32>
        %shift_right_arithmetic3A_721 = arith.shrsi %shift_left3A_718, %shift_right_arithmetic3A_720 : vector<16xi32>
        %shift_right_arithmetic3A_722 = arith.constant 16 : i32
        %shift_right_arithmetic3A_723 = vector.broadcast %shift_right_arithmetic3A_722 : i32 to vector<16xi32>
        %shift_right_arithmetic3A_724 = arith.shrsi %bitcast3A_715, %shift_right_arithmetic3A_723 : vector<16xi32>
        %add3A_725 = arith.addi %add3A_687, %shift_right_arithmetic3A_721 : vector<16xi32>
        %add3A_726 = arith.addi %add3A_688, %shift_right_arithmetic3A_724 : vector<16xi32>
        %add3A_727 = arith.constant 8 : i32
        %add3A_728 = arith.addi %mul3A_581, %add3A_727 : i32
        %get3A_729 = arith.constant 1 : i32
        %get3A_730 = arith.index_cast %get3A_729 : i32 to index
        %get3A_731 = arith.index_cast %add3A_728 : i32 to index
        %get3A_732 = arith.constant 0 : index
        %get3A_733 = tpu.vector_load %arg7[%get3A_730, %get3A_731, %get3A_732] {strides = array<i32>} : memref<2x1000x32xi16, #tpu.memory_space<vmem>>, vector<32xi16>,
        %bitcast3A_734 = vector.bitcast %get3A_733 : vector<32xi16> to vector<16xi32>
        %shift_left3A_735 = arith.constant 16 : i32
        %shift_left3A_736 = vector.broadcast %shift_left3A_735 : i32 to vector<16xi32>
        %shift_left3A_737 = arith.shli %bitcast3A_734, %shift_left3A_736 : vector<16xi32>
        %shift_right_arithmetic3A_738 = arith.constant 16 : i32
        %shift_right_arithmetic3A_739 = vector.broadcast %shift_right_arithmetic3A_738 : i32 to vector<16xi32>
        %shift_right_arithmetic3A_740 = arith.shrsi %shift_left3A_737, %shift_right_arithmetic3A_739 : vector<16xi32>
        %shift_right_arithmetic3A_741 = arith.constant 16 : i32
        %shift_right_arithmetic3A_742 = vector.broadcast %shift_right_arithmetic3A_741 : i32 to vector<16xi32>
        %shift_right_arithmetic3A_743 = arith.shrsi %bitcast3A_734, %shift_right_arithmetic3A_742 : vector<16xi32>
        %add3A_744 = arith.addi %add3A_706, %shift_right_arithmetic3A_740 : vector<16xi32>
        %add3A_745 = arith.addi %add3A_707, %shift_right_arithmetic3A_743 : vector<16xi32>
        %add3A_746 = arith.constant 9 : i32
        %add3A_747 = arith.addi %mul3A_581, %add3A_746 : i32
        %get3A_748 = arith.constant 1 : i32
        %get3A_749 = arith.index_cast %get3A_748 : i32 to index
        %get3A_750 = arith.index_cast %add3A_747 : i32 to index
        %get3A_751 = arith.constant 0 : index
        %get3A_752 = tpu.vector_load %arg7[%get3A_749, %get3A_750, %get3A_751] {strides = array<i32>} : memref<2x1000x32xi16, #tpu.memory_space<vmem>>, vector<32xi16>,
        %bitcast3A_753 = vector.bitcast %get3A_752 : vector<32xi16> to vector<16xi32>
        %shift_left3A_754 = arith.constant 16 : i32
        %shift_left3A_755 = vector.broadcast %shift_left3A_754 : i32 to vector<16xi32>
        %shift_left3A_756 = arith.shli %bitcast3A_753, %shift_left3A_755 : vector<16xi32>
        %shift_right_arithmetic3A_757 = arith.constant 16 : i32
        %shift_right_arithmetic3A_758 = vector.broadcast %shift_right_arithmetic3A_757 : i32 to vector<16xi32>
        %shift_right_arithmetic3A_759 = arith.shrsi %shift_left3A_756, %shift_right_arithmetic3A_758 : vector<16xi32>
        %shift_right_arithmetic3A_760 = arith.constant 16 : i32
        %shift_right_arithmetic3A_761 = vector.broadcast %shift_right_arithmetic3A_760 : i32 to vector<16xi32>
        %shift_right_arithmetic3A_762 = arith.shrsi %bitcast3A_753, %shift_right_arithmetic3A_761 : vector<16xi32>
        %add3A_763 = arith.addi %add3A_725, %shift_right_arithmetic3A_759 : vector<16xi32>
        %add3A_764 = arith.addi %add3A_726, %shift_right_arithmetic3A_762 : vector<16xi32>
        %add3A_765 = arith.constant 10 : i32
        %add3A_766 = arith.addi %mul3A_581, %add3A_765 : i32
        %get3A_767 = arith.constant 1 : i32
        %get3A_768 = arith.index_cast %get3A_767 : i32 to index
        %get3A_769 = arith.index_cast %add3A_766 : i32 to index
        %get3A_770 = arith.constant 0 : index
        %get3A_771 = tpu.vector_load %arg7[%get3A_768, %get3A_769, %get3A_770] {strides = array<i32>} : memref<2x1000x32xi16, #tpu.memory_space<vmem>>, vector<32xi16>,
        %bitcast3A_772 = vector.bitcast %get3A_771 : vector<32xi16> to vector<16xi32>
        %shift_left3A_773 = arith.constant 16 : i32
        %shift_left3A_774 = vector.broadcast %shift_left3A_773 : i32 to vector<16xi32>
        %shift_left3A_775 = arith.shli %bitcast3A_772, %shift_left3A_774 : vector<16xi32>
        %shift_right_arithmetic3A_776 = arith.constant 16 : i32
        %shift_right_arithmetic3A_777 = vector.broadcast %shift_right_arithmetic3A_776 : i32 to vector<16xi32>
        %shift_right_arithmetic3A_778 = arith.shrsi %shift_left3A_775, %shift_right_arithmetic3A_777 : vector<16xi32>
        %shift_right_arithmetic3A_779 = arith.constant 16 : i32
        %shift_right_arithmetic3A_780 = vector.broadcast %shift_right_arithmetic3A_779 : i32 to vector<16xi32>
        %shift_right_arithmetic3A_781 = arith.shrsi %bitcast3A_772, %shift_right_arithmetic3A_780 : vector<16xi32>
        %add3A_782 = arith.addi %add3A_744, %shift_right_arithmetic3A_778 : vector<16xi32>
        %add3A_783 = arith.addi %add3A_745, %shift_right_arithmetic3A_781 : vector<16xi32>
        %add3A_784 = arith.constant 11 : i32
        %add3A_785 = arith.addi %mul3A_581, %add3A_784 : i32
        %get3A_786 = arith.constant 1 : i32
        %get3A_787 = arith.index_cast %get3A_786 : i32 to index
        %get3A_788 = arith.index_cast %add3A_785 : i32 to index
        %get3A_789 = arith.constant 0 : index
        %get3A_790 = tpu.vector_load %arg7[%get3A_787, %get3A_788, %get3A_789] {strides = array<i32>} : memref<2x1000x32xi16, #tpu.memory_space<vmem>>, vector<32xi16>,
        %bitcast3A_791 = vector.bitcast %get3A_790 : vector<32xi16> to vector<16xi32>
        %shift_left3A_792 = arith.constant 16 : i32
        %shift_left3A_793 = vector.broadcast %shift_left3A_792 : i32 to vector<16xi32>
        %shift_left3A_794 = arith.shli %bitcast3A_791, %shift_left3A_793 : vector<16xi32>
        %shift_right_arithmetic3A_795 = arith.constant 16 : i32
        %shift_right_arithmetic3A_796 = vector.broadcast %shift_right_arithmetic3A_795 : i32 to vector<16xi32>
        %shift_right_arithmetic3A_797 = arith.shrsi %shift_left3A_794, %shift_right_arithmetic3A_796 : vector<16xi32>
        %shift_right_arithmetic3A_798 = arith.constant 16 : i32
        %shift_right_arithmetic3A_799 = vector.broadcast %shift_right_arithmetic3A_798 : i32 to vector<16xi32>
        %shift_right_arithmetic3A_800 = arith.shrsi %bitcast3A_791, %shift_right_arithmetic3A_799 : vector<16xi32>
        %add3A_801 = arith.addi %add3A_763, %shift_right_arithmetic3A_797 : vector<16xi32>
        %add3A_802 = arith.addi %add3A_764, %shift_right_arithmetic3A_800 : vector<16xi32>
        %add3A_803 = arith.constant 12 : i32
        %add3A_804 = arith.addi %mul3A_581, %add3A_803 : i32
        %get3A_805 = arith.constant 1 : i32
        %get3A_806 = arith.index_cast %get3A_805 : i32 to index
        %get3A_807 = arith.index_cast %add3A_804 : i32 to index
        %get3A_808 = arith.constant 0 : index
        %get3A_809 = tpu.vector_load %arg7[%get3A_806, %get3A_807, %get3A_808] {strides = array<i32>} : memref<2x1000x32xi16, #tpu.memory_space<vmem>>, vector<32xi16>,
        %bitcast3A_810 = vector.bitcast %get3A_809 : vector<32xi16> to vector<16xi32>
        %shift_left3A_811 = arith.constant 16 : i32
        %shift_left3A_812 = vector.broadcast %shift_left3A_811 : i32 to vector<16xi32>
        %shift_left3A_813 = arith.shli %bitcast3A_810, %shift_left3A_812 : vector<16xi32>
        %shift_right_arithmetic3A_814 = arith.constant 16 : i32
        %shift_right_arithmetic3A_815 = vector.broadcast %shift_right_arithmetic3A_814 : i32 to vector<16xi32>
        %shift_right_arithmetic3A_816 = arith.shrsi %shift_left3A_813, %shift_right_arithmetic3A_815 : vector<16xi32>
        %shift_right_arithmetic3A_817 = arith.constant 16 : i32
        %shift_right_arithmetic3A_818 = vector.broadcast %shift_right_arithmetic3A_817 : i32 to vector<16xi32>
        %shift_right_arithmetic3A_819 = arith.shrsi %bitcast3A_810, %shift_right_arithmetic3A_818 : vector<16xi32>
        %add3A_820 = arith.addi %add3A_782, %shift_right_arithmetic3A_816 : vector<16xi32>
        %add3A_821 = arith.addi %add3A_783, %shift_right_arithmetic3A_819 : vector<16xi32>
        %add3A_822 = arith.constant 13 : i32
        %add3A_823 = arith.addi %mul3A_581, %add3A_822 : i32
        %get3A_824 = arith.constant 1 : i32
        %get3A_825 = arith.index_cast %get3A_824 : i32 to index
        %get3A_826 = arith.index_cast %add3A_823 : i32 to index
        %get3A_827 = arith.constant 0 : index
        %get3A_828 = tpu.vector_load %arg7[%get3A_825, %get3A_826, %get3A_827] {strides = array<i32>} : memref<2x1000x32xi16, #tpu.memory_space<vmem>>, vector<32xi16>,
        %bitcast3A_829 = vector.bitcast %get3A_828 : vector<32xi16> to vector<16xi32>
        %shift_left3A_830 = arith.constant 16 : i32
        %shift_left3A_831 = vector.broadcast %shift_left3A_830 : i32 to vector<16xi32>
        %shift_left3A_832 = arith.shli %bitcast3A_829, %shift_left3A_831 : vector<16xi32>
        %shift_right_arithmetic3A_833 = arith.constant 16 : i32
        %shift_right_arithmetic3A_834 = vector.broadcast %shift_right_arithmetic3A_833 : i32 to vector<16xi32>
        %shift_right_arithmetic3A_835 = arith.shrsi %shift_left3A_832, %shift_right_arithmetic3A_834 : vector<16xi32>
        %shift_right_arithmetic3A_836 = arith.constant 16 : i32
        %shift_right_arithmetic3A_837 = vector.broadcast %shift_right_arithmetic3A_836 : i32 to vector<16xi32>
        %shift_right_arithmetic3A_838 = arith.shrsi %bitcast3A_829, %shift_right_arithmetic3A_837 : vector<16xi32>
        %add3A_839 = arith.addi %add3A_801, %shift_right_arithmetic3A_835 : vector<16xi32>
        %add3A_840 = arith.addi %add3A_802, %shift_right_arithmetic3A_838 : vector<16xi32>
        %add3A_841 = arith.constant 14 : i32
        %add3A_842 = arith.addi %mul3A_581, %add3A_841 : i32
        %get3A_843 = arith.constant 1 : i32
        %get3A_844 = arith.index_cast %get3A_843 : i32 to index
        %get3A_845 = arith.index_cast %add3A_842 : i32 to index
        %get3A_846 = arith.constant 0 : index
        %get3A_847 = tpu.vector_load %arg7[%get3A_844, %get3A_845, %get3A_846] {strides = array<i32>} : memref<2x1000x32xi16, #tpu.memory_space<vmem>>, vector<32xi16>,
        %bitcast3A_848 = vector.bitcast %get3A_847 : vector<32xi16> to vector<16xi32>
        %shift_left3A_849 = arith.constant 16 : i32
        %shift_left3A_850 = vector.broadcast %shift_left3A_849 : i32 to vector<16xi32>
        %shift_left3A_851 = arith.shli %bitcast3A_848, %shift_left3A_850 : vector<16xi32>
        %shift_right_arithmetic3A_852 = arith.constant 16 : i32
        %shift_right_arithmetic3A_853 = vector.broadcast %shift_right_arithmetic3A_852 : i32 to vector<16xi32>
        %shift_right_arithmetic3A_854 = arith.shrsi %shift_left3A_851, %shift_right_arithmetic3A_853 : vector<16xi32>
        %shift_right_arithmetic3A_855 = arith.constant 16 : i32
        %shift_right_arithmetic3A_856 = vector.broadcast %shift_right_arithmetic3A_855 : i32 to vector<16xi32>
        %shift_right_arithmetic3A_857 = arith.shrsi %bitcast3A_848, %shift_right_arithmetic3A_856 : vector<16xi32>
        %add3A_858 = arith.addi %add3A_820, %shift_right_arithmetic3A_854 : vector<16xi32>
        %add3A_859 = arith.addi %add3A_821, %shift_right_arithmetic3A_857 : vector<16xi32>
        %add3A_860 = arith.constant 15 : i32
        %add3A_861 = arith.addi %mul3A_581, %add3A_860 : i32
        %get3A_862 = arith.constant 1 : i32
        %get3A_863 = arith.index_cast %get3A_862 : i32 to index
        %get3A_864 = arith.index_cast %add3A_861 : i32 to index
        %get3A_865 = arith.constant 0 : index
        %get3A_866 = tpu.vector_load %arg7[%get3A_863, %get3A_864, %get3A_865] {strides = array<i32>} : memref<2x1000x32xi16, #tpu.memory_space<vmem>>, vector<32xi16>,
        %bitcast3A_867 = vector.bitcast %get3A_866 : vector<32xi16> to vector<16xi32>
        %shift_left3A_868 = arith.constant 16 : i32
        %shift_left3A_869 = vector.broadcast %shift_left3A_868 : i32 to vector<16xi32>
        %shift_left3A_870 = arith.shli %bitcast3A_867, %shift_left3A_869 : vector<16xi32>
        %shift_right_arithmetic3A_871 = arith.constant 16 : i32
        %shift_right_arithmetic3A_872 = vector.broadcast %shift_right_arithmetic3A_871 : i32 to vector<16xi32>
        %shift_right_arithmetic3A_873 = arith.shrsi %shift_left3A_870, %shift_right_arithmetic3A_872 : vector<16xi32>
        %shift_right_arithmetic3A_874 = arith.constant 16 : i32
        %shift_right_arithmetic3A_875 = vector.broadcast %shift_right_arithmetic3A_874 : i32 to vector<16xi32>
        %shift_right_arithmetic3A_876 = arith.shrsi %bitcast3A_867, %shift_right_arithmetic3A_875 : vector<16xi32>
        %add3A_877 = arith.addi %add3A_839, %shift_right_arithmetic3A_873 : vector<16xi32>
        %add3A_878 = arith.addi %add3A_840, %shift_right_arithmetic3A_876 : vector<16xi32>
        %add3A_879 = arith.constant 16 : i32
        %add3A_880 = arith.addi %mul3A_581, %add3A_879 : i32
        %get3A_881 = arith.constant 1 : i32
        %get3A_882 = arith.index_cast %get3A_881 : i32 to index
        %get3A_883 = arith.index_cast %add3A_880 : i32 to index
        %get3A_884 = arith.constant 0 : index
        %get3A_885 = tpu.vector_load %arg7[%get3A_882, %get3A_883, %get3A_884] {strides = array<i32>} : memref<2x1000x32xi16, #tpu.memory_space<vmem>>, vector<32xi16>,
        %bitcast3A_886 = vector.bitcast %get3A_885 : vector<32xi16> to vector<16xi32>
        %shift_left3A_887 = arith.constant 16 : i32
        %shift_left3A_888 = vector.broadcast %shift_left3A_887 : i32 to vector<16xi32>
        %shift_left3A_889 = arith.shli %bitcast3A_886, %shift_left3A_888 : vector<16xi32>
        %shift_right_arithmetic3A_890 = arith.constant 16 : i32
        %shift_right_arithmetic3A_891 = vector.broadcast %shift_right_arithmetic3A_890 : i32 to vector<16xi32>
        %shift_right_arithmetic3A_892 = arith.shrsi %shift_left3A_889, %shift_right_arithmetic3A_891 : vector<16xi32>
        %shift_right_arithmetic3A_893 = arith.constant 16 : i32
        %shift_right_arithmetic3A_894 = vector.broadcast %shift_right_arithmetic3A_893 : i32 to vector<16xi32>
        %shift_right_arithmetic3A_895 = arith.shrsi %bitcast3A_886, %shift_right_arithmetic3A_894 : vector<16xi32>
        %add3A_896 = arith.addi %add3A_858, %shift_right_arithmetic3A_892 : vector<16xi32>
        %add3A_897 = arith.addi %add3A_859, %shift_right_arithmetic3A_895 : vector<16xi32>
        %add3A_898 = arith.constant 17 : i32
        %add3A_899 = arith.addi %mul3A_581, %add3A_898 : i32
        %get3A_900 = arith.constant 1 : i32
        %get3A_901 = arith.index_cast %get3A_900 : i32 to index
        %get3A_902 = arith.index_cast %add3A_899 : i32 to index
        %get3A_903 = arith.constant 0 : index
        %get3A_904 = tpu.vector_load %arg7[%get3A_901, %get3A_902, %get3A_903] {strides = array<i32>} : memref<2x1000x32xi16, #tpu.memory_space<vmem>>, vector<32xi16>,
        %bitcast3A_905 = vector.bitcast %get3A_904 : vector<32xi16> to vector<16xi32>
        %shift_left3A_906 = arith.constant 16 : i32
        %shift_left3A_907 = vector.broadcast %shift_left3A_906 : i32 to vector<16xi32>
        %shift_left3A_908 = arith.shli %bitcast3A_905, %shift_left3A_907 : vector<16xi32>
        %shift_right_arithmetic3A_909 = arith.constant 16 : i32
        %shift_right_arithmetic3A_910 = vector.broadcast %shift_right_arithmetic3A_909 : i32 to vector<16xi32>
        %shift_right_arithmetic3A_911 = arith.shrsi %shift_left3A_908, %shift_right_arithmetic3A_910 : vector<16xi32>
        %shift_right_arithmetic3A_912 = arith.constant 16 : i32
        %shift_right_arithmetic3A_913 = vector.broadcast %shift_right_arithmetic3A_912 : i32 to vector<16xi32>
        %shift_right_arithmetic3A_914 = arith.shrsi %bitcast3A_905, %shift_right_arithmetic3A_913 : vector<16xi32>
        %add3A_915 = arith.addi %add3A_877, %shift_right_arithmetic3A_911 : vector<16xi32>
        %add3A_916 = arith.addi %add3A_878, %shift_right_arithmetic3A_914 : vector<16xi32>
        %add3A_917 = arith.constant 18 : i32
        %add3A_918 = arith.addi %mul3A_581, %add3A_917 : i32
        %get3A_919 = arith.constant 1 : i32
        %get3A_920 = arith.index_cast %get3A_919 : i32 to index
        %get3A_921 = arith.index_cast %add3A_918 : i32 to index
        %get3A_922 = arith.constant 0 : index
        %get3A_923 = tpu.vector_load %arg7[%get3A_920, %get3A_921, %get3A_922] {strides = array<i32>} : memref<2x1000x32xi16, #tpu.memory_space<vmem>>, vector<32xi16>,
        %bitcast3A_924 = vector.bitcast %get3A_923 : vector<32xi16> to vector<16xi32>
        %shift_left3A_925 = arith.constant 16 : i32
        %shift_left3A_926 = vector.broadcast %shift_left3A_925 : i32 to vector<16xi32>
        %shift_left3A_927 = arith.shli %bitcast3A_924, %shift_left3A_926 : vector<16xi32>
        %shift_right_arithmetic3A_928 = arith.constant 16 : i32
        %shift_right_arithmetic3A_929 = vector.broadcast %shift_right_arithmetic3A_928 : i32 to vector<16xi32>
        %shift_right_arithmetic3A_930 = arith.shrsi %shift_left3A_927, %shift_right_arithmetic3A_929 : vector<16xi32>
        %shift_right_arithmetic3A_931 = arith.constant 16 : i32
        %shift_right_arithmetic3A_932 = vector.broadcast %shift_right_arithmetic3A_931 : i32 to vector<16xi32>
        %shift_right_arithmetic3A_933 = arith.shrsi %bitcast3A_924, %shift_right_arithmetic3A_932 : vector<16xi32>
        %add3A_934 = arith.addi %add3A_896, %shift_right_arithmetic3A_930 : vector<16xi32>
        %add3A_935 = arith.addi %add3A_897, %shift_right_arithmetic3A_933 : vector<16xi32>
        %add3A_936 = arith.constant 19 : i32
        %add3A_937 = arith.addi %mul3A_581, %add3A_936 : i32
        %get3A_938 = arith.constant 1 : i32
        %get3A_939 = arith.index_cast %get3A_938 : i32 to index
        %get3A_940 = arith.index_cast %add3A_937 : i32 to index
        %get3A_941 = arith.constant 0 : index
        %get3A_942 = tpu.vector_load %arg7[%get3A_939, %get3A_940, %get3A_941] {strides = array<i32>} : memref<2x1000x32xi16, #tpu.memory_space<vmem>>, vector<32xi16>,
        %bitcast3A_943 = vector.bitcast %get3A_942 : vector<32xi16> to vector<16xi32>
        %shift_left3A_944 = arith.constant 16 : i32
        %shift_left3A_945 = vector.broadcast %shift_left3A_944 : i32 to vector<16xi32>
        %shift_left3A_946 = arith.shli %bitcast3A_943, %shift_left3A_945 : vector<16xi32>
        %shift_right_arithmetic3A_947 = arith.constant 16 : i32
        %shift_right_arithmetic3A_948 = vector.broadcast %shift_right_arithmetic3A_947 : i32 to vector<16xi32>
        %shift_right_arithmetic3A_949 = arith.shrsi %shift_left3A_946, %shift_right_arithmetic3A_948 : vector<16xi32>
        %shift_right_arithmetic3A_950 = arith.constant 16 : i32
        %shift_right_arithmetic3A_951 = vector.broadcast %shift_right_arithmetic3A_950 : i32 to vector<16xi32>
        %shift_right_arithmetic3A_952 = arith.shrsi %bitcast3A_943, %shift_right_arithmetic3A_951 : vector<16xi32>
        %add3A_953 = arith.addi %add3A_915, %shift_right_arithmetic3A_949 : vector<16xi32>
        %add3A_954 = arith.addi %add3A_916, %shift_right_arithmetic3A_952 : vector<16xi32>
        %add3A_955 = arith.addi %add3A_934, %add3A_953 : vector<16xi32>
        %max3A = arith.constant 0 : i32
        %max3A_956 = vector.broadcast %max3A : i32 to vector<16xi32>
        %max3A_957 = arith.maxsi %add3A_955, %max3A_956 : vector<16xi32>
        %convert_element_type3A_958 = arith.sitofp %max3A_957 : vector<16xi32> to vector<16xf32>
        %add3A_959 = arith.addi %add3A_935, %add3A_954 : vector<16xi32>
        %max3A_960 = arith.constant 0 : i32
        %max3A_961 = vector.broadcast %max3A_960 : i32 to vector<16xi32>
        %max3A_962 = arith.maxsi %add3A_959, %max3A_961 : vector<16xi32>
        %convert_element_type3A_963 = arith.sitofp %max3A_962 : vector<16xi32> to vector<16xf32>
        %mul3A_964 = arith.mulf %convert_element_type3A_958, %get3A_367 : vector<16xf32>
        %mul3A_965 = arith.mulf %convert_element_type3A_963, %get3A_370 : vector<16xf32>
        %add3A_966 = arith.addf %mul3A_964, %mul3A_965 : vector<16xf32>
        %add3A_967 = vector.broadcast %mul3A_579 : i32 to vector<16xi32>
        %add3A_968 = arith.addi %mul3A_5, %add3A_967 : vector<16xi32>
        tpu.vector_store_idx %arg9[%add3A_968], %add3A_966 : memref<1024xf32, #tpu.memory_space<vmem>>[vector<16xi32>], vector<16xf32>,
        %mul3A_969 = arith.constant 2 : i32
        %mul3A_970 = arith.muli %mul3A_969, %scan3A_577 : i32
        %add3A_971 = arith.constant 1 : i32
        %add3A_972 = arith.addi %mul3A_970, %add3A_971 : i32
        %mul3A_973 = arith.constant 20 : i32
        %mul3A_974 = arith.muli %add3A_972, %mul3A_973 : i32
        %add3A_975 = arith.constant 0 : i32
        %add3A_976 = arith.addi %mul3A_974, %add3A_975 : i32
        %get3A_977 = arith.constant 1 : i32
        %get3A_978 = arith.index_cast %get3A_977 : i32 to index
        %get3A_979 = arith.index_cast %add3A_976 : i32 to index
        %get3A_980 = arith.constant 0 : index
        %get3A_981 = tpu.vector_load %arg7[%get3A_978, %get3A_979, %get3A_980] {strides = array<i32>} : memref<2x1000x32xi16, #tpu.memory_space<vmem>>, vector<32xi16>,
        %bitcast3A_982 = vector.bitcast %get3A_981 : vector<32xi16> to vector<16xi32>
        %shift_left3A_983 = arith.constant 16 : i32
        %shift_left3A_984 = vector.broadcast %shift_left3A_983 : i32 to vector<16xi32>
        %shift_left3A_985 = arith.shli %bitcast3A_982, %shift_left3A_984 : vector<16xi32>
        %shift_right_arithmetic3A_986 = arith.constant 16 : i32
        %shift_right_arithmetic3A_987 = vector.broadcast %shift_right_arithmetic3A_986 : i32 to vector<16xi32>
        %shift_right_arithmetic3A_988 = arith.shrsi %shift_left3A_985, %shift_right_arithmetic3A_987 : vector<16xi32>
        %shift_right_arithmetic3A_989 = arith.constant 16 : i32
        %shift_right_arithmetic3A_990 = vector.broadcast %shift_right_arithmetic3A_989 : i32 to vector<16xi32>
        %shift_right_arithmetic3A_991 = arith.shrsi %bitcast3A_982, %shift_right_arithmetic3A_990 : vector<16xi32>
        %add3A_992 = arith.constant 1 : i32
        %add3A_993 = arith.addi %mul3A_974, %add3A_992 : i32
        %get3A_994 = arith.constant 1 : i32
        %get3A_995 = arith.index_cast %get3A_994 : i32 to index
        %get3A_996 = arith.index_cast %add3A_993 : i32 to index
        %get3A_997 = arith.constant 0 : index
        %get3A_998 = tpu.vector_load %arg7[%get3A_995, %get3A_996, %get3A_997] {strides = array<i32>} : memref<2x1000x32xi16, #tpu.memory_space<vmem>>, vector<32xi16>,
        %bitcast3A_999 = vector.bitcast %get3A_998 : vector<32xi16> to vector<16xi32>
        %shift_left3A_1000 = arith.constant 16 : i32
        %shift_left3A_1001 = vector.broadcast %shift_left3A_1000 : i32 to vector<16xi32>
        %shift_left3A_1002 = arith.shli %bitcast3A_999, %shift_left3A_1001 : vector<16xi32>
        %shift_right_arithmetic3A_1003 = arith.constant 16 : i32
        %shift_right_arithmetic3A_1004 = vector.broadcast %shift_right_arithmetic3A_1003 : i32 to vector<16xi32>
        %shift_right_arithmetic3A_1005 = arith.shrsi %shift_left3A_1002, %shift_right_arithmetic3A_1004 : vector<16xi32>
        %shift_right_arithmetic3A_1006 = arith.constant 16 : i32
        %shift_right_arithmetic3A_1007 = vector.broadcast %shift_right_arithmetic3A_1006 : i32 to vector<16xi32>
        %shift_right_arithmetic3A_1008 = arith.shrsi %bitcast3A_999, %shift_right_arithmetic3A_1007 : vector<16xi32>
        %add3A_1009 = arith.constant 2 : i32
        %add3A_1010 = arith.addi %mul3A_974, %add3A_1009 : i32
        %get3A_1011 = arith.constant 1 : i32
        %get3A_1012 = arith.index_cast %get3A_1011 : i32 to index
        %get3A_1013 = arith.index_cast %add3A_1010 : i32 to index
        %get3A_1014 = arith.constant 0 : index
        %get3A_1015 = tpu.vector_load %arg7[%get3A_1012, %get3A_1013, %get3A_1014] {strides = array<i32>} : memref<2x1000x32xi16, #tpu.memory_space<vmem>>, vector<32xi16>,
        %bitcast3A_1016 = vector.bitcast %get3A_1015 : vector<32xi16> to vector<16xi32>
        %shift_left3A_1017 = arith.constant 16 : i32
        %shift_left3A_1018 = vector.broadcast %shift_left3A_1017 : i32 to vector<16xi32>
        %shift_left3A_1019 = arith.shli %bitcast3A_1016, %shift_left3A_1018 : vector<16xi32>
        %shift_right_arithmetic3A_1020 = arith.constant 16 : i32
        %shift_right_arithmetic3A_1021 = vector.broadcast %shift_right_arithmetic3A_1020 : i32 to vector<16xi32>
        %shift_right_arithmetic3A_1022 = arith.shrsi %shift_left3A_1019, %shift_right_arithmetic3A_1021 : vector<16xi32>
        %shift_right_arithmetic3A_1023 = arith.constant 16 : i32
        %shift_right_arithmetic3A_1024 = vector.broadcast %shift_right_arithmetic3A_1023 : i32 to vector<16xi32>
        %shift_right_arithmetic3A_1025 = arith.shrsi %bitcast3A_1016, %shift_right_arithmetic3A_1024 : vector<16xi32>
        %add3A_1026 = arith.addi %shift_right_arithmetic3A_988, %shift_right_arithmetic3A_1022 : vector<16xi32>
        %add3A_1027 = arith.addi %shift_right_arithmetic3A_991, %shift_right_arithmetic3A_1025 : vector<16xi32>
        %add3A_1028 = arith.constant 3 : i32
        %add3A_1029 = arith.addi %mul3A_974, %add3A_1028 : i32
        %get3A_1030 = arith.constant 1 : i32
        %get3A_1031 = arith.index_cast %get3A_1030 : i32 to index
        %get3A_1032 = arith.index_cast %add3A_1029 : i32 to index
        %get3A_1033 = arith.constant 0 : index
        %get3A_1034 = tpu.vector_load %arg7[%get3A_1031, %get3A_1032, %get3A_1033] {strides = array<i32>} : memref<2x1000x32xi16, #tpu.memory_space<vmem>>, vector<32xi16>,
        %bitcast3A_1035 = vector.bitcast %get3A_1034 : vector<32xi16> to vector<16xi32>
        %shift_left3A_1036 = arith.constant 16 : i32
        %shift_left3A_1037 = vector.broadcast %shift_left3A_1036 : i32 to vector<16xi32>
        %shift_left3A_1038 = arith.shli %bitcast3A_1035, %shift_left3A_1037 : vector<16xi32>
        %shift_right_arithmetic3A_1039 = arith.constant 16 : i32
        %shift_right_arithmetic3A_1040 = vector.broadcast %shift_right_arithmetic3A_1039 : i32 to vector<16xi32>
        %shift_right_arithmetic3A_1041 = arith.shrsi %shift_left3A_1038, %shift_right_arithmetic3A_1040 : vector<16xi32>
        %shift_right_arithmetic3A_1042 = arith.constant 16 : i32
        %shift_right_arithmetic3A_1043 = vector.broadcast %shift_right_arithmetic3A_1042 : i32 to vector<16xi32>
        %shift_right_arithmetic3A_1044 = arith.shrsi %bitcast3A_1035, %shift_right_arithmetic3A_1043 : vector<16xi32>
        %add3A_1045 = arith.addi %shift_right_arithmetic3A_1005, %shift_right_arithmetic3A_1041 : vector<16xi32>
        %add3A_1046 = arith.addi %shift_right_arithmetic3A_1008, %shift_right_arithmetic3A_1044 : vector<16xi32>
        %add3A_1047 = arith.constant 4 : i32
        %add3A_1048 = arith.addi %mul3A_974, %add3A_1047 : i32
        %get3A_1049 = arith.constant 1 : i32
        %get3A_1050 = arith.index_cast %get3A_1049 : i32 to index
        %get3A_1051 = arith.index_cast %add3A_1048 : i32 to index
        %get3A_1052 = arith.constant 0 : index
        %get3A_1053 = tpu.vector_load %arg7[%get3A_1050, %get3A_1051, %get3A_1052] {strides = array<i32>} : memref<2x1000x32xi16, #tpu.memory_space<vmem>>, vector<32xi16>,
        %bitcast3A_1054 = vector.bitcast %get3A_1053 : vector<32xi16> to vector<16xi32>
        %shift_left3A_1055 = arith.constant 16 : i32
        %shift_left3A_1056 = vector.broadcast %shift_left3A_1055 : i32 to vector<16xi32>
        %shift_left3A_1057 = arith.shli %bitcast3A_1054, %shift_left3A_1056 : vector<16xi32>
        %shift_right_arithmetic3A_1058 = arith.constant 16 : i32
        %shift_right_arithmetic3A_1059 = vector.broadcast %shift_right_arithmetic3A_1058 : i32 to vector<16xi32>
        %shift_right_arithmetic3A_1060 = arith.shrsi %shift_left3A_1057, %shift_right_arithmetic3A_1059 : vector<16xi32>
        %shift_right_arithmetic3A_1061 = arith.constant 16 : i32
        %shift_right_arithmetic3A_1062 = vector.broadcast %shift_right_arithmetic3A_1061 : i32 to vector<16xi32>
        %shift_right_arithmetic3A_1063 = arith.shrsi %bitcast3A_1054, %shift_right_arithmetic3A_1062 : vector<16xi32>
        %add3A_1064 = arith.addi %add3A_1026, %shift_right_arithmetic3A_1060 : vector<16xi32>
        %add3A_1065 = arith.addi %add3A_1027, %shift_right_arithmetic3A_1063 : vector<16xi32>
        %add3A_1066 = arith.constant 5 : i32
        %add3A_1067 = arith.addi %mul3A_974, %add3A_1066 : i32
        %get3A_1068 = arith.constant 1 : i32
        %get3A_1069 = arith.index_cast %get3A_1068 : i32 to index
        %get3A_1070 = arith.index_cast %add3A_1067 : i32 to index
        %get3A_1071 = arith.constant 0 : index
        %get3A_1072 = tpu.vector_load %arg7[%get3A_1069, %get3A_1070, %get3A_1071] {strides = array<i32>} : memref<2x1000x32xi16, #tpu.memory_space<vmem>>, vector<32xi16>,
        %bitcast3A_1073 = vector.bitcast %get3A_1072 : vector<32xi16> to vector<16xi32>
        %shift_left3A_1074 = arith.constant 16 : i32
        %shift_left3A_1075 = vector.broadcast %shift_left3A_1074 : i32 to vector<16xi32>
        %shift_left3A_1076 = arith.shli %bitcast3A_1073, %shift_left3A_1075 : vector<16xi32>
        %shift_right_arithmetic3A_1077 = arith.constant 16 : i32
        %shift_right_arithmetic3A_1078 = vector.broadcast %shift_right_arithmetic3A_1077 : i32 to vector<16xi32>
        %shift_right_arithmetic3A_1079 = arith.shrsi %shift_left3A_1076, %shift_right_arithmetic3A_1078 : vector<16xi32>
        %shift_right_arithmetic3A_1080 = arith.constant 16 : i32
        %shift_right_arithmetic3A_1081 = vector.broadcast %shift_right_arithmetic3A_1080 : i32 to vector<16xi32>
        %shift_right_arithmetic3A_1082 = arith.shrsi %bitcast3A_1073, %shift_right_arithmetic3A_1081 : vector<16xi32>
        %add3A_1083 = arith.addi %add3A_1045, %shift_right_arithmetic3A_1079 : vector<16xi32>
        %add3A_1084 = arith.addi %add3A_1046, %shift_right_arithmetic3A_1082 : vector<16xi32>
        %add3A_1085 = arith.constant 6 : i32
        %add3A_1086 = arith.addi %mul3A_974, %add3A_1085 : i32
        %get3A_1087 = arith.constant 1 : i32
        %get3A_1088 = arith.index_cast %get3A_1087 : i32 to index
        %get3A_1089 = arith.index_cast %add3A_1086 : i32 to index
        %get3A_1090 = arith.constant 0 : index
        %get3A_1091 = tpu.vector_load %arg7[%get3A_1088, %get3A_1089, %get3A_1090] {strides = array<i32>} : memref<2x1000x32xi16, #tpu.memory_space<vmem>>, vector<32xi16>,
        %bitcast3A_1092 = vector.bitcast %get3A_1091 : vector<32xi16> to vector<16xi32>
        %shift_left3A_1093 = arith.constant 16 : i32
        %shift_left3A_1094 = vector.broadcast %shift_left3A_1093 : i32 to vector<16xi32>
        %shift_left3A_1095 = arith.shli %bitcast3A_1092, %shift_left3A_1094 : vector<16xi32>
        %shift_right_arithmetic3A_1096 = arith.constant 16 : i32
        %shift_right_arithmetic3A_1097 = vector.broadcast %shift_right_arithmetic3A_1096 : i32 to vector<16xi32>
        %shift_right_arithmetic3A_1098 = arith.shrsi %shift_left3A_1095, %shift_right_arithmetic3A_1097 : vector<16xi32>
        %shift_right_arithmetic3A_1099 = arith.constant 16 : i32
        %shift_right_arithmetic3A_1100 = vector.broadcast %shift_right_arithmetic3A_1099 : i32 to vector<16xi32>
        %shift_right_arithmetic3A_1101 = arith.shrsi %bitcast3A_1092, %shift_right_arithmetic3A_1100 : vector<16xi32>
        %add3A_1102 = arith.addi %add3A_1064, %shift_right_arithmetic3A_1098 : vector<16xi32>
        %add3A_1103 = arith.addi %add3A_1065, %shift_right_arithmetic3A_1101 : vector<16xi32>
        %add3A_1104 = arith.constant 7 : i32
        %add3A_1105 = arith.addi %mul3A_974, %add3A_1104 : i32
        %get3A_1106 = arith.constant 1 : i32
        %get3A_1107 = arith.index_cast %get3A_1106 : i32 to index
        %get3A_1108 = arith.index_cast %add3A_1105 : i32 to index
        %get3A_1109 = arith.constant 0 : index
        %get3A_1110 = tpu.vector_load %arg7[%get3A_1107, %get3A_1108, %get3A_1109] {strides = array<i32>} : memref<2x1000x32xi16, #tpu.memory_space<vmem>>, vector<32xi16>,
        %bitcast3A_1111 = vector.bitcast %get3A_1110 : vector<32xi16> to vector<16xi32>
        %shift_left3A_1112 = arith.constant 16 : i32
        %shift_left3A_1113 = vector.broadcast %shift_left3A_1112 : i32 to vector<16xi32>
        %shift_left3A_1114 = arith.shli %bitcast3A_1111, %shift_left3A_1113 : vector<16xi32>
        %shift_right_arithmetic3A_1115 = arith.constant 16 : i32
        %shift_right_arithmetic3A_1116 = vector.broadcast %shift_right_arithmetic3A_1115 : i32 to vector<16xi32>
        %shift_right_arithmetic3A_1117 = arith.shrsi %shift_left3A_1114, %shift_right_arithmetic3A_1116 : vector<16xi32>
        %shift_right_arithmetic3A_1118 = arith.constant 16 : i32
        %shift_right_arithmetic3A_1119 = vector.broadcast %shift_right_arithmetic3A_1118 : i32 to vector<16xi32>
        %shift_right_arithmetic3A_1120 = arith.shrsi %bitcast3A_1111, %shift_right_arithmetic3A_1119 : vector<16xi32>
        %add3A_1121 = arith.addi %add3A_1083, %shift_right_arithmetic3A_1117 : vector<16xi32>
        %add3A_1122 = arith.addi %add3A_1084, %shift_right_arithmetic3A_1120 : vector<16xi32>
        %add3A_1123 = arith.constant 8 : i32
        %add3A_1124 = arith.addi %mul3A_974, %add3A_1123 : i32
        %get3A_1125 = arith.constant 1 : i32
        %get3A_1126 = arith.index_cast %get3A_1125 : i32 to index
        %get3A_1127 = arith.index_cast %add3A_1124 : i32 to index
        %get3A_1128 = arith.constant 0 : index
        %get3A_1129 = tpu.vector_load %arg7[%get3A_1126, %get3A_1127, %get3A_1128] {strides = array<i32>} : memref<2x1000x32xi16, #tpu.memory_space<vmem>>, vector<32xi16>,
        %bitcast3A_1130 = vector.bitcast %get3A_1129 : vector<32xi16> to vector<16xi32>
        %shift_left3A_1131 = arith.constant 16 : i32
        %shift_left3A_1132 = vector.broadcast %shift_left3A_1131 : i32 to vector<16xi32>
        %shift_left3A_1133 = arith.shli %bitcast3A_1130, %shift_left3A_1132 : vector<16xi32>
        %shift_right_arithmetic3A_1134 = arith.constant 16 : i32
        %shift_right_arithmetic3A_1135 = vector.broadcast %shift_right_arithmetic3A_1134 : i32 to vector<16xi32>
        %shift_right_arithmetic3A_1136 = arith.shrsi %shift_left3A_1133, %shift_right_arithmetic3A_1135 : vector<16xi32>
        %shift_right_arithmetic3A_1137 = arith.constant 16 : i32
        %shift_right_arithmetic3A_1138 = vector.broadcast %shift_right_arithmetic3A_1137 : i32 to vector<16xi32>
        %shift_right_arithmetic3A_1139 = arith.shrsi %bitcast3A_1130, %shift_right_arithmetic3A_1138 : vector<16xi32>
        %add3A_1140 = arith.addi %add3A_1102, %shift_right_arithmetic3A_1136 : vector<16xi32>
        %add3A_1141 = arith.addi %add3A_1103, %shift_right_arithmetic3A_1139 : vector<16xi32>
        %add3A_1142 = arith.constant 9 : i32
        %add3A_1143 = arith.addi %mul3A_974, %add3A_1142 : i32
        %get3A_1144 = arith.constant 1 : i32
        %get3A_1145 = arith.index_cast %get3A_1144 : i32 to index
        %get3A_1146 = arith.index_cast %add3A_1143 : i32 to index
        %get3A_1147 = arith.constant 0 : index
        %get3A_1148 = tpu.vector_load %arg7[%get3A_1145, %get3A_1146, %get3A_1147] {strides = array<i32>} : memref<2x1000x32xi16, #tpu.memory_space<vmem>>, vector<32xi16>,
        %bitcast3A_1149 = vector.bitcast %get3A_1148 : vector<32xi16> to vector<16xi32>
        %shift_left3A_1150 = arith.constant 16 : i32
        %shift_left3A_1151 = vector.broadcast %shift_left3A_1150 : i32 to vector<16xi32>
        %shift_left3A_1152 = arith.shli %bitcast3A_1149, %shift_left3A_1151 : vector<16xi32>
        %shift_right_arithmetic3A_1153 = arith.constant 16 : i32
        %shift_right_arithmetic3A_1154 = vector.broadcast %shift_right_arithmetic3A_1153 : i32 to vector<16xi32>
        %shift_right_arithmetic3A_1155 = arith.shrsi %shift_left3A_1152, %shift_right_arithmetic3A_1154 : vector<16xi32>
        %shift_right_arithmetic3A_1156 = arith.constant 16 : i32
        %shift_right_arithmetic3A_1157 = vector.broadcast %shift_right_arithmetic3A_1156 : i32 to vector<16xi32>
        %shift_right_arithmetic3A_1158 = arith.shrsi %bitcast3A_1149, %shift_right_arithmetic3A_1157 : vector<16xi32>
        %add3A_1159 = arith.addi %add3A_1121, %shift_right_arithmetic3A_1155 : vector<16xi32>
        %add3A_1160 = arith.addi %add3A_1122, %shift_right_arithmetic3A_1158 : vector<16xi32>
        %add3A_1161 = arith.constant 10 : i32
        %add3A_1162 = arith.addi %mul3A_974, %add3A_1161 : i32
        %get3A_1163 = arith.constant 1 : i32
        %get3A_1164 = arith.index_cast %get3A_1163 : i32 to index
        %get3A_1165 = arith.index_cast %add3A_1162 : i32 to index
        %get3A_1166 = arith.constant 0 : index
        %get3A_1167 = tpu.vector_load %arg7[%get3A_1164, %get3A_1165, %get3A_1166] {strides = array<i32>} : memref<2x1000x32xi16, #tpu.memory_space<vmem>>, vector<32xi16>,
        %bitcast3A_1168 = vector.bitcast %get3A_1167 : vector<32xi16> to vector<16xi32>
        %shift_left3A_1169 = arith.constant 16 : i32
        %shift_left3A_1170 = vector.broadcast %shift_left3A_1169 : i32 to vector<16xi32>
        %shift_left3A_1171 = arith.shli %bitcast3A_1168, %shift_left3A_1170 : vector<16xi32>
        %shift_right_arithmetic3A_1172 = arith.constant 16 : i32
        %shift_right_arithmetic3A_1173 = vector.broadcast %shift_right_arithmetic3A_1172 : i32 to vector<16xi32>
        %shift_right_arithmetic3A_1174 = arith.shrsi %shift_left3A_1171, %shift_right_arithmetic3A_1173 : vector<16xi32>
        %shift_right_arithmetic3A_1175 = arith.constant 16 : i32
        %shift_right_arithmetic3A_1176 = vector.broadcast %shift_right_arithmetic3A_1175 : i32 to vector<16xi32>
        %shift_right_arithmetic3A_1177 = arith.shrsi %bitcast3A_1168, %shift_right_arithmetic3A_1176 : vector<16xi32>
        %add3A_1178 = arith.addi %add3A_1140, %shift_right_arithmetic3A_1174 : vector<16xi32>
        %add3A_1179 = arith.addi %add3A_1141, %shift_right_arithmetic3A_1177 : vector<16xi32>
        %add3A_1180 = arith.constant 11 : i32
        %add3A_1181 = arith.addi %mul3A_974, %add3A_1180 : i32
        %get3A_1182 = arith.constant 1 : i32
        %get3A_1183 = arith.index_cast %get3A_1182 : i32 to index
        %get3A_1184 = arith.index_cast %add3A_1181 : i32 to index
        %get3A_1185 = arith.constant 0 : index
        %get3A_1186 = tpu.vector_load %arg7[%get3A_1183, %get3A_1184, %get3A_1185] {strides = array<i32>} : memref<2x1000x32xi16, #tpu.memory_space<vmem>>, vector<32xi16>,
        %bitcast3A_1187 = vector.bitcast %get3A_1186 : vector<32xi16> to vector<16xi32>
        %shift_left3A_1188 = arith.constant 16 : i32
        %shift_left3A_1189 = vector.broadcast %shift_left3A_1188 : i32 to vector<16xi32>
        %shift_left3A_1190 = arith.shli %bitcast3A_1187, %shift_left3A_1189 : vector<16xi32>
        %shift_right_arithmetic3A_1191 = arith.constant 16 : i32
        %shift_right_arithmetic3A_1192 = vector.broadcast %shift_right_arithmetic3A_1191 : i32 to vector<16xi32>
        %shift_right_arithmetic3A_1193 = arith.shrsi %shift_left3A_1190, %shift_right_arithmetic3A_1192 : vector<16xi32>
        %shift_right_arithmetic3A_1194 = arith.constant 16 : i32
        %shift_right_arithmetic3A_1195 = vector.broadcast %shift_right_arithmetic3A_1194 : i32 to vector<16xi32>
        %shift_right_arithmetic3A_1196 = arith.shrsi %bitcast3A_1187, %shift_right_arithmetic3A_1195 : vector<16xi32>
        %add3A_1197 = arith.addi %add3A_1159, %shift_right_arithmetic3A_1193 : vector<16xi32>
        %add3A_1198 = arith.addi %add3A_1160, %shift_right_arithmetic3A_1196 : vector<16xi32>
        %add3A_1199 = arith.constant 12 : i32
        %add3A_1200 = arith.addi %mul3A_974, %add3A_1199 : i32
        %get3A_1201 = arith.constant 1 : i32
        %get3A_1202 = arith.index_cast %get3A_1201 : i32 to index
        %get3A_1203 = arith.index_cast %add3A_1200 : i32 to index
        %get3A_1204 = arith.constant 0 : index
        %get3A_1205 = tpu.vector_load %arg7[%get3A_1202, %get3A_1203, %get3A_1204] {strides = array<i32>} : memref<2x1000x32xi16, #tpu.memory_space<vmem>>, vector<32xi16>,
        %bitcast3A_1206 = vector.bitcast %get3A_1205 : vector<32xi16> to vector<16xi32>
        %shift_left3A_1207 = arith.constant 16 : i32
        %shift_left3A_1208 = vector.broadcast %shift_left3A_1207 : i32 to vector<16xi32>
        %shift_left3A_1209 = arith.shli %bitcast3A_1206, %shift_left3A_1208 : vector<16xi32>
        %shift_right_arithmetic3A_1210 = arith.constant 16 : i32
        %shift_right_arithmetic3A_1211 = vector.broadcast %shift_right_arithmetic3A_1210 : i32 to vector<16xi32>
        %shift_right_arithmetic3A_1212 = arith.shrsi %shift_left3A_1209, %shift_right_arithmetic3A_1211 : vector<16xi32>
        %shift_right_arithmetic3A_1213 = arith.constant 16 : i32
        %shift_right_arithmetic3A_1214 = vector.broadcast %shift_right_arithmetic3A_1213 : i32 to vector<16xi32>
        %shift_right_arithmetic3A_1215 = arith.shrsi %bitcast3A_1206, %shift_right_arithmetic3A_1214 : vector<16xi32>
        %add3A_1216 = arith.addi %add3A_1178, %shift_right_arithmetic3A_1212 : vector<16xi32>
        %add3A_1217 = arith.addi %add3A_1179, %shift_right_arithmetic3A_1215 : vector<16xi32>
        %add3A_1218 = arith.constant 13 : i32
        %add3A_1219 = arith.addi %mul3A_974, %add3A_1218 : i32
        %get3A_1220 = arith.constant 1 : i32
        %get3A_1221 = arith.index_cast %get3A_1220 : i32 to index
        %get3A_1222 = arith.index_cast %add3A_1219 : i32 to index
        %get3A_1223 = arith.constant 0 : index
        %get3A_1224 = tpu.vector_load %arg7[%get3A_1221, %get3A_1222, %get3A_1223] {strides = array<i32>} : memref<2x1000x32xi16, #tpu.memory_space<vmem>>, vector<32xi16>,
        %bitcast3A_1225 = vector.bitcast %get3A_1224 : vector<32xi16> to vector<16xi32>
        %shift_left3A_1226 = arith.constant 16 : i32
        %shift_left3A_1227 = vector.broadcast %shift_left3A_1226 : i32 to vector<16xi32>
        %shift_left3A_1228 = arith.shli %bitcast3A_1225, %shift_left3A_1227 : vector<16xi32>
        %shift_right_arithmetic3A_1229 = arith.constant 16 : i32
        %shift_right_arithmetic3A_1230 = vector.broadcast %shift_right_arithmetic3A_1229 : i32 to vector<16xi32>
        %shift_right_arithmetic3A_1231 = arith.shrsi %shift_left3A_1228, %shift_right_arithmetic3A_1230 : vector<16xi32>
        %shift_right_arithmetic3A_1232 = arith.constant 16 : i32
        %shift_right_arithmetic3A_1233 = vector.broadcast %shift_right_arithmetic3A_1232 : i32 to vector<16xi32>
        %shift_right_arithmetic3A_1234 = arith.shrsi %bitcast3A_1225, %shift_right_arithmetic3A_1233 : vector<16xi32>
        %add3A_1235 = arith.addi %add3A_1197, %shift_right_arithmetic3A_1231 : vector<16xi32>
        %add3A_1236 = arith.addi %add3A_1198, %shift_right_arithmetic3A_1234 : vector<16xi32>
        %add3A_1237 = arith.constant 14 : i32
        %add3A_1238 = arith.addi %mul3A_974, %add3A_1237 : i32
        %get3A_1239 = arith.constant 1 : i32
        %get3A_1240 = arith.index_cast %get3A_1239 : i32 to index
        %get3A_1241 = arith.index_cast %add3A_1238 : i32 to index
        %get3A_1242 = arith.constant 0 : index
        %get3A_1243 = tpu.vector_load %arg7[%get3A_1240, %get3A_1241, %get3A_1242] {strides = array<i32>} : memref<2x1000x32xi16, #tpu.memory_space<vmem>>, vector<32xi16>,
        %bitcast3A_1244 = vector.bitcast %get3A_1243 : vector<32xi16> to vector<16xi32>
        %shift_left3A_1245 = arith.constant 16 : i32
        %shift_left3A_1246 = vector.broadcast %shift_left3A_1245 : i32 to vector<16xi32>
        %shift_left3A_1247 = arith.shli %bitcast3A_1244, %shift_left3A_1246 : vector<16xi32>
        %shift_right_arithmetic3A_1248 = arith.constant 16 : i32
        %shift_right_arithmetic3A_1249 = vector.broadcast %shift_right_arithmetic3A_1248 : i32 to vector<16xi32>
        %shift_right_arithmetic3A_1250 = arith.shrsi %shift_left3A_1247, %shift_right_arithmetic3A_1249 : vector<16xi32>
        %shift_right_arithmetic3A_1251 = arith.constant 16 : i32
        %shift_right_arithmetic3A_1252 = vector.broadcast %shift_right_arithmetic3A_1251 : i32 to vector<16xi32>
        %shift_right_arithmetic3A_1253 = arith.shrsi %bitcast3A_1244, %shift_right_arithmetic3A_1252 : vector<16xi32>
        %add3A_1254 = arith.addi %add3A_1216, %shift_right_arithmetic3A_1250 : vector<16xi32>
        %add3A_1255 = arith.addi %add3A_1217, %shift_right_arithmetic3A_1253 : vector<16xi32>
        %add3A_1256 = arith.constant 15 : i32
        %add3A_1257 = arith.addi %mul3A_974, %add3A_1256 : i32
        %get3A_1258 = arith.constant 1 : i32
        %get3A_1259 = arith.index_cast %get3A_1258 : i32 to index
        %get3A_1260 = arith.index_cast %add3A_1257 : i32 to index
        %get3A_1261 = arith.constant 0 : index
        %get3A_1262 = tpu.vector_load %arg7[%get3A_1259, %get3A_1260, %get3A_1261] {strides = array<i32>} : memref<2x1000x32xi16, #tpu.memory_space<vmem>>, vector<32xi16>,
        %bitcast3A_1263 = vector.bitcast %get3A_1262 : vector<32xi16> to vector<16xi32>
        %shift_left3A_1264 = arith.constant 16 : i32
        %shift_left3A_1265 = vector.broadcast %shift_left3A_1264 : i32 to vector<16xi32>
        %shift_left3A_1266 = arith.shli %bitcast3A_1263, %shift_left3A_1265 : vector<16xi32>
        %shift_right_arithmetic3A_1267 = arith.constant 16 : i32
        %shift_right_arithmetic3A_1268 = vector.broadcast %shift_right_arithmetic3A_1267 : i32 to vector<16xi32>
        %shift_right_arithmetic3A_1269 = arith.shrsi %shift_left3A_1266, %shift_right_arithmetic3A_1268 : vector<16xi32>
        %shift_right_arithmetic3A_1270 = arith.constant 16 : i32
        %shift_right_arithmetic3A_1271 = vector.broadcast %shift_right_arithmetic3A_1270 : i32 to vector<16xi32>
        %shift_right_arithmetic3A_1272 = arith.shrsi %bitcast3A_1263, %shift_right_arithmetic3A_1271 : vector<16xi32>
        %add3A_1273 = arith.addi %add3A_1235, %shift_right_arithmetic3A_1269 : vector<16xi32>
        %add3A_1274 = arith.addi %add3A_1236, %shift_right_arithmetic3A_1272 : vector<16xi32>
        %add3A_1275 = arith.constant 16 : i32
        %add3A_1276 = arith.addi %mul3A_974, %add3A_1275 : i32
        %get3A_1277 = arith.constant 1 : i32
        %get3A_1278 = arith.index_cast %get3A_1277 : i32 to index
        %get3A_1279 = arith.index_cast %add3A_1276 : i32 to index
        %get3A_1280 = arith.constant 0 : index
        %get3A_1281 = tpu.vector_load %arg7[%get3A_1278, %get3A_1279, %get3A_1280] {strides = array<i32>} : memref<2x1000x32xi16, #tpu.memory_space<vmem>>, vector<32xi16>,
        %bitcast3A_1282 = vector.bitcast %get3A_1281 : vector<32xi16> to vector<16xi32>
        %shift_left3A_1283 = arith.constant 16 : i32
        %shift_left3A_1284 = vector.broadcast %shift_left3A_1283 : i32 to vector<16xi32>
        %shift_left3A_1285 = arith.shli %bitcast3A_1282, %shift_left3A_1284 : vector<16xi32>
        %shift_right_arithmetic3A_1286 = arith.constant 16 : i32
        %shift_right_arithmetic3A_1287 = vector.broadcast %shift_right_arithmetic3A_1286 : i32 to vector<16xi32>
        %shift_right_arithmetic3A_1288 = arith.shrsi %shift_left3A_1285, %shift_right_arithmetic3A_1287 : vector<16xi32>
        %shift_right_arithmetic3A_1289 = arith.constant 16 : i32
        %shift_right_arithmetic3A_1290 = vector.broadcast %shift_right_arithmetic3A_1289 : i32 to vector<16xi32>
        %shift_right_arithmetic3A_1291 = arith.shrsi %bitcast3A_1282, %shift_right_arithmetic3A_1290 : vector<16xi32>
        %add3A_1292 = arith.addi %add3A_1254, %shift_right_arithmetic3A_1288 : vector<16xi32>
        %add3A_1293 = arith.addi %add3A_1255, %shift_right_arithmetic3A_1291 : vector<16xi32>
        %add3A_1294 = arith.constant 17 : i32
        %add3A_1295 = arith.addi %mul3A_974, %add3A_1294 : i32
        %get3A_1296 = arith.constant 1 : i32
        %get3A_1297 = arith.index_cast %get3A_1296 : i32 to index
        %get3A_1298 = arith.index_cast %add3A_1295 : i32 to index
        %get3A_1299 = arith.constant 0 : index
        %get3A_1300 = tpu.vector_load %arg7[%get3A_1297, %get3A_1298, %get3A_1299] {strides = array<i32>} : memref<2x1000x32xi16, #tpu.memory_space<vmem>>, vector<32xi16>,
        %bitcast3A_1301 = vector.bitcast %get3A_1300 : vector<32xi16> to vector<16xi32>
        %shift_left3A_1302 = arith.constant 16 : i32
        %shift_left3A_1303 = vector.broadcast %shift_left3A_1302 : i32 to vector<16xi32>
        %shift_left3A_1304 = arith.shli %bitcast3A_1301, %shift_left3A_1303 : vector<16xi32>
        %shift_right_arithmetic3A_1305 = arith.constant 16 : i32
        %shift_right_arithmetic3A_1306 = vector.broadcast %shift_right_arithmetic3A_1305 : i32 to vector<16xi32>
        %shift_right_arithmetic3A_1307 = arith.shrsi %shift_left3A_1304, %shift_right_arithmetic3A_1306 : vector<16xi32>
        %shift_right_arithmetic3A_1308 = arith.constant 16 : i32
        %shift_right_arithmetic3A_1309 = vector.broadcast %shift_right_arithmetic3A_1308 : i32 to vector<16xi32>
        %shift_right_arithmetic3A_1310 = arith.shrsi %bitcast3A_1301, %shift_right_arithmetic3A_1309 : vector<16xi32>
        %add3A_1311 = arith.addi %add3A_1273, %shift_right_arithmetic3A_1307 : vector<16xi32>
        %add3A_1312 = arith.addi %add3A_1274, %shift_right_arithmetic3A_1310 : vector<16xi32>
        %add3A_1313 = arith.constant 18 : i32
        %add3A_1314 = arith.addi %mul3A_974, %add3A_1313 : i32
        %get3A_1315 = arith.constant 1 : i32
        %get3A_1316 = arith.index_cast %get3A_1315 : i32 to index
        %get3A_1317 = arith.index_cast %add3A_1314 : i32 to index
        %get3A_1318 = arith.constant 0 : index
        %get3A_1319 = tpu.vector_load %arg7[%get3A_1316, %get3A_1317, %get3A_1318] {strides = array<i32>} : memref<2x1000x32xi16, #tpu.memory_space<vmem>>, vector<32xi16>,
        %bitcast3A_1320 = vector.bitcast %get3A_1319 : vector<32xi16> to vector<16xi32>
        %shift_left3A_1321 = arith.constant 16 : i32
        %shift_left3A_1322 = vector.broadcast %shift_left3A_1321 : i32 to vector<16xi32>
        %shift_left3A_1323 = arith.shli %bitcast3A_1320, %shift_left3A_1322 : vector<16xi32>
        %shift_right_arithmetic3A_1324 = arith.constant 16 : i32
        %shift_right_arithmetic3A_1325 = vector.broadcast %shift_right_arithmetic3A_1324 : i32 to vector<16xi32>
        %shift_right_arithmetic3A_1326 = arith.shrsi %shift_left3A_1323, %shift_right_arithmetic3A_1325 : vector<16xi32>
        %shift_right_arithmetic3A_1327 = arith.constant 16 : i32
        %shift_right_arithmetic3A_1328 = vector.broadcast %shift_right_arithmetic3A_1327 : i32 to vector<16xi32>
        %shift_right_arithmetic3A_1329 = arith.shrsi %bitcast3A_1320, %shift_right_arithmetic3A_1328 : vector<16xi32>
        %add3A_1330 = arith.addi %add3A_1292, %shift_right_arithmetic3A_1326 : vector<16xi32>
        %add3A_1331 = arith.addi %add3A_1293, %shift_right_arithmetic3A_1329 : vector<16xi32>
        %add3A_1332 = arith.constant 19 : i32
        %add3A_1333 = arith.addi %mul3A_974, %add3A_1332 : i32
        %get3A_1334 = arith.constant 1 : i32
        %get3A_1335 = arith.index_cast %get3A_1334 : i32 to index
        %get3A_1336 = arith.index_cast %add3A_1333 : i32 to index
        %get3A_1337 = arith.constant 0 : index
        %get3A_1338 = tpu.vector_load %arg7[%get3A_1335, %get3A_1336, %get3A_1337] {strides = array<i32>} : memref<2x1000x32xi16, #tpu.memory_space<vmem>>, vector<32xi16>,
        %bitcast3A_1339 = vector.bitcast %get3A_1338 : vector<32xi16> to vector<16xi32>
        %shift_left3A_1340 = arith.constant 16 : i32
        %shift_left3A_1341 = vector.broadcast %shift_left3A_1340 : i32 to vector<16xi32>
        %shift_left3A_1342 = arith.shli %bitcast3A_1339, %shift_left3A_1341 : vector<16xi32>
        %shift_right_arithmetic3A_1343 = arith.constant 16 : i32
        %shift_right_arithmetic3A_1344 = vector.broadcast %shift_right_arithmetic3A_1343 : i32 to vector<16xi32>
        %shift_right_arithmetic3A_1345 = arith.shrsi %shift_left3A_1342, %shift_right_arithmetic3A_1344 : vector<16xi32>
        %shift_right_arithmetic3A_1346 = arith.constant 16 : i32
        %shift_right_arithmetic3A_1347 = vector.broadcast %shift_right_arithmetic3A_1346 : i32 to vector<16xi32>
        %shift_right_arithmetic3A_1348 = arith.shrsi %bitcast3A_1339, %shift_right_arithmetic3A_1347 : vector<16xi32>
        %add3A_1349 = arith.addi %add3A_1311, %shift_right_arithmetic3A_1345 : vector<16xi32>
        %add3A_1350 = arith.addi %add3A_1312, %shift_right_arithmetic3A_1348 : vector<16xi32>
        %add3A_1351 = arith.addi %add3A_1330, %add3A_1349 : vector<16xi32>
        %max3A_1352 = arith.constant 0 : i32
        %max3A_1353 = vector.broadcast %max3A_1352 : i32 to vector<16xi32>
        %max3A_1354 = arith.maxsi %add3A_1351, %max3A_1353 : vector<16xi32>
        %convert_element_type3A_1355 = arith.sitofp %max3A_1354 : vector<16xi32> to vector<16xf32>
        %add3A_1356 = arith.addi %add3A_1331, %add3A_1350 : vector<16xi32>
        %max3A_1357 = arith.constant 0 : i32
        %max3A_1358 = vector.broadcast %max3A_1357 : i32 to vector<16xi32>
        %max3A_1359 = arith.maxsi %add3A_1356, %max3A_1358 : vector<16xi32>
        %convert_element_type3A_1360 = arith.sitofp %max3A_1359 : vector<16xi32> to vector<16xf32>
        %mul3A_1361 = arith.mulf %convert_element_type3A_1355, %get3A_367 : vector<16xf32>
        %mul3A_1362 = arith.mulf %convert_element_type3A_1360, %get3A_370 : vector<16xf32>
        %add3A_1363 = arith.addf %mul3A_1361, %mul3A_1362 : vector<16xf32>
        %add3A_1364 = vector.broadcast %add3A_972 : i32 to vector<16xi32>
        %add3A_1365 = arith.addi %mul3A_5, %add3A_1364 : vector<16xi32>
        tpu.vector_store_idx %arg9[%add3A_1365], %add3A_1363 : memref<1024xf32, #tpu.memory_space<vmem>>[vector<16xi32>], vector<16xf32>,
      }
      %scan3A_376 = arith.constant 25 : i32
      %get3A_377 = arith.constant 0 : index
      %get3A_378 = tpu.vector_load %arg9[%get3A_377] {strides = array<i32>} : memref<1024xf32, #tpu.memory_space<vmem>>, vector<16xf32>,
      %get3A_379 = arith.constant 64 : index
      %get3A_380 = tpu.vector_load %arg9[%get3A_379] {strides = array<i32>} : memref<1024xf32, #tpu.memory_space<vmem>>, vector<16xf32>,
      %add3A_381 = arith.addf %get3A_378, %get3A_380 : vector<16xf32>
      %get3A_382 = arith.constant 128 : index
      %get3A_383 = tpu.vector_load %arg9[%get3A_382] {strides = array<i32>} : memref<1024xf32, #tpu.memory_space<vmem>>, vector<16xf32>,
      %add3A_384 = arith.addf %add3A_381, %get3A_383 : vector<16xf32>
      %get3A_385 = arith.constant 192 : index
      %get3A_386 = tpu.vector_load %arg9[%get3A_385] {strides = array<i32>} : memref<1024xf32, #tpu.memory_space<vmem>>, vector<16xf32>,
      %add3A_387 = arith.addf %add3A_384, %get3A_386 : vector<16xf32>
      %get3A_388 = arith.constant 256 : index
      %get3A_389 = tpu.vector_load %arg9[%get3A_388] {strides = array<i32>} : memref<1024xf32, #tpu.memory_space<vmem>>, vector<16xf32>,
      %add3A_390 = arith.addf %add3A_387, %get3A_389 : vector<16xf32>
      %get3A_391 = arith.constant 320 : index
      %get3A_392 = tpu.vector_load %arg9[%get3A_391] {strides = array<i32>} : memref<1024xf32, #tpu.memory_space<vmem>>, vector<16xf32>,
      %add3A_393 = arith.addf %add3A_390, %get3A_392 : vector<16xf32>
      %get3A_394 = arith.constant 384 : index
      %get3A_395 = tpu.vector_load %arg9[%get3A_394] {strides = array<i32>} : memref<1024xf32, #tpu.memory_space<vmem>>, vector<16xf32>,
      %add3A_396 = arith.addf %add3A_393, %get3A_395 : vector<16xf32>
      %get3A_397 = arith.constant 448 : index
      %get3A_398 = tpu.vector_load %arg9[%get3A_397] {strides = array<i32>} : memref<1024xf32, #tpu.memory_space<vmem>>, vector<16xf32>,
      %add3A_399 = arith.addf %add3A_396, %get3A_398 : vector<16xf32>
      %get3A_400 = arith.constant 512 : index
      %get3A_401 = tpu.vector_load %arg9[%get3A_400] {strides = array<i32>} : memref<1024xf32, #tpu.memory_space<vmem>>, vector<16xf32>,
      %add3A_402 = arith.addf %add3A_399, %get3A_401 : vector<16xf32>
      %get3A_403 = arith.constant 576 : index
      %get3A_404 = tpu.vector_load %arg9[%get3A_403] {strides = array<i32>} : memref<1024xf32, #tpu.memory_space<vmem>>, vector<16xf32>,
      %add3A_405 = arith.addf %add3A_402, %get3A_404 : vector<16xf32>
      %get3A_406 = arith.constant 640 : index
      %get3A_407 = tpu.vector_load %arg9[%get3A_406] {strides = array<i32>} : memref<1024xf32, #tpu.memory_space<vmem>>, vector<16xf32>,
      %add3A_408 = arith.addf %add3A_405, %get3A_407 : vector<16xf32>
      %get3A_409 = arith.constant 704 : index
      %get3A_410 = tpu.vector_load %arg9[%get3A_409] {strides = array<i32>} : memref<1024xf32, #tpu.memory_space<vmem>>, vector<16xf32>,
      %add3A_411 = arith.addf %add3A_408, %get3A_410 : vector<16xf32>
      %get3A_412 = arith.constant 768 : index
      %get3A_413 = tpu.vector_load %arg9[%get3A_412] {strides = array<i32>} : memref<1024xf32, #tpu.memory_space<vmem>>, vector<16xf32>,
      %add3A_414 = arith.addf %add3A_411, %get3A_413 : vector<16xf32>
      %get3A_415 = arith.constant 832 : index
      %get3A_416 = tpu.vector_load %arg9[%get3A_415] {strides = array<i32>} : memref<1024xf32, #tpu.memory_space<vmem>>, vector<16xf32>,
      %add3A_417 = arith.addf %add3A_414, %get3A_416 : vector<16xf32>
      %get3A_418 = arith.constant 896 : index
      %get3A_419 = tpu.vector_load %arg9[%get3A_418] {strides = array<i32>} : memref<1024xf32, #tpu.memory_space<vmem>>, vector<16xf32>,
      %add3A_420 = arith.addf %add3A_417, %get3A_419 : vector<16xf32>
      %get3A_421 = arith.constant 960 : index
      %get3A_422 = tpu.vector_load %arg9[%get3A_421] {strides = array<i32>} : memref<1024xf32, #tpu.memory_space<vmem>>, vector<16xf32>,
      %add3A_423 = arith.addf %add3A_420, %get3A_422 : vector<16xf32>
      %swap3A_424 = arith.index_cast %add3A_342 : i32 to index
      %swap3A_425 = arith.constant 0 : index
      %swap3A_426 = tpu.vector_load %arg10[%swap3A_424, %swap3A_425] {strides = array<i32>} : memref<32x64xf32, #tpu.memory_space<vmem>>, vector<16xf32>,
      tpu.vector_store %arg10[%swap3A_424, %swap3A_425], %add3A_423 {strides = array<i32>} : memref<32x64xf32, #tpu.memory_space<vmem>>, vector<16xf32>,
      %get3A_427 = arith.constant 16 : index
      %get3A_428 = tpu.vector_load %arg9[%get3A_427] {strides = array<i32>} : memref<1024xf32, #tpu.memory_space<vmem>>, vector<16xf32>,
      %get3A_429 = arith.constant 80 : index
      %get3A_430 = tpu.vector_load %arg9[%get3A_429] {strides = array<i32>} : memref<1024xf32, #tpu.memory_space<vmem>>, vector<16xf32>,
      %add3A_431 = arith.addf %get3A_428, %get3A_430 : vector<16xf32>
      %get3A_432 = arith.constant 144 : index
      %get3A_433 = tpu.vector_load %arg9[%get3A_432] {strides = array<i32>} : memref<1024xf32, #tpu.memory_space<vmem>>, vector<16xf32>,
      %add3A_434 = arith.addf %add3A_431, %get3A_433 : vector<16xf32>
      %get3A_435 = arith.constant 208 : index
      %get3A_436 = tpu.vector_load %arg9[%get3A_435] {strides = array<i32>} : memref<1024xf32, #tpu.memory_space<vmem>>, vector<16xf32>,
      %add3A_437 = arith.addf %add3A_434, %get3A_436 : vector<16xf32>
      %get3A_438 = arith.constant 272 : index
      %get3A_439 = tpu.vector_load %arg9[%get3A_438] {strides = array<i32>} : memref<1024xf32, #tpu.memory_space<vmem>>, vector<16xf32>,
      %add3A_440 = arith.addf %add3A_437, %get3A_439 : vector<16xf32>
      %get3A_441 = arith.constant 336 : index
      %get3A_442 = tpu.vector_load %arg9[%get3A_441] {strides = array<i32>} : memref<1024xf32, #tpu.memory_space<vmem>>, vector<16xf32>,
      %add3A_443 = arith.addf %add3A_440, %get3A_442 : vector<16xf32>
      %get3A_444 = arith.constant 400 : index
      %get3A_445 = tpu.vector_load %arg9[%get3A_444] {strides = array<i32>} : memref<1024xf32, #tpu.memory_space<vmem>>, vector<16xf32>,
      %add3A_446 = arith.addf %add3A_443, %get3A_445 : vector<16xf32>
      %get3A_447 = arith.constant 464 : index
      %get3A_448 = tpu.vector_load %arg9[%get3A_447] {strides = array<i32>} : memref<1024xf32, #tpu.memory_space<vmem>>, vector<16xf32>,
      %add3A_449 = arith.addf %add3A_446, %get3A_448 : vector<16xf32>
      %get3A_450 = arith.constant 528 : index
      %get3A_451 = tpu.vector_load %arg9[%get3A_450] {strides = array<i32>} : memref<1024xf32, #tpu.memory_space<vmem>>, vector<16xf32>,
      %add3A_452 = arith.addf %add3A_449, %get3A_451 : vector<16xf32>
      %get3A_453 = arith.constant 592 : index
      %get3A_454 = tpu.vector_load %arg9[%get3A_453] {strides = array<i32>} : memref<1024xf32, #tpu.memory_space<vmem>>, vector<16xf32>,
      %add3A_455 = arith.addf %add3A_452, %get3A_454 : vector<16xf32>
      %get3A_456 = arith.constant 656 : index
      %get3A_457 = tpu.vector_load %arg9[%get3A_456] {strides = array<i32>} : memref<1024xf32, #tpu.memory_space<vmem>>, vector<16xf32>,
      %add3A_458 = arith.addf %add3A_455, %get3A_457 : vector<16xf32>
      %get3A_459 = arith.constant 720 : index
      %get3A_460 = tpu.vector_load %arg9[%get3A_459] {strides = array<i32>} : memref<1024xf32, #tpu.memory_space<vmem>>, vector<16xf32>,
      %add3A_461 = arith.addf %add3A_458, %get3A_460 : vector<16xf32>
      %get3A_462 = arith.constant 784 : index
      %get3A_463 = tpu.vector_load %arg9[%get3A_462] {strides = array<i32>} : memref<1024xf32, #tpu.memory_space<vmem>>, vector<16xf32>,
      %add3A_464 = arith.addf %add3A_461, %get3A_463 : vector<16xf32>
      %get3A_465 = arith.constant 848 : index
      %get3A_466 = tpu.vector_load %arg9[%get3A_465] {strides = array<i32>} : memref<1024xf32, #tpu.memory_space<vmem>>, vector<16xf32>,
      %add3A_467 = arith.addf %add3A_464, %get3A_466 : vector<16xf32>
      %get3A_468 = arith.constant 912 : index
      %get3A_469 = tpu.vector_load %arg9[%get3A_468] {strides = array<i32>} : memref<1024xf32, #tpu.memory_space<vmem>>, vector<16xf32>,
      %add3A_470 = arith.addf %add3A_467, %get3A_469 : vector<16xf32>
      %get3A_471 = arith.constant 976 : index
      %get3A_472 = tpu.vector_load %arg9[%get3A_471] {strides = array<i32>} : memref<1024xf32, #tpu.memory_space<vmem>>, vector<16xf32>,
      %add3A_473 = arith.addf %add3A_470, %get3A_472 : vector<16xf32>
      %swap3A_474 = arith.index_cast %add3A_342 : i32 to index
      %swap3A_475 = arith.constant 16 : index
      %swap3A_476 = tpu.vector_load %arg10[%swap3A_474, %swap3A_475] {strides = array<i32>} : memref<32x64xf32, #tpu.memory_space<vmem>>, vector<16xf32>,
      tpu.vector_store %arg10[%swap3A_474, %swap3A_475], %add3A_473 {strides = array<i32>} : memref<32x64xf32, #tpu.memory_space<vmem>>, vector<16xf32>,
      %get3A_477 = arith.constant 32 : index
      %get3A_478 = tpu.vector_load %arg9[%get3A_477] {strides = array<i32>} : memref<1024xf32, #tpu.memory_space<vmem>>, vector<16xf32>,
      %get3A_479 = arith.constant 96 : index
      %get3A_480 = tpu.vector_load %arg9[%get3A_479] {strides = array<i32>} : memref<1024xf32, #tpu.memory_space<vmem>>, vector<16xf32>,
      %add3A_481 = arith.addf %get3A_478, %get3A_480 : vector<16xf32>
      %get3A_482 = arith.constant 160 : index
      %get3A_483 = tpu.vector_load %arg9[%get3A_482] {strides = array<i32>} : memref<1024xf32, #tpu.memory_space<vmem>>, vector<16xf32>,
      %add3A_484 = arith.addf %add3A_481, %get3A_483 : vector<16xf32>
      %get3A_485 = arith.constant 224 : index
      %get3A_486 = tpu.vector_load %arg9[%get3A_485] {strides = array<i32>} : memref<1024xf32, #tpu.memory_space<vmem>>, vector<16xf32>,
      %add3A_487 = arith.addf %add3A_484, %get3A_486 : vector<16xf32>
      %get3A_488 = arith.constant 288 : index
      %get3A_489 = tpu.vector_load %arg9[%get3A_488] {strides = array<i32>} : memref<1024xf32, #tpu.memory_space<vmem>>, vector<16xf32>,
      %add3A_490 = arith.addf %add3A_487, %get3A_489 : vector<16xf32>
      %get3A_491 = arith.constant 352 : index
      %get3A_492 = tpu.vector_load %arg9[%get3A_491] {strides = array<i32>} : memref<1024xf32, #tpu.memory_space<vmem>>, vector<16xf32>,
      %add3A_493 = arith.addf %add3A_490, %get3A_492 : vector<16xf32>
      %get3A_494 = arith.constant 416 : index
      %get3A_495 = tpu.vector_load %arg9[%get3A_494] {strides = array<i32>} : memref<1024xf32, #tpu.memory_space<vmem>>, vector<16xf32>,
      %add3A_496 = arith.addf %add3A_493, %get3A_495 : vector<16xf32>
      %get3A_497 = arith.constant 480 : index
      %get3A_498 = tpu.vector_load %arg9[%get3A_497] {strides = array<i32>} : memref<1024xf32, #tpu.memory_space<vmem>>, vector<16xf32>,
      %add3A_499 = arith.addf %add3A_496, %get3A_498 : vector<16xf32>
      %get3A_500 = arith.constant 544 : index
      %get3A_501 = tpu.vector_load %arg9[%get3A_500] {strides = array<i32>} : memref<1024xf32, #tpu.memory_space<vmem>>, vector<16xf32>,
      %add3A_502 = arith.addf %add3A_499, %get3A_501 : vector<16xf32>
      %get3A_503 = arith.constant 608 : index
      %get3A_504 = tpu.vector_load %arg9[%get3A_503] {strides = array<i32>} : memref<1024xf32, #tpu.memory_space<vmem>>, vector<16xf32>,
      %add3A_505 = arith.addf %add3A_502, %get3A_504 : vector<16xf32>
      %get3A_506 = arith.constant 672 : index
      %get3A_507 = tpu.vector_load %arg9[%get3A_506] {strides = array<i32>} : memref<1024xf32, #tpu.memory_space<vmem>>, vector<16xf32>,
      %add3A_508 = arith.addf %add3A_505, %get3A_507 : vector<16xf32>
      %get3A_509 = arith.constant 736 : index
      %get3A_510 = tpu.vector_load %arg9[%get3A_509] {strides = array<i32>} : memref<1024xf32, #tpu.memory_space<vmem>>, vector<16xf32>,
      %add3A_511 = arith.addf %add3A_508, %get3A_510 : vector<16xf32>
      %get3A_512 = arith.constant 800 : index
      %get3A_513 = tpu.vector_load %arg9[%get3A_512] {strides = array<i32>} : memref<1024xf32, #tpu.memory_space<vmem>>, vector<16xf32>,
      %add3A_514 = arith.addf %add3A_511, %get3A_513 : vector<16xf32>
      %get3A_515 = arith.constant 864 : index
      %get3A_516 = tpu.vector_load %arg9[%get3A_515] {strides = array<i32>} : memref<1024xf32, #tpu.memory_space<vmem>>, vector<16xf32>,
      %add3A_517 = arith.addf %add3A_514, %get3A_516 : vector<16xf32>
      %get3A_518 = arith.constant 928 : index
      %get3A_519 = tpu.vector_load %arg9[%get3A_518] {strides = array<i32>} : memref<1024xf32, #tpu.memory_space<vmem>>, vector<16xf32>,
      %add3A_520 = arith.addf %add3A_517, %get3A_519 : vector<16xf32>
      %get3A_521 = arith.constant 992 : index
      %get3A_522 = tpu.vector_load %arg9[%get3A_521] {strides = array<i32>} : memref<1024xf32, #tpu.memory_space<vmem>>, vector<16xf32>,
      %add3A_523 = arith.addf %add3A_520, %get3A_522 : vector<16xf32>
      %swap3A_524 = arith.index_cast %add3A_342 : i32 to index
      %swap3A_525 = arith.constant 32 : index
      %swap3A_526 = tpu.vector_load %arg10[%swap3A_524, %swap3A_525] {strides = array<i32>} : memref<32x64xf32, #tpu.memory_space<vmem>>, vector<16xf32>,
      tpu.vector_store %arg10[%swap3A_524, %swap3A_525], %add3A_523 {strides = array<i32>} : memref<32x64xf32, #tpu.memory_space<vmem>>, vector<16xf32>,
      %get3A_527 = arith.constant 48 : index
      %get3A_528 = tpu.vector_load %arg9[%get3A_527] {strides = array<i32>} : memref<1024xf32, #tpu.memory_space<vmem>>, vector<16xf32>,
      %get3A_529 = arith.constant 112 : index
      %get3A_530 = tpu.vector_load %arg9[%get3A_529] {strides = array<i32>} : memref<1024xf32, #tpu.memory_space<vmem>>, vector<16xf32>,
      %add3A_531 = arith.addf %get3A_528, %get3A_530 : vector<16xf32>
      %get3A_532 = arith.constant 176 : index
      %get3A_533 = tpu.vector_load %arg9[%get3A_532] {strides = array<i32>} : memref<1024xf32, #tpu.memory_space<vmem>>, vector<16xf32>,
      %add3A_534 = arith.addf %add3A_531, %get3A_533 : vector<16xf32>
      %get3A_535 = arith.constant 240 : index
      %get3A_536 = tpu.vector_load %arg9[%get3A_535] {strides = array<i32>} : memref<1024xf32, #tpu.memory_space<vmem>>, vector<16xf32>,
      %add3A_537 = arith.addf %add3A_534, %get3A_536 : vector<16xf32>
      %get3A_538 = arith.constant 304 : index
      %get3A_539 = tpu.vector_load %arg9[%get3A_538] {strides = array<i32>} : memref<1024xf32, #tpu.memory_space<vmem>>, vector<16xf32>,
      %add3A_540 = arith.addf %add3A_537, %get3A_539 : vector<16xf32>
      %get3A_541 = arith.constant 368 : index
      %get3A_542 = tpu.vector_load %arg9[%get3A_541] {strides = array<i32>} : memref<1024xf32, #tpu.memory_space<vmem>>, vector<16xf32>,
      %add3A_543 = arith.addf %add3A_540, %get3A_542 : vector<16xf32>
      %get3A_544 = arith.constant 432 : index
      %get3A_545 = tpu.vector_load %arg9[%get3A_544] {strides = array<i32>} : memref<1024xf32, #tpu.memory_space<vmem>>, vector<16xf32>,
      %add3A_546 = arith.addf %add3A_543, %get3A_545 : vector<16xf32>
      %get3A_547 = arith.constant 496 : index
      %get3A_548 = tpu.vector_load %arg9[%get3A_547] {strides = array<i32>} : memref<1024xf32, #tpu.memory_space<vmem>>, vector<16xf32>,
      %add3A_549 = arith.addf %add3A_546, %get3A_548 : vector<16xf32>
      %get3A_550 = arith.constant 560 : index
      %get3A_551 = tpu.vector_load %arg9[%get3A_550] {strides = array<i32>} : memref<1024xf32, #tpu.memory_space<vmem>>, vector<16xf32>,
      %add3A_552 = arith.addf %add3A_549, %get3A_551 : vector<16xf32>
      %get3A_553 = arith.constant 624 : index
      %get3A_554 = tpu.vector_load %arg9[%get3A_553] {strides = array<i32>} : memref<1024xf32, #tpu.memory_space<vmem>>, vector<16xf32>,
      %add3A_555 = arith.addf %add3A_552, %get3A_554 : vector<16xf32>
      %get3A_556 = arith.constant 688 : index
      %get3A_557 = tpu.vector_load %arg9[%get3A_556] {strides = array<i32>} : memref<1024xf32, #tpu.memory_space<vmem>>, vector<16xf32>,
      %add3A_558 = arith.addf %add3A_555, %get3A_557 : vector<16xf32>
      %get3A_559 = arith.constant 752 : index
      %get3A_560 = tpu.vector_load %arg9[%get3A_559] {strides = array<i32>} : memref<1024xf32, #tpu.memory_space<vmem>>, vector<16xf32>,
      %add3A_561 = arith.addf %add3A_558, %get3A_560 : vector<16xf32>
      %get3A_562 = arith.constant 816 : index
      %get3A_563 = tpu.vector_load %arg9[%get3A_562] {strides = array<i32>} : memref<1024xf32, #tpu.memory_space<vmem>>, vector<16xf32>,
      %add3A_564 = arith.addf %add3A_561, %get3A_563 : vector<16xf32>
      %get3A_565 = arith.constant 880 : index
      %get3A_566 = tpu.vector_load %arg9[%get3A_565] {strides = array<i32>} : memref<1024xf32, #tpu.memory_space<vmem>>, vector<16xf32>,
      %add3A_567 = arith.addf %add3A_564, %get3A_566 : vector<16xf32>
      %get3A_568 = arith.constant 944 : index
      %get3A_569 = tpu.vector_load %arg9[%get3A_568] {strides = array<i32>} : memref<1024xf32, #tpu.memory_space<vmem>>, vector<16xf32>,
      %add3A_570 = arith.addf %add3A_567, %get3A_569 : vector<16xf32>
      %get3A_571 = arith.constant 1008 : index
      %get3A_572 = tpu.vector_load %arg9[%get3A_571] {strides = array<i32>} : memref<1024xf32, #tpu.memory_space<vmem>>, vector<16xf32>,
      %add3A_573 = arith.addf %add3A_570, %get3A_572 : vector<16xf32>
      %swap3A_574 = arith.index_cast %add3A_342 : i32 to index
      %swap3A_575 = arith.constant 48 : index
      %swap3A_576 = tpu.vector_load %arg10[%swap3A_574, %swap3A_575] {strides = array<i32>} : memref<32x64xf32, #tpu.memory_space<vmem>>, vector<16xf32>,
      tpu.vector_store %arg10[%swap3A_574, %swap3A_575], %add3A_573 {strides = array<i32>} : memref<32x64xf32, #tpu.memory_space<vmem>>, vector<16xf32>,
    }
    %scan3A_105 = arith.constant 16 : i32
    "tpu.region"() ({
      %run_scoped3A = tpu.sem_alloc : memref<!tpu.dma_semaphore, #tpu.memory_space<semaphore_mem>>
      %dma_start3A_106 = arith.constant 0 : i32
      %dma_start3A_107 = tpu.memref_slice %arg5[%mul3A_2, %dma_start3A_106] : memref<1024x64xf32, #tpu.memory_space<hbm>> -> memref<32x64xf32, #tpu.memory_space<hbm>>
      %dma_start3A_108 = arith.constant 0 : i32
      %dma_start3A_109 = tpu.memref_slice %arg5[%mul3A_2, %dma_start3A_108] : memref<1024x64xf32, #tpu.memory_space<hbm>> -> memref<32x64xf32, #tpu.memory_space<hbm>>
      tpu.enqueue_dma source(%arg10 : memref<32x64xf32, #tpu.memory_space<vmem>>) target(%dma_start3A_109 : memref<32x64xf32, #tpu.memory_space<hbm>>) target_semaphore(%run_scoped3A : memref<!tpu.dma_semaphore, #tpu.memory_space<semaphore_mem>>)
      %dma_wait3A = arith.constant 0 : i32
      %dma_wait3A_110 = tpu.memref_slice %arg5[%mul3A_2, %dma_wait3A] : memref<1024x64xf32, #tpu.memory_space<hbm>> -> memref<32x64xf32, #tpu.memory_space<hbm>>
      %dma_wait3A_111 = arith.constant 0 : i32
      %dma_wait3A_112 = tpu.memref_slice %arg5[%mul3A_2, %dma_wait3A_111] : memref<1024x64xf32, #tpu.memory_space<hbm>> -> memref<32x64xf32, #tpu.memory_space<hbm>>
      tpu.wait_dma2 semaphore(%run_scoped3A : memref<!tpu.dma_semaphore, #tpu.memory_space<semaphore_mem>>) src(%arg10 : memref<32x64xf32, #tpu.memory_space<vmem>>) dst(%dma_wait3A_112 : memref<32x64xf32, #tpu.memory_space<hbm>>)
      tpu.yield
    }) : () -> ()
    return
  }
}

module attributes {stable_mosaic.version = 14 : i64} {
  func.func @body(%arg0: i32, %arg1: memref<256x1000xf32, #tpu.memory_space<vmem>>, %arg2: memref<32x1000xf32, #tpu.memory_space<vmem>>, %arg3: memref<1x32xf32, #tpu.memory_space<vmem>>, %arg4: memref<1x1xf32, #tpu.memory_space<smem>>, %arg5: memref<256x32xf32, #tpu.memory_space<vmem>>) attributes {dimension_semantics = [#tpu.dimension_semantics<arbitrary>], iteration_bounds = array<i64: 4>, scalar_prefetch = 0 : i64, scratch_operands = 0 : i64, tpu.core_type = #tpu.core_type<tc>, window_params = [{transform_indices = @transform_0, window_bounds = array<i64: 256, 1000>}, {pipeline_mode = #tpu.pipeline_mode<synchronous>, transform_indices = @transform_1, window_bounds = array<i64: 32, 1000>}, {pipeline_mode = #tpu.pipeline_mode<synchronous>, transform_indices = @transform_2, window_bounds = array<i64: 1, 32>}, {transform_indices = @transform_3, window_bounds = array<i64: 1, 1>}, {transform_indices = @transform_4, window_bounds = array<i64: 256, 32>}]} {
    %get3A = arith.constant 0 : index
    %get3A_0 = arith.constant 0 : index
    %get3A_1 = vector.load %arg1[%get3A, %get3A_0] : memref<256x1000xf32, #tpu.memory_space<vmem>>, vector<256x1000xf32>
    %get3A_2 = arith.constant 0 : index
    %get3A_3 = arith.constant 0 : index
    %get3A_4 = vector.load %arg2[%get3A_2, %get3A_3] : memref<32x1000xf32, #tpu.memory_space<vmem>>, vector<32x1000xf32>
    %dot_general3A = arith.constant dense<0.000000e+00> : vector<256x32xf32>
    %dot_general3A_5 = tpu.matmul %get3A_1, %get3A_4, %dot_general3A {dimension_numbers = #tpu.dot_dimension_numbers<[1], [1], [0], [0], [0, 0, 1, 0], [], []>, transpose_lhs_hint = false} : vector<256x1000xf32>, vector<32x1000xf32>, vector<256x32xf32> -> vector<256x32xf32>
    %get3A_6 = arith.constant 0 : index
    %get3A_7 = arith.constant 0 : index
    %get3A_8 = vector.load %arg3[%get3A_6, %get3A_7] : memref<1x32xf32, #tpu.memory_space<vmem>>, vector<1x32xf32>
    %add3A = vector.broadcast %get3A_8 : vector<1x32xf32> to vector<256x32xf32>
    %add3A_9 = arith.addf %dot_general3A_5, %add3A : vector<256x32xf32>
    %max3A = arith.constant 0.000000e+00 : f32
    %max3A_10 = vector.broadcast %max3A : f32 to vector<256x32xf32>
    %max3A_11 = arith.maximumf %add3A_9, %max3A_10 : vector<256x32xf32>
    %get3A_12 = arith.constant 0 : index
    %get3A_13 = arith.constant 0 : index
    %get3A_14 = memref.load %arg4[%get3A_12, %get3A_13] : memref<1x1xf32, #tpu.memory_space<smem>>
    %mul3A = vector.broadcast %get3A_14 : f32 to vector<256x32xf32>
    %mul3A_15 = arith.mulf %max3A_11, %mul3A : vector<256x32xf32>
    %swap3A = arith.constant 0 : index
    %swap3A_16 = arith.constant 0 : index
    %swap3A_17 = vector.load %arg5[%swap3A, %swap3A_16] : memref<256x32xf32, #tpu.memory_space<vmem>>, vector<256x32xf32>
    tpu.vector_store %arg5[%swap3A, %swap3A_16], %mul3A_15 {strides = array<i32>} : memref<256x32xf32, #tpu.memory_space<vmem>>, vector<256x32xf32>,
    return
  }
  func.func @transform_0(%arg0: i32) -> (i32, i32) {
    %c0_i32 = arith.constant 0 : i32
    %c0_i32_0 = arith.constant 0 : i32
    return %arg0, %c0_i32 : i32, i32
  }
  func.func @transform_1(%arg0: i32) -> (i32, i32) {
    %c0_i32 = arith.constant 0 : i32
    %c0_i32_0 = arith.constant 0 : i32
    %c0_i32_1 = arith.constant 0 : i32
    return %c0_i32, %c0_i32_0 : i32, i32
  }
  func.func @transform_2(%arg0: i32) -> (i32, i32) {
    %c0_i32 = arith.constant 0 : i32
    %c0_i32_0 = arith.constant 0 : i32
    %c0_i32_1 = arith.constant 0 : i32
    return %c0_i32, %c0_i32_0 : i32, i32
  }
  func.func @transform_3(%arg0: i32) -> (i32, i32) {
    %c0_i32 = arith.constant 0 : i32
    %c0_i32_0 = arith.constant 0 : i32
    %c0_i32_1 = arith.constant 0 : i32
    return %c0_i32, %c0_i32_0 : i32, i32
  }
  func.func @transform_4(%arg0: i32) -> (i32, i32) {
    %c0_i32 = arith.constant 0 : i32
    %c0_i32_0 = arith.constant 0 : i32
    return %arg0, %c0_i32 : i32, i32
  }
}

module attributes {stable_mosaic.version = 14 : i64} {
  func.func @body(%arg0: memref<1024x64xf32, #tpu.memory_space<vmem>>, %arg1: memref<1024x50xf32, #tpu.memory_space<vmem>>, %arg2: memref<1024x50xf32, #tpu.memory_space<vmem>>) attributes {dimension_semantics = [], scalar_prefetch = 0 : i64, scratch_operands = 0 : i64, tpu.core_type = #tpu.core_type<tc>} {
    %get3A = arith.constant 0 : index
    %get3A_0 = arith.constant 0 : index
    %get3A_1 = vector.load %arg0[%get3A, %get3A_0] : memref<1024x64xf32, #tpu.memory_space<vmem>>, vector<1024x50xf32>
    %get3A_2 = arith.constant 0 : index
    %get3A_3 = arith.constant 0 : index
    %get3A_4 = vector.load %arg1[%get3A_2, %get3A_3] : memref<1024x50xf32, #tpu.memory_space<vmem>>, vector<1024x50xf32>
    %sub3A = arith.constant 1.000000e+00 : f32
    %sub3A_5 = vector.broadcast %sub3A : f32 to vector<1024x50xf32>
    %sub3A_6 = arith.subf %sub3A_5, %get3A_4 : vector<1024x50xf32>
    %mul3A = arith.constant -9.99999961E+35 : f32
    %mul3A_7 = vector.broadcast %mul3A : f32 to vector<1024x50xf32>
    %mul3A_8 = arith.mulf %sub3A_6, %mul3A_7 : vector<1024x50xf32>
    %add3A = arith.addf %get3A_1, %mul3A_8 : vector<1024x50xf32>
    %reduce_max3A = arith.constant dense<0xFF800000> : vector<1024xf32>
    %reduce_max3A_9 = vector.multi_reduction <maximumf>, %add3A, %reduce_max3A [1] : vector<1024x50xf32> to vector<1024xf32>
    %broadcast_in_dim3A = vector.shape_cast %reduce_max3A_9 : vector<1024xf32> to vector<1024x1xf32>
    %sub3A_10 = vector.broadcast %broadcast_in_dim3A : vector<1024x1xf32> to vector<1024x50xf32>
    %sub3A_11 = arith.subf %add3A, %sub3A_10 : vector<1024x50xf32>
    %exp3A = math.exp %sub3A_11 : vector<1024x50xf32>
    %reduce_sum3A = arith.constant dense<0.000000e+00> : vector<1024xf32>
    %reduce_sum3A_12 = vector.multi_reduction <add>, %exp3A, %reduce_sum3A [1] : vector<1024x50xf32> to vector<1024xf32>
    %broadcast_in_dim3A_13 = vector.shape_cast %reduce_sum3A_12 : vector<1024xf32> to vector<1024x1xf32>
    %div3A = vector.broadcast %broadcast_in_dim3A_13 : vector<1024x1xf32> to vector<1024x50xf32>
    %div3A_14 = arith.divf %exp3A, %div3A : vector<1024x50xf32>
    %swap3A = arith.constant 0 : index
    %swap3A_15 = arith.constant 0 : index
    %swap3A_16 = vector.load %arg2[%swap3A, %swap3A_15] : memref<1024x50xf32, #tpu.memory_space<vmem>>, vector<1024x50xf32>
    tpu.vector_store %arg2[%swap3A, %swap3A_15], %div3A_14 {strides = array<i32>} : memref<1024x50xf32, #tpu.memory_space<vmem>>, vector<1024x50xf32>,
    return
  }
}

</mosaic_0001>

<sc_bundles>
// kernel: kernel.5.cloned.1.call-start
scs
__scs_entry_jumppad:
0x0: {  	(pc) =	sbr.rel $0x88, $3  }
0x1: {  	(tag) =	ssettag $0x0;
	lr =	simm.s32 $0x1  }
0x2: {  	[smem:$0x3F9B] =	sst lr;
	_ =	strace $0xD0000000  }
0x3: {  	_ = 	snop  }
0x4: {  	_ = 	snop  }
0x5: {  	_ = 	snop  }
0x6: {  	_ = 	snop  }
0x7: {  	_ = 	snop  }
__scs_overlays_trampoline_lowered:
0x8: {  	[smem:$0x3FAA] =	sst s0  }
0x9: {  	[smem:$0x3FAB] =	sst s1  }
0xa: {  	[smem:$0x3FAC] =	sst s2  }
0xb: {  	[smem:$0x3FAD] =	sst s3  }
0xc: {  	[smem:$0x3FAE] =	sst s4  }
0xd: {  	[smem:$0x3FAF] =	sst s5  }
0xe: {  	[smem:$0x3FB0] =	sst s6  }
0xf: {  	[smem:$0x3FB1] =	sst s7  }
0x10: {  	[smem:$0x3FB2] =	sst s8  }
0x11: {  	[smem:$0x3FB3] =	sst s9;
	s0 =	simm.s32 @!p0 $0x0  }
0x12: {  	s1 =	sld [smem:$0x3F99];
	s0 =	simm.s32 @p0 $0x1  }
0x13: {  	[smem:$0x3FB4] =	sst s0;
	s0 =	simm.s32 @!p1 $0x0  }
0x14: {  	s2 =	sld [smem:$0x3F98];
	s0 =	simm.s32 @p1 $0x1  }
0x15: {  	[smem:$0x3FB5] =	sst s0;
	s0 =	simm.s32 @!p2 $0x0  }
0x16: {  	s3 =	sld [smem:$0x3FDB];
	s0 =	simm.s32 @p2 $0x1  }
0x17: {  	s4 =	simm.s32 $0x1BF5;
	[smem:$0x3FB7] =	sst s0  }
0x18: {  	s0 =	sld [smem:$0x3F9A];
	_ =	swait.ge [sflag:s4], $0x0  }
0x19: {  	s7 =	sld [smem:$0x3F9B]  }
0x1a: {  	s8 =	sadd.s32 $0xFFFFE003, lr  }
0x1b: {  	s9 =	sadd.s32 $0xFFFFFEF7, lr;
	s5 =	simm.s32 $0xFFFFFFFF;
	p2 =	slt.u32 s8, $0xFFFFF086  }
0x1c: {  	p1 =	slt.u32 s9, $0xF7A;
	s5 =	simm.s32 @!p2 $0x0  }
0x1d: {  	s5 =	simm.s32 @p1 $0x1;
	p0 =	seq.s32 s7, s2  }
0x1e: {  	s7 =	smul.u32 @!p0 $0xF7A, s2;
	p2 =	seq.s32 @!p0 s5, $0x0  }
0x1f: {  	s9 =	smul.u32 $0xF7A, s1;
	s8 =	simm.s32 @!p0 $0x1BF5;
	p2 =	por !p2, p0  }
0x20: {  	[sflag:s8] =	ssyncset.s32 @!p0 $0xFFFFF086;
	s6 =	sadd.s32 @!p0 s3, s7;
	s7 =	simm.s32 @!p0 $0x108  }
0x21: {  	s3 =	sadd.s32 s3, s9;
	s6 =	sadd.s32 @!p0 $0x88, s6;
	s7 =	simm.s32 @p2 $0x1082  }
0x22: {  	[simem:s7], [sflag:s8] =	dma.local @!p0 [hbm:s6], $0xF7A  }
0x23: {  	s9 =	sor.u32 $0xD0000000, s2;
	s6 =	simm.s32 $0x108;
	_ =	swait.ge @!p0 [sflag:s8], $0x0  }
0x24: {  	s3 =	sadd.s32 $0x88, s3;
	s6 =	simm.s32 @!p1 $0x1082;
	[sflag:s4] =	ssyncset.s32 $0xFFFFF086  }
0x25: {  	[simem:s6], [sflag:s4] =	dma.local [hbm:s3], $0xF7A  }
0x26: {  	[smem:$0x3F9B] =	sst s1;
	(tag) =	ssettag s2;
	_ =	strace s9  }
0x27: {  	s1 =	sld [smem:$0x3FAB]  }
0x28: {  	s2 =	sld [smem:$0x3FAC]  }
0x29: {  	s4 =	sld [smem:$0x3FAE]  }
0x2a: {  	p0 =	seq.s32 s5, $0x0;
	s5 =	sld [smem:$0x3FAF]  }
0x2b: {  	s6 =	sld [smem:$0x3FB0]  }
0x2c: {  	s7 =	sld [smem:$0x3FB1]  }
0x2d: {  	s3 =	simm.s32 $0x108;
	s8 =	sld [smem:$0x3FB2]  }
0x2e: {  	s3 =	simm.s32 @!p0 $0x1082;
	s9 =	sld [smem:$0x3FB3]  }
0x2f: {  	lr =	sadd.s32 s0, s3;
	s0 =	sld [smem:$0x3FAA]  }
0x30: {  	s3 =	sld [smem:$0x3FAD]  }
0x31: {  	[smem:$0x3FB6] =	sst s10  }
0x32: {  	s10 =	sld [smem:$0x3FB4];
	_ =	sdelay $0x3  }
0x33: {  	p0 =	seq.s32 s10, $0x1;
	s10 =	sld [smem:$0x3FB6];
	_ =	sdelay $0x3  }
0x34: {  	[smem:$0x3FB6] =	sst s10  }
0x35: {  	s10 =	sld [smem:$0x3FB5];
	_ =	sdelay $0x3  }
0x36: {  	p1 =	seq.s32 s10, $0x1;
	s10 =	sld [smem:$0x3FB6];
	_ =	sdelay $0x3  }
0x37: {  	[smem:$0x3FB6] =	sst s10  }
0x38: {  	s10 =	sld [smem:$0x3FB7]  }
0x39: {  	_ = 	snop;
	(pc) =	sbr.ind lr, $3  }
0x3a: {  	_ = 	snop  }
0x3b: {  	_ = 	snop  }
0x3c: {  	p2 =	seq.s32 s10, $0x1;
	s10 =	sld [smem:$0x3FB6]  }
0x3d: {  	_ =	shalt  }
0x3e: {  	_ =	shalt  }
0x3f: {  	_ =	shalt  }
0x40: {  	_ =	shalt  }
0x41: {  	_ =	shalt  }
0x42: {  	_ =	shalt  }
0x43: {  	_ =	shalt  }
0x44: {  	_ =	shalt  }
0x45: {  	_ =	shalt  }
0x46: {  	_ =	shalt  }
0x47: {  	_ =	shalt  }
0x48: {  	_ =	shalt  }
0x49: {  	_ =	shalt  }
0x4a: {  	_ =	shalt  }
0x4b: {  	_ =	shalt  }
0x4c: {  	_ =	shalt  }
0x4d: {  	_ =	shalt  }
0x4e: {  	_ =	shalt  }
0x4f: {  	_ =	shalt  }
0x50: {  	_ =	shalt  }
0x51: {  	_ =	shalt  }
0x52: {  	_ =	shalt  }
0x53: {  	_ =	shalt  }
0x54: {  	_ =	shalt  }
0x55: {  	_ =	shalt  }
0x56: {  	_ =	shalt  }
0x57: {  	_ =	shalt  }
0x58: {  	_ =	shalt  }
0x59: {  	_ =	shalt  }
0x5a: {  	_ =	shalt  }
0x5b: {  	_ =	shalt  }
0x5c: {  	_ =	shalt  }
0x5d: {  	_ =	shalt  }
0x5e: {  	_ =	shalt  }
0x5f: {  	_ =	shalt  }
0x60: {  	_ =	shalt  }
0x61: {  	_ =	shalt  }
0x62: {  	_ =	shalt  }
0x63: {  	_ =	shalt  }
0x64: {  	_ =	shalt  }
0x65: {  	_ =	shalt  }
0x66: {  	_ =	shalt  }
0x67: {  	_ =	shalt  }
0x68: {  	_ =	shalt  }
0x69: {  	_ =	shalt  }
0x6a: {  	_ =	shalt  }
0x6b: {  	_ =	shalt  }
0x6c: {  	_ =	shalt  }
0x6d: {  	_ =	shalt  }
0x6e: {  	_ =	shalt  }
0x6f: {  	_ =	shalt  }
0x70: {  	_ =	shalt  }
0x71: {  	_ =	shalt  }
0x72: {  	_ =	shalt  }
0x73: {  	_ =	shalt  }
0x74: {  	_ =	shalt  }
0x75: {  	_ =	shalt  }
0x76: {  	_ =	shalt  }
0x77: {  	_ =	shalt  }
0x78: {  	_ =	shalt  }
0x79: {  	_ =	shalt  }
0x7a: {  	_ =	shalt  }
0x7b: {  	_ =	shalt  }
0x7c: {  	_ =	shalt  }
0x7d: {  	_ =	shalt  }
0x7e: {  	_ =	shalt  }
0x7f: {  	_ =	shalt  }
0x80: {  	_ =	shalt  }
0x81: {  	_ =	shalt  }
0x82: {  	_ =	shalt  }
0x83: {  	_ =	shalt  }
0x84: {  	_ =	shalt  }
0x85: {  	_ =	shalt  }
0x86: {  	_ =	shalt  }
0x87: {  	_ =	shalt  }
.Lfunc_end0:
.L_simem_size_0:
called_computation_lowered:
.L_overlay_start_0:
0x88: {  	s2 =	sld [smem:$0x3FD9]  }
0x89: {  	s3 =	sld [smem:$0x3FFE];
	_ =	sdelay $0x1  }
0x8a: {  	s1 =	srdreg.scid  }
0x8b: {  	s0 =	sand.u32 $0x1, s1  }
0x8c: {  	s17 =	sshll.u32 s0, $0xA;
	s2 =	sadd.s32 s3, s2  }
0x8d: {  	s2 =	sadd.s32 s2, s17  }
0x8e: {  	[smem:$0x3FC2] =	sst s2  }
0x8f: {  	_ = 	snop  }
0x90: {  	s2 =	sld [smem:$0x3FD0];
	(tm) =	ssettm $0x1  }
0x91: {  	s18 =	sld [smem:$0x3FFB];
	_ =	sdelay $0x3  }
0x92: {  	_ =	strace s18  }
0x93: {  	s3 =	sld [smem:$0x3FFC];
	_ =	sdelay $0x3  }
0x94: {  	_ =	strace s3  }
0x95: {  	s3 =	sld [smem:$0x3FFD];
	_ =	sdelay $0x3  }
0x96: {  	_ =	strace s3  }
0x97: {  	_ =	strace $0x8FFFFFFF  }
0x98: {  	s19 =	sld [smem:$0x3FDB];
	_ =	sdelay $0x1  }
0x99: {  	s4 =	simm.s32 $_scs_section_size  }
0x9a: {  	s5 =	simm.s32 $_size__tile_overlayer_lowered;
	s6 =	simm.s32 $_tile_overlayer_lowered  }
0x9b: {  	s22 =	simm.s32 $0x1BFF;
	s21 =	sshll.u32 s6, $0x1;
	s3 =	sadd.s32 s4, s19  }
0x9c: {  	s7 =	simm.s32 $0x0;
	s20 =	sshll.u32 s5, $0x1;
	s5 =	sadd.s32 s21, s3  }
0x9d: {  	[timem:s7], [sflag:s22] =	dma.local [hbm:s5], s20  }
0x9e: {  	_ =	swait.ge [sflag:s22], s20  }
0x9f: {  	s4 =	ssub.s32 $0x0, s20;
	[sflag:s22] =	ssyncset.done $0x0  }
0xa0: {  	[sflag:s22] =	ssyncadd.s32 s4;
	_ =	sdelay $0x1  }
0xa1: {  	s23 =	simm.s32 $0x1B8B  }
0xa2: {  	_ =	swait.ge [sflag:s23], $0x1  }
0xa3: {  	[sflag:s23] =	ssyncset.done $0x0  }
0xa4: {  	s25 =	simm.s32 $0x1B8E;
	s24 =	sld [smem:$0x3FFE];
	[sflag:s23] =	ssyncadd.s32 $0xFFFFFFFF  }
0xa5: {  	s26 =	simm.s32 $execute0_lowered;
	[smem:$0x3FD2] =	sst s25  }
0xa6: {  	s5 =	sshll.u32 s26, $0x1;
	_ =	strace $0x80000046;
	[dreg:$0x1] =	wrdreg $0xFFFFFFFF  }
0xa7: {  	s28 =	simm.s32 $_size_execute0_lowered;
	s3 =	sadd.s32 s3, s5;
	[dreg:$0x0] =	wrdreg $0x0  }
0xa8: {  	s5 =	sshll.u32 s28, $0x1;
	[dreg:$0x2] =	wrdreg s3  }
0xa9: {  	[dreg:$0x3] =	wrdreg s5  }
0xaa: {  	[dreg:$0x4] =	wrdreg $0xC0  }
0xab: {  	_ =	task [dreg:s7], $0x5FFFF  }
0xac: {  	[dreg:$0x1] =	wrdreg $0xFFFFFFFF  }
0xad: {  	[dreg:$0x0] =	wrdreg $0x60  }
0xae: {  	[dreg:$0x2] =	wrdreg s24  }
0xaf: {  	[dreg:$0x3] =	wrdreg s2  }
0xb0: {  	[dreg:$0x4] =	wrdreg $0x9  }
0xb1: {  	_ =	task.clear_ibuf [dreg:s7], $0x5FFFF;
	_ =	strace $0x90000046  }
0xb2: {  	s29 =	simm.s32 $0x9;
	_ =	strace $0x80000048  }
0xb3: {  	_ =	swait.ge [sflag:s29], $0x1  }
0xb4: {  	[sflag:s29] =	ssyncadd.s32 $0xFFFFFFFF  }
0xb5: {  	_ =	strace $0x90000048  }
0xb6: {  	_ =	sfence  }
0xb7: {  	s30 =	sld [smem:$0x0];
	_ =	sdelay $0x2  }
0xb8: {  	s31 =	sshll.u32 s1, $0xD;
	s1 =	sshrl.u32 s1, $0x2  }
0xb9: {  	s3 =	sand.u32 $0x4000, s31;
	s1 =	sadd.s32 s1, s30  }
0xba: {  	s0 =	sor.u32 s3, s0;
	s1 =	sshll.u32 s1, $0x11  }
0xbb: {  	s0 =	sor.u32 s1, s0  }
0xbc: {  	s0 =	sadd.s32 $0x8F2B, s0  }
0xbd: {  	[sflag:s0] =	ssyncadd.remote.s32 $0x1  }
0xbe: {  	_ =	sfence.sel $0xFFFF  }
0xbf: {  	[dreg:$0x0] =	wrdreg $0xFFFFFFFF;
	(pc) =	sbr.abs _section_cstart, $3  }
0xc0: {  	[dreg:$0x1] =	wrdreg $0xFFFFFFFF  }
0xc1: {  	_ =	task.clear_ibuf [dreg:s7], $0x2FFFF;
	_ =	strace $0x9FFFFFFF  }
0xc2: {  	(tm) =	ssettm $0x7FFFFFFF  }
0xc3: {  	_ =	shalt  }
tec
execute0_lowered:
.L_overlay_start_1:
0x0: {  	(tag) =	ssettag $0x1  }
0x1: {  	s0 =	rddreg [dreg:$0x0]  }
0x2: {  	s1 =	rddreg [dreg:$0x1];
	s2 =	srdreg.scid  }
0x3: {  	s3 =	stileid.u32;
	s8 =	simm.s32 $0x3;
	s10 =	simm.s32 $0x80  }
0x4: {  	s22 =	simm.s32 $0xAD00;
	s23 =	simm.s32 $0x68;
	s24 =	simm.s32 $0x380  }
0x5: {  	s25 =	simm.s32 $0xB500;
	s28 =	simm.s32 $0xC380;
	s29 =	simm.s32 $0xCB80  }
0x6: {  	s30 =	simm.s32 $0xD380;
	s31 =	simm.s32 $0xDB80;
	s9 =	simm.s32 $0xF380  }
0x7: {  	s11 =	simm.s32 $0xFE00;
	s12 =	simm.s32 $0x2;
	s13 =	simm.s32 $0x10200  }
0x8: {  	s14 =	simm.s32 $0x0;
	s4 =	sand.u32 $0x1, s2;
	s2 =	simm.s32 $0x0  }
0x9: {  	s3 =	sshll.u32 s3, $0x6;
	s5 =	sshll.u32 s4, $0x5;
	[smem:$0x7FF] =	sst s2  }
0xa: {  	s4 =	ssub.s32 $0x2, s4;
	s5 =	sor.u32 s5, s3;
	_ =	strace $0x80000047  }
0xb: {  	s6 =	smul.u32 $0x7D, s5;
	s7 =	sshll.u32 s5, $0x3;
	s5 =	sshll.u32 s5, $0x2  }
0xc: {  	s3 =	sadd.s32 $0xC00, s0;
	s26 =	sshrl.u32 s4, $0x1;
	s5 =	sadd.s32 s1, s5  }
0xd: {  	s1 =	simm.s32 $0xEB80;
	s6 =	sadd.s32 s6, s0;
	s0 =	sadd.s32 s7, s0  }
0xe: {  	v0 =	vlaneseq.u32;
	s7 =	ssub.s32 s4, s26;
	s26 =	simm.s32 $0xBB80;
	s4 =	sadd.s32 $0x31A00, s6  }
0xf: {  	v0 =	vmul.u32 $0x40, v0;
	s6 =	sadd.s32 $0x50E00, s0;
	s7 =	smax.u32 s7, $0x1;
	s0 =	simm.s32 $0xE380  }
.LBB2_1:
0x10: {  	[tilespmem:s2], [sflag:$0x3] =	stream.linear.gather [hbm4b:s4+s2], $0x7D00, $0x38;
	[tilespmem:$0x10A00] =	vst v63  }
0x11: {  	_ =	swait.ge [sflag:s8], $0x7D00  }
0x12: {  	[sflag:s8] =	ssyncset.done $0x0  }
0x13: {  	s15 =	simm.s32 $0xFA00;
	[sflag:s8] =	ssyncadd.s32 $0xFFFF8300  }
0x14: {  	[tilespmem:s15], [sflag:$0x3] =	stream.linear.gather [hbm4b:s5+s2], $0x400, $0x38;
	[tilespmem:$0x10A00] =	vst v63  }
0x15: {  	_ =	swait.ge [sflag:s8], $0x400  }
0x16: {  	[sflag:s8] =	ssyncset.done $0x0  }
0x17: {  	s17 =	simm.s32 $0x7D00;
	[sflag:s8] =	ssyncadd.s32 $0xFFFFFC00  }
0x18: {  	[tilespmem:s17], [sflag:$0x1] =	stream.indirect.gather [hbm4b:s3+s10], $0x10, s2, s10, $0xb8;
	[tilespmem:$0x10A00] =	vst v63  }
0x19: {  	s18 =	simm.s32 $0x8500  }
0x1a: {  	[tilespmem:s18], [sflag:$0x1] =	stream.indirect.gather [hbm4b:s3+s10], $0x10, s10, s10, $0xb8;
	[tilespmem:$0x10A00] =	vst v63  }
0x1b: {  	s19 =	simm.s32 $0x100;
	s16 =	simm.s32 $0x8D00  }
0x1c: {  	[tilespmem:s16], [sflag:$0x1] =	stream.indirect.gather [hbm4b:s3+s10], $0x10, s19, s10, $0xb8;
	[tilespmem:$0x10A00] =	vst v63  }
0x1d: {  	s20 =	simm.s32 $0x180;
	s21 =	simm.s32 $0x9500  }
0x1e: {  	[tilespmem:s21], [sflag:$0x1] =	stream.indirect.gather [hbm4b:s3+s10], $0x10, s20, s10, $0xb8;
	[tilespmem:$0x10A00] =	vst v63  }
0x1f: {  	s17 =	simm.s32 $0x200;
	s18 =	simm.s32 $0x9D00  }
0x20: {  	[tilespmem:s18], [sflag:$0x1] =	stream.indirect.gather [hbm4b:s3+s10], $0x10, s17, s10, $0xb8;
	[tilespmem:$0x10A00] =	vst v63  }
0x21: {  	s19 =	simm.s32 $0x280;
	s20 =	simm.s32 $0xA500  }
0x22: {  	[tilespmem:s20], [sflag:$0x1] =	stream.indirect.gather [hbm4b:s3+s10], $0x10, s19, s10, $0xb8;
	[tilespmem:$0x10A00] =	vst v63  }
0x23: {  	s21 =	simm.s32 $0x300  }
0x24: {  	[tilespmem:s22], [sflag:$0x1] =	stream.indirect.gather [hbm4b:s3+s10], $0x10, s21, s10, $0xb8;
	[tilespmem:$0x10A00] =	vst v63  }
0x25: {  	s15 =	simm.s32 $0x0  }
0x26: {  	[tilespmem:s25], [sflag:$0x1] =	stream.indirect.gather [hbm4b:s3+s23], $0x10, s24, s23, $0xb8;
	[tilespmem:$0x10A00] =	vst v63  }
.LBB2_2:
0x27: {  	s17 =	simm.s32 $0x1;
	s16 =	sshllo.u32 s15, $0x1  }
0x28: {  	_ =	swait.ge [sflag:s17], $0x3E80;
	s18 =	smul.u32 $0xFA0, s16  }
0x29: {  	[sflag:s17] =	ssyncset.done $0x0  }
0x2a: {  	[sflag:s17] =	ssyncadd.s32 $0xFFFFC180;
	s18 =	sshra.s32 s18, $0x2  }
0x2b: {  	[tilespmem:s26], [sflag:$0x2] =	stream.indirect.gather [hbm4b:s3+s10], $0x10, s18, s10, $0xb8;
	[tilespmem:$0x10A00] =	vst v63  }
0x2c: {  	s19 =	sadd.s32 $0x80, s18  }
0x2d: {  	[tilespmem:s28], [sflag:$0x2] =	stream.indirect.gather [hbm4b:s3+s10], $0x10, s19, s10, $0xb8;
	[tilespmem:$0x10A00] =	vst v63  }
0x2e: {  	s21 =	sadd.s32 $0x100, s18  }
0x2f: {  	[tilespmem:s29], [sflag:$0x2] =	stream.indirect.gather [hbm4b:s3+s10], $0x10, s21, s10, $0xb8;
	[tilespmem:$0x10A00] =	vst v63  }
0x30: {  	s20 =	sadd.s32 $0x180, s18  }
0x31: {  	[tilespmem:s30], [sflag:$0x2] =	stream.indirect.gather [hbm4b:s3+s10], $0x10, s20, s10, $0xb8;
	[tilespmem:$0x10A00] =	vst v63  }
0x32: {  	s21 =	sadd.s32 $0x200, s18  }
0x33: {  	[tilespmem:s31], [sflag:$0x2] =	stream.indirect.gather [hbm4b:s3+s10], $0x10, s21, s10, $0xb8;
	[tilespmem:$0x10A00] =	vst v63  }
0x34: {  	s20 =	sadd.s32 $0x280, s18  }
0x35: {  	[tilespmem:s0], [sflag:$0x2] =	stream.indirect.gather [hbm4b:s3+s10], $0x10, s20, s10, $0xb8;
	[tilespmem:$0x10A00] =	vst v63  }
0x36: {  	s21 =	sadd.s32 $0x300, s18  }
0x37: {  	[tilespmem:s1], [sflag:$0x2] =	stream.indirect.gather [hbm4b:s3+s10], $0x10, s21, s10, $0xb8;
	[tilespmem:$0x10A00] =	vst v63  }
0x38: {  	s18 =	sadd.s32 $0x380, s18  }
0x39: {  	[tilespmem:s9], [sflag:$0x2] =	stream.indirect.gather [hbm4b:s3+s23], $0x10, s18, s23, $0xb8;
	[tilespmem:$0x10A00] =	vst v63  }
0x3a: {  	s18 =	simm.s32 $0x7E40  }
0x3b: {  	v1 =	vld [tilespmem:s18+$0xFFFFFEE0]  }
0x3c: {  	v2 =	vld [tilespmem:s18+$0xFFFFFEC0]  }
0x3d: {  	v3 =	vld [tilespmem:s18+$0xFFFFFED0]  }
0x3e: {  	v4 =	vld [tilespmem:s18+$0xFFFFFEF0]  }
0x3f: {  	v5 =	vld [tilespmem:s18+$0xFFFFFF00]  }
0x40: {  	v6 =	vld [tilespmem:s18+$0xFFFFFF10];
	_ =	sdelay $0x1  }
0x41: {  	v7 =	vshra.s32 v2, $0x10;
	v8 =	vshra.s32 v1, $0x10;
	v9 =	vshll.u32 v3, $0x10  }
0x42: {  	v11 =	vld [tilespmem:s18+$0xFFFFFF20];
	v2 =	vshll.u32 v2, $0x10;
	v10 =	vshll.u32 v4, $0x10;
	v1 =	vshll.u32 v1, $0x10  }
0x43: {  	v12 =	vld [tilespmem:s18+$0xFFFFFF30];
	v4 =	vshra.s32 v4, $0x10;
	v13 =	vshll.u32 v5, $0x10;
	v3 =	vshra.s32 v3, $0x10  }
0x44: {  	v14 =	vld [tilespmem:s18+$0xFFFFFF40];
	v15 =	vshll.u32 v6, $0x10;
	v5 =	vshra.s32 v5, $0x10;
	v6 =	vshra.s32 v6, $0x10  }
0x45: {  	v9 =	vshra.s32 v9, $0x10;
	v2 =	vshra.s32 v2, $0x10;
	v1 =	vshra.s32 v1, $0x10  }
0x46: {  	v10 =	vshra.s32 v10, $0x10;
	v13 =	vshra.s32 v13, $0x10;
	v3 =	vadd.s32 v7, v3  }
0x47: {  	v16 =	vld [tilespmem:s18+$0xFFFFFF50];
	v7 =	vshll.u32 v11, $0x10;
	v2 =	vadd.s32 v2, v9;
	v9 =	vshra.s32 v15, $0x10  }
0x48: {  	v15 =	vshra.s32 v11, $0x10;
	v3 =	vadd.s32 v8, v3;
	v7 =	vshra.s32 v7, $0x10  }
0x49: {  	v17 =	vld [tilespmem:s18+$0xFFFFFF70];
	v11 =	vshll.u32 v12, $0x10;
	v1 =	vadd.s32 v1, v2;
	v2 =	vshll.u32 v14, $0x10  }
0x4a: {  	v8 =	vld [tilespmem:s18+$0xFFFFFF60];
	v3 =	vadd.s32 v4, v3;
	v4 =	vshra.s32 v11, $0x10;
	v1 =	vadd.s32 v10, v1  }
0x4b: {  	v11 =	vld [tilespmem:s18+$0xFFFFFF80];
	v10 =	vshra.s32 v12, $0x10;
	v3 =	vadd.s32 v5, v3;
	v5 =	vshra.s32 v14, $0x10  }
0x4c: {  	v12 =	vshra.s32 v16, $0x10;
	v14 =	vld [tilespmem:s18+$0xFFFFFF90];
	v2 =	vshra.s32 v2, $0x10;
	v1 =	vadd.s32 v13, v1  }
0x4d: {  	v13 =	vshll.u32 v16, $0x10;
	v3 =	vadd.s32 v6, v3;
	v1 =	vadd.s32 v9, v1  }
0x4e: {  	v6 =	vshra.s32 v13, $0x10;
	v3 =	vadd.s32 v15, v3;
	v15 =	vshra.s32 v17, $0x10  }
0x4f: {  	v13 =	vld [tilespmem:s18+$0xFFFFFFA0];
	v9 =	vshra.s32 v8, $0x10;
	v1 =	vadd.s32 v7, v1;
	v7 =	vshll.u32 v17, $0x10  }
0x50: {  	v3 =	vadd.s32 v10, v3;
	v16 =	vshra.s32 v11, $0x10;
	v1 =	vadd.s32 v4, v1  }
0x51: {  	v17 =	vld [tilespmem:s18+$0xFFFFFFB0];
	v4 =	vshll.u32 v8, $0x10;
	v3 =	vadd.s32 v5, v3;
	v8 =	vshra.s32 v14, $0x10  }
0x52: {  	v1 =	vadd.s32 v2, v1;
	v2 =	vshra.s32 v4, $0x10;
	v4 =	vshra.s32 v7, $0x10  }
0x53: {  	v7 =	vshll.u32 v11, $0x10;
	v5 =	vshll.u32 v14, $0x10;
	v1 =	vadd.s32 v6, v1  }
0x54: {  	v10 =	vld [tilespmem:s18+$0xFFFFFFC0];
	v6 =	vshra.s32 v7, $0x10;
	v5 =	vshra.s32 v5, $0x10;
	v7 =	vshll.u32 v13, $0x10  }
0x55: {  	v11 =	vld [tilespmem:s18+$0xFFFFFFD0];
	v1 =	vadd.s32 v2, v1;
	v2 =	vadd.s32 v12, v3;
	v3 =	vshra.s32 v7, $0x10  }
0x56: {  	v12 =	vld [tilespmem:s18+$0xFFFFFFE0];
	v7 =	vshra.s32 v17, $0x10;
	v1 =	vadd.s32 v4, v1;
	v4 =	vshra.s32 v13, $0x10  }
0x57: {  	v2 =	vadd.s32 v9, v2;
	v1 =	vadd.s32 v6, v1;
	v6 =	vshll.u32 v17, $0x10  }
0x58: {  	v2 =	vadd.s32 v15, v2;
	v1 =	vadd.s32 v5, v1;
	v5 =	vshra.s32 v6, $0x10  }
0x59: {  	v9 =	vld [tilespmem:s18+$0xFFFFFFF0];
	v6 =	vshll.u32 v10, $0x10;
	v2 =	vadd.s32 v16, v2;
	v10 =	vshra.s32 v10, $0x10  }
0x5a: {  	v13 =	vshra.s32 v11, $0x10;
	v1 =	vadd.s32 v3, v1;
	v3 =	vshra.s32 v6, $0x10  }
0x5b: {  	v6 =	vshll.u32 v11, $0x10;
	v2 =	vadd.s32 v8, v2;
	v8 =	vshra.s32 v12, $0x10  }
0x5c: {  	v2 =	vadd.s32 v4, v2;
	v4 =	vshra.s32 v6, $0x10;
	v6 =	vshll.u32 v12, $0x10  }
0x5d: {  	v1 =	vadd.s32 v5, v1;
	v5 =	vshra.s32 v6, $0x10;
	v2 =	vadd.s32 v7, v2  }
0x5e: {  	s20 =	sshll.u32 s15, $0x6;
	v1 =	vadd.s32 v3, v1;
	v3 =	vshll.u32 v9, $0x10;
	v2 =	vadd.s32 v10, v2  }
0x5f: {  	s19 =	sand.u32 $0x3FFFFFC0, s20;
	v6 =	vshra.s32 v9, $0x10;
	v4 =	vadd.s32 v4, v1;
	v2 =	vadd.s32 v13, v2  }
0x60: {  	v1 =	vld [tilespmem:s19+$0xFA00];
	v3 =	vshra.s32 v3, $0x10;
	v4 =	vadd.s32 v5, v4;
	v5 =	vadd.s32 v8, v2  }
0x61: {  	v2 =	vld [tilespmem:s19+$0xFA10];
	v3 =	vadd.s32 v3, v4;
	v4 =	vadd.s32 v6, v5  }
0x62: {  	vm0 =	vgt.s32 v3, $0x0;
	vm1 =	vgt.s32 v4, $0x0  }
0x63: {  	v3 =	vnsel vm0, $0x0, v3;
	v4 =	vnsel vm1, $0x0, v4  }
0x64: {  	s21 =	simm.s32 $0x0;
	v3 =	vcvt.s32.f32 v3;
	v4 =	vcvt.s32.f32 v4  }
0x65: {  	v5 =	vor.u32 s21, v0  }
0x66: {  	v3 =	vmul.f32 v3, v1;
	v4 =	vmul.f32 v4, v2;
	_ =	sdelay $0x1  }
0x67: {  	v3 =	vadd.f32 v3, v4;
	_ =	sdelay $0x1  }
0x68: {  	[tilespmem:v5+s11+$0x0] =	vst.idx.msk $0xffff, v3  }
0x69: {  	v6 =	vld [tilespmem:s18+$0x80]  }
0x6a: {  	v5 =	vld [tilespmem:s18+$0x90]  }
0x6b: {  	v4 =	vld [tilespmem:s18+$0x110]  }
0x6c: {  	v8 =	vld [tilespmem:s18+$0x70]  }
0x6d: {  	v10 =	vld [tilespmem:s18+$0x40]  }
0x6e: {  	v11 =	vld [tilespmem:s18+$0x30]  }
0x6f: {  	v7 =	vld [tilespmem:s18+$0xA0]  }
0x70: {  	v12 =	vld [tilespmem:s18+$0x10]  }
0x71: {  	v16 =	vld [tilespmem:s18+$0x0]  }
0x72: {  	v17 =	vld [tilespmem:s18+$0x20];
	v3 =	vshll.u32 v4, $0x10;
	v13 =	vshll.u32 v8, $0x10  }
0x73: {  	v14 =	vshll.u32 v10, $0x10;
	v9 =	vshra.s32 v8, $0x10;
	v8 =	vshll.u32 v6, $0x10  }
0x74: {  	v18 =	vshll.u32 v11, $0x10;
	v15 =	vshra.s32 v10, $0x10;
	v10 =	vshll.u32 v5, $0x10  }
0x75: {  	v20 =	vshll.u32 v7, $0x10;
	v21 =	vshra.s32 v12, $0x10;
	v22 =	vshra.s32 v11, $0x10  }
0x76: {  	v11 =	vshll.u32 v16, $0x10;
	v62 =	vshra.s32 v16, $0x10;
	v19 =	vshra.s32 v14, $0x10  }
0x77: {  	v23 =	vld [tilespmem:s18+$0x50];
	v14 =	vshll.u32 v12, $0x10;
	v11 =	vshra.s32 v11, $0x10;
	v12 =	vshll.u32 v17, $0x10  }
0x78: {  	v24 =	vshra.s32 v14, $0x10;
	v14 =	vshra.s32 v13, $0x10;
	v13 =	vshra.s32 v8, $0x10  }
0x79: {  	v8 =	vshra.s32 v12, $0x10;
	v12 =	vshra.s32 v10, $0x10;
	v10 =	vadd.s32 v11, v24  }
0x7a: {  	v16 =	vld [tilespmem:s18+$0x60];
	v18 =	vshra.s32 v18, $0x10;
	v21 =	vadd.s32 v62, v21;
	v10 =	vadd.s32 v8, v10  }
0x7b: {  	v11 =	vshra.s32 v20, $0x10;
	v20 =	vshra.s32 v17, $0x10;
	v63 =	vadd.s32 v18, v10;
	v10 =	vld [tilespmem:s18+$0x100]  }
0x7c: {  	v17 =	vshra.s32 v23, $0x10;
	v23 =	vshll.u32 v23, $0x10;
	v20 =	vadd.s32 v20, v21  }
0x7d: {  	s20 =	simm.s32 $0x3;
	s19 =	simm.s32 $0x7E40;
	v8 =	vld [tilespmem:s18+$0xF0];
	v18 =	vshra.s32 v23, $0x10;
	v20 =	vadd.s32 v22, v20;
	v19 =	vadd.s32 v19, v63  }
.LBB2_3:
0x7e: {  	p0 =	sne.s32 s20, $0x31  }
0x7f: {  	v21 =	vshll.u32 v16, $0x10;
	v18 =	vadd.s32 v18, v19;
	v15 =	vadd.s32 v15, v20;
	s18 =	sadd.s32 $0x280, s18;
	s21 =	smov.u32 s20;
	s20 =	sadd.s32 $0x2, s20  }
0x80: {  	v16 =	vshra.s32 v16, $0x10;
	v19 =	vld [tilespmem:s19+$0xB0];
	v20 =	vshll.u32 v10, $0x10;
	v15 =	vadd.s32 v17, v15  }
0x81: {  	v17 =	vshra.s32 v21, $0x10;
	v21 =	vld [tilespmem:s19+$0xC0];
	v20 =	vshra.s32 v20, $0x10;
	v15 =	vadd.s32 v16, v15  }
0x82: {  	v6 =	vshra.s32 v6, $0x10;
	v16 =	vadd.s32 v17, v18;
	v9 =	vadd.s32 v9, v15  }
0x83: {  	v5 =	vshra.s32 v5, $0x10;
	v14 =	vadd.s32 v14, v16;
	v15 =	vld [tilespmem:s19+$0xD0];
	v6 =	vadd.s32 v6, v9  }
0x84: {  	v7 =	vshra.s32 v7, $0x10;
	v13 =	vadd.s32 v13, v14;
	v9 =	vld [tilespmem:s19+$0xE0];
	v5 =	vadd.s32 v5, v6  }
0x85: {  	v12 =	vadd.s32 v12, v13;
	v6 =	vshll.u32 v19, $0x10;
	v5 =	vadd.s32 v7, v5  }
0x86: {  	v7 =	vshra.s32 v19, $0x10;
	v11 =	vadd.s32 v11, v12;
	v6 =	vshra.s32 v6, $0x10  }
0x87: {  	v12 =	vshra.s32 v21, $0x10;
	v5 =	vadd.s32 v7, v5;
	v6 =	vadd.s32 v6, v11  }
0x88: {  	v5 =	vadd.s32 v12, v5;
	v7 =	vshra.s32 v15, $0x10;
	v11 =	vld [tilespmem:s19+$0x120]  }
0x89: {  	v13 =	vshra.s32 v8, $0x10;
	v12 =	vshra.s32 v9, $0x10;
	v5 =	vadd.s32 v7, v5  }
0x8a: {  	v7 =	vshra.s32 v10, $0x10;
	v5 =	vadd.s32 v12, v5  }
0x8b: {  	v8 =	vshll.u32 v8, $0x10;
	v9 =	vshll.u32 v9, $0x10;
	v10 =	vld [tilespmem:s19+$0x130];
	v5 =	vadd.s32 v13, v5;
	s19 =	smov.u32 s18  }
0x8c: {  	v4 =	vshra.s32 v4, $0x10;
	v9 =	vshra.s32 v9, $0x10;
	v5 =	vadd.s32 v7, v5  }
0x8d: {  	v8 =	vshra.s32 v8, $0x10;
	v7 =	vshll.u32 v21, $0x10;
	v4 =	vadd.s32 v4, v5  }
0x8e: {  	v5 =	vshra.s32 v7, $0x10;
	v7 =	vshll.u32 v15, $0x10;
	v12 =	vshra.s32 v11, $0x10  }
0x8f: {  	v11 =	vshll.u32 v11, $0x10;
	v7 =	vshra.s32 v7, $0x10;
	v5 =	vadd.s32 v5, v6  }
0x90: {  	v4 =	vadd.s32 v12, v4;
	v5 =	vadd.s32 v7, v5;
	v6 =	vshra.s32 v10, $0x10  }
0x91: {  	v7 =	vshll.u32 v10, $0x10;
	v5 =	vadd.s32 v9, v5;
	v4 =	vadd.s32 v6, v4  }
0x92: {  	v5 =	vadd.s32 v8, v5;
	vm0 =	vgt.s32 v4, $0x0  }
0x93: {  	v3 =	vshra.s32 v3, $0x10;
	v5 =	vadd.s32 v20, v5;
	v4 =	vnsel vm0, $0x0, v4  }
0x94: {  	v6 =	vshra.s32 v11, $0x10;
	v3 =	vadd.s32 v3, v5;
	v4 =	vcvt.s32.f32 v4  }
0x95: {  	v5 =	vshra.s32 v7, $0x10;
	v3 =	vadd.s32 v6, v3  }
0x96: {  	v3 =	vadd.s32 v5, v3  }
0x97: {  	vm0 =	vgt.s32 v3, $0x0  }
0x98: {  	v3 =	vnsel vm0, $0x0, v3  }
0x99: {  	v3 =	vcvt.s32.f32 v3  }
0x9a: {  	v5 =	vor.u32 s17, v0;
	s17 =	smov.u32 s21  }
0x9b: {  	v4 =	vmul.f32 v4, v2;
	v3 =	vmul.f32 v3, v1;
	_ =	sdelay $0x1  }
0x9c: {  	v3 =	vadd.f32 v3, v4;
	_ =	sdelay $0x1  }
0x9d: {  	[tilespmem:v5+s11+$0x0] =	vst.idx.msk $0xffff, v3  }
0x9e: {  	v3 =	vld [tilespmem:s18+$0xFFFFFEE0]  }
0x9f: {  	v4 =	vld [tilespmem:s18+$0xFFFFFEF0]  }
0xa0: {  	v5 =	vld [tilespmem:s18+$0xFFFFFEC0]  }
0xa1: {  	v6 =	vld [tilespmem:s18+$0xFFFFFED0]  }
0xa2: {  	v7 =	vld [tilespmem:s18+$0xFFFFFF00];
	_ =	sdelay $0x1  }
0xa3: {  	v8 =	vld [tilespmem:s18+$0xFFFFFF10]  }
0xa4: {  	v10 =	vshra.s32 v3, $0x10;
	v9 =	vshra.s32 v5, $0x10  }
0xa5: {  	v12 =	vshll.u32 v4, $0x10;
	v5 =	vshll.u32 v5, $0x10;
	v11 =	vshll.u32 v6, $0x10;
	v13 =	vld [tilespmem:s18+$0xFFFFFF20]  }
0xa6: {  	v3 =	vshll.u32 v3, $0x10;
	v4 =	vshra.s32 v4, $0x10;
	v11 =	vshra.s32 v11, $0x10  }
0xa7: {  	v3 =	vshra.s32 v3, $0x10;
	v5 =	vshra.s32 v5, $0x10;
	v14 =	vshll.u32 v7, $0x10;
	v15 =	vld [tilespmem:s18+$0xFFFFFF30]  }
0xa8: {  	v12 =	vshra.s32 v12, $0x10;
	v6 =	vshra.s32 v6, $0x10;
	v16 =	vshll.u32 v8, $0x10;
	v17 =	vld [tilespmem:s18+$0xFFFFFF40]  }
0xa9: {  	v7 =	vshra.s32 v7, $0x10;
	v14 =	vshra.s32 v14, $0x10;
	v5 =	vadd.s32 v5, v11  }
0xaa: {  	v6 =	vadd.s32 v9, v6;
	v11 =	vshra.s32 v16, $0x10;
	v16 =	vshra.s32 v13, $0x10;
	v18 =	vld [tilespmem:s18+$0xFFFFFF50]  }
0xab: {  	v6 =	vadd.s32 v10, v6;
	v8 =	vshra.s32 v8, $0x10;
	v9 =	vshll.u32 v13, $0x10  }
0xac: {  	v3 =	vadd.s32 v3, v5;
	v9 =	vshra.s32 v9, $0x10;
	v10 =	vshll.u32 v15, $0x10;
	v13 =	vld [tilespmem:s18+$0xFFFFFF60]  }
0xad: {  	v4 =	vadd.s32 v4, v6;
	v3 =	vadd.s32 v12, v3;
	v5 =	vshll.u32 v17, $0x10;
	v19 =	vld [tilespmem:s18+$0xFFFFFF70]  }
0xae: {  	v4 =	vadd.s32 v7, v4;
	v6 =	vshra.s32 v10, $0x10;
	v10 =	vshra.s32 v15, $0x10;
	v12 =	vld [tilespmem:s18+$0xFFFFFF80]  }
0xaf: {  	v3 =	vadd.s32 v14, v3;
	v7 =	vshra.s32 v17, $0x10;
	v15 =	vshra.s32 v18, $0x10;
	v17 =	vld [tilespmem:s18+$0xFFFFFF90]  }
0xb0: {  	v3 =	vadd.s32 v11, v3;
	v5 =	vshra.s32 v5, $0x10;
	v14 =	vshll.u32 v18, $0x10  }
0xb1: {  	v4 =	vadd.s32 v8, v4;
	v3 =	vadd.s32 v9, v3;
	v11 =	vshra.s32 v13, $0x10  }
0xb2: {  	v4 =	vadd.s32 v16, v4;
	v8 =	vshra.s32 v14, $0x10;
	v9 =	vshll.u32 v19, $0x10;
	v14 =	vld [tilespmem:s18+$0xFFFFFFA0]  }
0xb3: {  	v3 =	vadd.s32 v6, v3;
	v16 =	vshra.s32 v19, $0x10;
	v18 =	vshra.s32 v12, $0x10  }
0xb4: {  	v3 =	vadd.s32 v5, v3;
	v6 =	vshll.u32 v13, $0x10;
	v13 =	vshra.s32 v17, $0x10;
	v19 =	vld [tilespmem:s18+$0xFFFFFFB0]  }
0xb5: {  	v4 =	vadd.s32 v10, v4;
	v5 =	vshra.s32 v6, $0x10;
	v6 =	vshra.s32 v9, $0x10  }
0xb6: {  	v4 =	vadd.s32 v7, v4;
	v3 =	vadd.s32 v8, v3;
	v9 =	vshll.u32 v12, $0x10  }
0xb7: {  	v7 =	vshra.s32 v9, $0x10;
	v8 =	vshll.u32 v17, $0x10;
	v9 =	vshll.u32 v14, $0x10;
	v10 =	vld [tilespmem:s18+$0xFFFFFFC0]  }
0xb8: {  	v4 =	vadd.s32 v15, v4;
	v3 =	vadd.s32 v5, v3;
	v8 =	vshra.s32 v8, $0x10;
	v12 =	vld [tilespmem:s18+$0xFFFFFFD0]  }
0xb9: {  	v3 =	vadd.s32 v6, v3;
	v5 =	vshra.s32 v9, $0x10;
	v9 =	vshra.s32 v19, $0x10  }
0xba: {  	v4 =	vadd.s32 v11, v4;
	v3 =	vadd.s32 v7, v3;
	v6 =	vshra.s32 v14, $0x10;
	v14 =	vld [tilespmem:s18+$0xFFFFFFE0]  }
0xbb: {  	v4 =	vadd.s32 v16, v4;
	v3 =	vadd.s32 v8, v3;
	v7 =	vshll.u32 v19, $0x10  }
0xbc: {  	v4 =	vadd.s32 v18, v4;
	v7 =	vshra.s32 v7, $0x10;
	v8 =	vshll.u32 v10, $0x10;
	v11 =	vld [tilespmem:s18+$0xFFFFFFF0]  }
0xbd: {  	v3 =	vadd.s32 v5, v3;
	v10 =	vshra.s32 v10, $0x10;
	v15 =	vshra.s32 v12, $0x10  }
0xbe: {  	v4 =	vadd.s32 v13, v4;
	v5 =	vshra.s32 v8, $0x10;
	v8 =	vshll.u32 v12, $0x10  }
0xbf: {  	v4 =	vadd.s32 v6, v4;
	v12 =	vshra.s32 v14, $0x10  }
0xc0: {  	v3 =	vadd.s32 v7, v3;
	v6 =	vshra.s32 v8, $0x10;
	v8 =	vshll.u32 v14, $0x10  }
0xc1: {  	v4 =	vadd.s32 v9, v4;
	v3 =	vadd.s32 v5, v3;
	v7 =	vshra.s32 v8, $0x10  }
0xc2: {  	v4 =	vadd.s32 v10, v4;
	v5 =	vshll.u32 v11, $0x10;
	v8 =	vshra.s32 v11, $0x10  }
0xc3: {  	v4 =	vadd.s32 v15, v4;
	v3 =	vadd.s32 v6, v3;
	v5 =	vshra.s32 v5, $0x10  }
0xc4: {  	v4 =	vadd.s32 v12, v4;
	v3 =	vadd.s32 v7, v3  }
0xc5: {  	v4 =	vadd.s32 v8, v4;
	v3 =	vadd.s32 v5, v3  }
0xc6: {  	vm1 =	vgt.s32 v4, $0x0;
	vm0 =	vgt.s32 v3, $0x0  }
0xc7: {  	v4 =	vnsel vm1, $0x0, v4;
	v3 =	vnsel vm0, $0x0, v3  }
0xc8: {  	s21 =	sadd.s32 $0xFFFFFFFF, s17;
	v4 =	vcvt.s32.f32 v4;
	v3 =	vcvt.s32.f32 v3  }
0xc9: {  	v5 =	vor.u32 s21, v0  }
0xca: {  	v4 =	vmul.f32 v4, v2;
	v3 =	vmul.f32 v3, v1;
	_ =	sdelay $0x1  }
0xcb: {  	v3 =	vadd.f32 v3, v4;
	_ =	sdelay $0x1  }
0xcc: {  	[tilespmem:v5+s11+$0x0] =	vst.idx.msk $0xffff, v3  }
0xcd: {  	v6 =	vld [tilespmem:s18+$0x80]  }
0xce: {  	v5 =	vld [tilespmem:s18+$0x90]  }
0xcf: {  	v4 =	vld [tilespmem:s18+$0x110]  }
0xd0: {  	v8 =	vld [tilespmem:s18+$0x70]  }
0xd1: {  	v10 =	vld [tilespmem:s18+$0x40]  }
0xd2: {  	v11 =	vld [tilespmem:s18+$0x30]  }
0xd3: {  	v7 =	vld [tilespmem:s18+$0xA0]  }
0xd4: {  	v12 =	vld [tilespmem:s18+$0x10];
	v3 =	vshll.u32 v4, $0x10  }
0xd5: {  	v17 =	vld [tilespmem:s18+$0x0];
	v13 =	vshll.u32 v8, $0x10  }
0xd6: {  	v9 =	vshra.s32 v8, $0x10;
	v8 =	vshll.u32 v6, $0x10;
	v18 =	vld [tilespmem:s18+$0x20];
	v14 =	vshll.u32 v10, $0x10  }
0xd7: {  	v15 =	vshra.s32 v10, $0x10;
	v10 =	vshll.u32 v5, $0x10;
	v16 =	vshll.u32 v11, $0x10  }
0xd8: {  	v20 =	vshra.s32 v14, $0x10;
	v19 =	vshra.s32 v16, $0x10;
	v21 =	vshll.u32 v7, $0x10  }
0xd9: {  	v23 =	vshra.s32 v11, $0x10;
	v14 =	vshll.u32 v12, $0x10;
	v22 =	vshra.s32 v12, $0x10;
	v24 =	vld [tilespmem:s18+$0x50]  }
0xda: {  	v11 =	vshll.u32 v17, $0x10;
	v25 =	vshra.s32 v14, $0x10;
	v14 =	vshra.s32 v13, $0x10  }
0xdb: {  	v13 =	vshra.s32 v8, $0x10;
	v11 =	vshra.s32 v11, $0x10;
	v12 =	vshll.u32 v18, $0x10;
	v16 =	vld [tilespmem:s18+$0x60]  }
.Ltmp0:
0xdc: {  	v26 =	vshra.s32 v12, $0x10;
	v12 =	vshra.s32 v10, $0x10;
	v8 =	vld [tilespmem:s18+$0xF0];
	v25 =	vadd.s32 v11, v25;
	(pc) =	sbr.rel @p0 .LBB2_3-.Ltmp0, $4  }
0xdd: {  	v27 =	vshra.s32 v17, $0x10;
	v11 =	vshra.s32 v21, $0x10;
	v10 =	vld [tilespmem:s18+$0x100];
	v21 =	vadd.s32 v26, v25  }
0xde: {  	v18 =	vshra.s32 v18, $0x10;
	v22 =	vadd.s32 v27, v22;
	v17 =	vshra.s32 v24, $0x10  }
0xdf: {  	v24 =	vshll.u32 v24, $0x10;
	v19 =	vadd.s32 v19, v21;
	v21 =	vadd.s32 v18, v22  }
0xe0: {  	v18 =	vshra.s32 v24, $0x10;
	v19 =	vadd.s32 v20, v19;
	v20 =	vadd.s32 v23, v21  }
0xe1: {  	v21 =	vshll.u32 v16, $0x10  }
0xe2: {  	v18 =	vadd.s32 v18, v19;
	v15 =	vadd.s32 v15, v20;
	v16 =	vshra.s32 v16, $0x10  }
0xe3: {  	v19 =	vld [tilespmem:s19+$0xB0];
	v6 =	vshra.s32 v6, $0x10;
	v5 =	vshra.s32 v5, $0x10;
	v7 =	vshra.s32 v7, $0x10  }
0xe4: {  	v4 =	vshra.s32 v4, $0x10;
	v15 =	vadd.s32 v17, v15;
	v17 =	vshra.s32 v21, $0x10  }
0xe5: {  	v3 =	vshra.s32 v3, $0x10;
	v21 =	vld [tilespmem:s19+$0xC0];
	v15 =	vadd.s32 v16, v15;
	v16 =	vadd.s32 v17, v18  }
0xe6: {  	v20 =	vshll.u32 v10, $0x10;
	v9 =	vadd.s32 v9, v15;
	v15 =	vld [tilespmem:s19+$0xD0];
	v14 =	vadd.s32 v14, v16  }
0xe7: {  	v10 =	vshra.s32 v10, $0x10;
	v6 =	vadd.s32 v6, v9;
	v9 =	vld [tilespmem:s19+$0xE0];
	v13 =	vadd.s32 v13, v14  }
0xe8: {  	v5 =	vadd.s32 v5, v6;
	v6 =	vshll.u32 v19, $0x10;
	v12 =	vadd.s32 v12, v13  }
0xe9: {  	v5 =	vadd.s32 v7, v5;
	v7 =	vshra.s32 v19, $0x10;
	v6 =	vshra.s32 v6, $0x10  }
0xea: {  	v13 =	vshra.s32 v21, $0x10;
	v5 =	vadd.s32 v7, v5;
	v7 =	vadd.s32 v11, v12  }
0xeb: {  	v12 =	vshll.u32 v21, $0x10;
	v11 =	vshra.s32 v15, $0x10;
	v5 =	vadd.s32 v13, v5  }
0xec: {  	v6 =	vadd.s32 v6, v7;
	v7 =	vshra.s32 v9, $0x10;
	v5 =	vadd.s32 v11, v5  }
0xed: {  	v13 =	vld [tilespmem:s19+$0x130];
	v11 =	vshra.s32 v8, $0x10;
	v9 =	vshll.u32 v9, $0x10;
	v5 =	vadd.s32 v7, v5  }
0xee: {  	v7 =	vld [tilespmem:s19+$0x120];
	v5 =	vadd.s32 v11, v5;
	v11 =	vshra.s32 v12, $0x10;
	v12 =	vshll.u32 v15, $0x10  }
0xef: {  	v8 =	vshll.u32 v8, $0x10;
	v12 =	vshra.s32 v12, $0x10;
	v6 =	vadd.s32 v11, v6  }
0xf0: {  	v9 =	vshra.s32 v9, $0x10;
	v5 =	vadd.s32 v10, v5;
	v6 =	vadd.s32 v12, v6  }
0xf1: {  	v8 =	vshra.s32 v8, $0x10;
	v4 =	vadd.s32 v4, v5;
	v5 =	vadd.s32 v9, v6  }
0xf2: {  	v20 =	vshra.s32 v20, $0x10;
	v9 =	vshll.u32 v13, $0x10;
	v5 =	vadd.s32 v8, v5  }
0xf3: {  	v6 =	vshra.s32 v7, $0x10;
	v7 =	vshll.u32 v7, $0x10;
	v5 =	vadd.s32 v20, v5  }
0xf4: {  	v8 =	vshra.s32 v13, $0x10;
	v7 =	vshra.s32 v7, $0x10;
	v3 =	vadd.s32 v3, v5  }
0xf5: {  	v4 =	vadd.s32 v6, v4;
	v5 =	vshra.s32 v9, $0x10;
	v3 =	vadd.s32 v7, v3  }
0xf6: {  	v4 =	vadd.s32 v8, v4;
	v3 =	vadd.s32 v5, v3  }
0xf7: {  	vm0 =	vgt.s32 v4, $0x0;
	vm1 =	vgt.s32 v3, $0x0  }
0xf8: {  	v4 =	vnsel vm0, $0x0, v4;
	v3 =	vnsel vm1, $0x0, v3  }
0xf9: {  	v4 =	vcvt.s32.f32 v4;
	v3 =	vcvt.s32.f32 v3  }
0xfa: {  	v5 =	vor.u32 s17, v0  }
0xfb: {  	v2 =	vmul.f32 v4, v2;
	v1 =	vmul.f32 v3, v1;
	_ =	sdelay $0x1  }
0xfc: {  	v1 =	vadd.f32 v1, v2;
	_ =	sdelay $0x1  }
0xfd: {  	[tilespmem:v5+s11+$0x0] =	vst.idx.msk $0xffff, v1  }
0xfe: {  	v1 =	vld [tilespmem:$0xFE00]  }
0xff: {  	v2 =	vld [tilespmem:$0xFE40];
	_ =	sdelay $0x1  }
0x100: {  	v3 =	vld [tilespmem:$0xFE80];
	_ =	sdelay $0x1  }
0x101: {  	v4 =	vld [tilespmem:$0xFEC0]  }
0x102: {  	v1 =	vadd.f32 v2, v1  }
0x103: {  	v2 =	vld [tilespmem:$0xFF00]  }
0x104: {  	v1 =	vadd.f32 v3, v1  }
0x105: {  	v3 =	vld [tilespmem:$0xFF40]  }
0x106: {  	v1 =	vadd.f32 v4, v1  }
0x107: {  	v4 =	vld [tilespmem:$0xFF80]  }
0x108: {  	v1 =	vadd.f32 v2, v1  }
0x109: {  	v2 =	vld [tilespmem:$0xFFC0]  }
0x10a: {  	v1 =	vadd.f32 v3, v1  }
0x10b: {  	v3 =	vld [tilespmem:$0x10000]  }
0x10c: {  	v1 =	vadd.f32 v4, v1  }
0x10d: {  	v4 =	vld [tilespmem:$0x10040]  }
0x10e: {  	v1 =	vadd.f32 v2, v1  }
0x10f: {  	v2 =	vld [tilespmem:$0x10080]  }
0x110: {  	v1 =	vadd.f32 v3, v1  }
0x111: {  	v3 =	vld [tilespmem:$0x100C0]  }
0x112: {  	v1 =	vadd.f32 v4, v1  }
0x113: {  	v4 =	vld [tilespmem:$0x10100]  }
0x114: {  	v1 =	vadd.f32 v2, v1  }
0x115: {  	v2 =	vld [tilespmem:$0x10140]  }
0x116: {  	v1 =	vadd.f32 v3, v1  }
0x117: {  	v3 =	vld [tilespmem:$0x10180]  }
0x118: {  	v1 =	vadd.f32 v4, v1  }
0x119: {  	v4 =	vld [tilespmem:$0x101C0]  }
0x11a: {  	v1 =	vadd.f32 v2, v1;
	_ =	sdelay $0x1  }
0x11b: {  	v1 =	vadd.f32 v3, v1;
	_ =	sdelay $0x1  }
0x11c: {  	s20 =	sshll.u32 s15, $0x7;
	v1 =	vadd.f32 v4, v1  }
0x11d: {  	s17 =	sand.u32 $0x3FFFFF80, s20  }
0x11e: {  	[tilespmem:s17+$0x10200] =	vst v1  }
0x11f: {  	v1 =	vld [tilespmem:$0xFE10]  }
0x120: {  	v2 =	vld [tilespmem:$0xFE50];
	_ =	sdelay $0x1  }
0x121: {  	v3 =	vld [tilespmem:$0xFE90];
	_ =	sdelay $0x1  }
0x122: {  	v4 =	vld [tilespmem:$0xFED0]  }
0x123: {  	v1 =	vadd.f32 v2, v1  }
0x124: {  	v2 =	vld [tilespmem:$0xFF10]  }
0x125: {  	v1 =	vadd.f32 v3, v1  }
0x126: {  	v3 =	vld [tilespmem:$0xFF50]  }
0x127: {  	v1 =	vadd.f32 v4, v1  }
0x128: {  	v4 =	vld [tilespmem:$0xFF90]  }
0x129: {  	v1 =	vadd.f32 v2, v1  }
0x12a: {  	v2 =	vld [tilespmem:$0xFFD0]  }
0x12b: {  	v1 =	vadd.f32 v3, v1  }
0x12c: {  	v3 =	vld [tilespmem:$0x10010]  }
0x12d: {  	v1 =	vadd.f32 v4, v1  }
0x12e: {  	v4 =	vld [tilespmem:$0x10050]  }
0x12f: {  	v1 =	vadd.f32 v2, v1  }
0x130: {  	v2 =	vld [tilespmem:$0x10090]  }
0x131: {  	v1 =	vadd.f32 v3, v1  }
0x132: {  	v3 =	vld [tilespmem:$0x100D0]  }
0x133: {  	v1 =	vadd.f32 v4, v1  }
0x134: {  	v4 =	vld [tilespmem:$0x10110]  }
0x135: {  	v1 =	vadd.f32 v2, v1  }
0x136: {  	v2 =	vld [tilespmem:$0x10150]  }
0x137: {  	v1 =	vadd.f32 v3, v1  }
0x138: {  	v3 =	vld [tilespmem:$0x10190]  }
0x139: {  	v1 =	vadd.f32 v4, v1  }
0x13a: {  	v4 =	vld [tilespmem:$0x101D0]  }
0x13b: {  	v1 =	vadd.f32 v2, v1;
	_ =	sdelay $0x1  }
0x13c: {  	v1 =	vadd.f32 v3, v1;
	_ =	sdelay $0x1  }
0x13d: {  	v1 =	vadd.f32 v4, v1;
	_ =	sdelay $0x1  }
0x13e: {  	[tilespmem:s17+$0x10210] =	vst v1  }
0x13f: {  	v1 =	vld [tilespmem:$0xFE20]  }
0x140: {  	v2 =	vld [tilespmem:$0xFE60];
	_ =	sdelay $0x1  }
0x141: {  	v3 =	vld [tilespmem:$0xFEA0];
	_ =	sdelay $0x1  }
0x142: {  	v4 =	vld [tilespmem:$0xFEE0]  }
0x143: {  	v1 =	vadd.f32 v2, v1  }
0x144: {  	v2 =	vld [tilespmem:$0xFF20]  }
0x145: {  	v1 =	vadd.f32 v3, v1  }
0x146: {  	v3 =	vld [tilespmem:$0xFF60]  }
0x147: {  	v1 =	vadd.f32 v4, v1  }
0x148: {  	v4 =	vld [tilespmem:$0xFFA0]  }
0x149: {  	v1 =	vadd.f32 v2, v1  }
0x14a: {  	v2 =	vld [tilespmem:$0xFFE0]  }
0x14b: {  	v1 =	vadd.f32 v3, v1  }
0x14c: {  	v3 =	vld [tilespmem:$0x10020]  }
0x14d: {  	v1 =	vadd.f32 v4, v1  }
0x14e: {  	v4 =	vld [tilespmem:$0x10060]  }
0x14f: {  	v1 =	vadd.f32 v2, v1  }
0x150: {  	v2 =	vld [tilespmem:$0x100A0]  }
0x151: {  	v1 =	vadd.f32 v3, v1  }
0x152: {  	v3 =	vld [tilespmem:$0x100E0]  }
0x153: {  	v1 =	vadd.f32 v4, v1  }
0x154: {  	v4 =	vld [tilespmem:$0x10120]  }
0x155: {  	v1 =	vadd.f32 v2, v1  }
0x156: {  	v2 =	vld [tilespmem:$0x10160]  }
0x157: {  	v1 =	vadd.f32 v3, v1  }
0x158: {  	v3 =	vld [tilespmem:$0x101A0]  }
0x159: {  	v1 =	vadd.f32 v4, v1  }
0x15a: {  	v4 =	vld [tilespmem:$0x101E0]  }
0x15b: {  	v1 =	vadd.f32 v2, v1;
	_ =	sdelay $0x1  }
0x15c: {  	v1 =	vadd.f32 v3, v1;
	_ =	sdelay $0x1  }
0x15d: {  	v1 =	vadd.f32 v4, v1;
	_ =	sdelay $0x1  }
0x15e: {  	[tilespmem:s17+$0x10220] =	vst v1  }
0x15f: {  	v1 =	vld [tilespmem:$0xFE30]  }
0x160: {  	v2 =	vld [tilespmem:$0xFE70];
	_ =	sdelay $0x1  }
0x161: {  	v3 =	vld [tilespmem:$0xFEB0];
	_ =	sdelay $0x1  }
0x162: {  	v4 =	vld [tilespmem:$0xFEF0]  }
0x163: {  	v1 =	vadd.f32 v2, v1  }
0x164: {  	v2 =	vld [tilespmem:$0xFF30]  }
0x165: {  	v1 =	vadd.f32 v3, v1  }
0x166: {  	v3 =	vld [tilespmem:$0xFF70]  }
0x167: {  	v1 =	vadd.f32 v4, v1  }
0x168: {  	v4 =	vld [tilespmem:$0xFFB0]  }
0x169: {  	v1 =	vadd.f32 v2, v1  }
0x16a: {  	v2 =	vld [tilespmem:$0xFFF0]  }
0x16b: {  	v1 =	vadd.f32 v3, v1  }
0x16c: {  	v3 =	vld [tilespmem:$0x10030]  }
0x16d: {  	v1 =	vadd.f32 v4, v1  }
0x16e: {  	v4 =	vld [tilespmem:$0x10070]  }
0x16f: {  	v1 =	vadd.f32 v2, v1  }
0x170: {  	v2 =	vld [tilespmem:$0x100B0]  }
0x171: {  	v1 =	vadd.f32 v3, v1  }
0x172: {  	v3 =	vld [tilespmem:$0x100F0]  }
0x173: {  	v1 =	vadd.f32 v4, v1  }
0x174: {  	v4 =	vld [tilespmem:$0x10130]  }
0x175: {  	v1 =	vadd.f32 v2, v1  }
0x176: {  	v2 =	vld [tilespmem:$0x10170]  }
0x177: {  	v1 =	vadd.f32 v3, v1  }
0x178: {  	v3 =	vld [tilespmem:$0x101B0]  }
0x179: {  	v1 =	vadd.f32 v4, v1  }
0x17a: {  	v4 =	vld [tilespmem:$0x101F0]  }
0x17b: {  	v1 =	vadd.f32 v2, v1;
	_ =	sdelay $0x1  }
0x17c: {  	v1 =	vadd.f32 v3, v1;
	_ =	sdelay $0x1  }
0x17d: {  	v1 =	vadd.f32 v4, v1  }
0x17e: {  	p0 =	seq.s32 s15, $0xF  }
0x17f: {  	[tilespmem:s17+$0x10230] =	vst v1;
	s17 =	smul.u32 @!p0 $0x1F40, s15  }
0x180: {  	_ =	swait.ge [sflag:s12], $0x3E80  }
0x181: {  	s19 =	simm.s32 @!p0 $0x80;
	[sflag:s12] =	ssyncset.done $0x0;
	s17 =	sshra.s32 @!p0 s17, $0x2  }
0x182: {  	s20 =	simm.s32 @!p0 $0x7D00;
	[sflag:s12] =	ssyncadd.s32 $0xFFFFC180;
	s18 =	sadd.s32 @!p0 $0x7D0, s17  }
0x183: {  	[tilespmem:s20], [sflag:$0x1] =	stream.indirect.gather @!p0 [hbm4b:s3+s19], $0x10, s18, s19, $0xb8;
	[tilespmem:$0x10A00] =	vst v63  }
0x184: {  	s18 =	sadd.s32 @!p0 $0x850, s17;
	s20 =	simm.s32 @!p0 $0x8500  }
0x185: {  	[tilespmem:s20], [sflag:$0x1] =	stream.indirect.gather @!p0 [hbm4b:s3+s19], $0x10, s18, s19, $0xb8;
	[tilespmem:$0x10A00] =	vst v63  }
0x186: {  	s18 =	sadd.s32 @!p0 $0x8D0, s17;
	s20 =	simm.s32 @!p0 $0x8D00  }
0x187: {  	[tilespmem:s20], [sflag:$0x1] =	stream.indirect.gather @!p0 [hbm4b:s3+s19], $0x10, s18, s19, $0xb8;
	[tilespmem:$0x10A00] =	vst v63  }
0x188: {  	s18 =	sadd.s32 @!p0 $0x950, s17;
	s20 =	simm.s32 @!p0 $0x9500  }
0x189: {  	[tilespmem:s20], [sflag:$0x1] =	stream.indirect.gather @!p0 [hbm4b:s3+s19], $0x10, s18, s19, $0xb8;
	[tilespmem:$0x10A00] =	vst v63  }
0x18a: {  	s18 =	sadd.s32 @!p0 $0x9D0, s17;
	s20 =	simm.s32 @!p0 $0x9D00  }
0x18b: {  	[tilespmem:s20], [sflag:$0x1] =	stream.indirect.gather @!p0 [hbm4b:s3+s19], $0x10, s18, s19, $0xb8;
	[tilespmem:$0x10A00] =	vst v63  }
0x18c: {  	s18 =	sadd.s32 @!p0 $0xA50, s17;
	s20 =	simm.s32 @!p0 $0xA500  }
0x18d: {  	[tilespmem:s20], [sflag:$0x1] =	stream.indirect.gather @!p0 [hbm4b:s3+s19], $0x10, s18, s19, $0xb8;
	[tilespmem:$0x10A00] =	vst v63  }
0x18e: {  	s18 =	sadd.s32 @!p0 $0xAD0, s17;
	s20 =	simm.s32 @!p0 $0xAD00;
	s17 =	sadd.s32 @!p0 $0xB50, s17  }
0x18f: {  	[tilespmem:s20], [sflag:$0x1] =	stream.indirect.gather @!p0 [hbm4b:s3+s19], $0x10, s18, s19, $0xb8;
	[tilespmem:$0x10A00] =	vst v63  }
0x190: {  	s18 =	simm.s32 @!p0 $0x68;
	s19 =	simm.s32 @!p0 $0xB500;
	s20 =	simm.s32 $0x0  }
0x191: {  	[tilespmem:s19], [sflag:$0x1] =	stream.indirect.gather @!p0 [hbm4b:s3+s18], $0x10, s17, s18, $0xb8;
	[tilespmem:$0x10A00] =	vst v63  }
0x192: {  	v1 =	vld [tilespmem:s20+$0xBBA0]  }
0x193: {  	v2 =	vld [tilespmem:s20+$0xBB80]  }
0x194: {  	v3 =	vld [tilespmem:s20+$0xBB90]  }
0x195: {  	v4 =	vld [tilespmem:s20+$0xBBB0]  }
0x196: {  	v5 =	vld [tilespmem:s20+$0xBBC0]  }
0x197: {  	v6 =	vld [tilespmem:s20+$0xBBD0];
	_ =	sdelay $0x1  }
0x198: {  	v7 =	vshll.u32 v1, $0x10;
	v1 =	vshra.s32 v1, $0x10;
	v8 =	vshra.s32 v2, $0x10  }
0x199: {  	v10 =	vld [tilespmem:s20+$0xBBE0];
	v2 =	vshll.u32 v2, $0x10;
	v9 =	vshll.u32 v3, $0x10;
	v3 =	vshra.s32 v3, $0x10  }
0x19a: {  	v11 =	vshra.s32 v4, $0x10;
	v12 =	vshll.u32 v5, $0x10;
	v5 =	vshra.s32 v5, $0x10  }
0x19b: {  	v13 =	vld [tilespmem:s20+$0xBBF0];
	v4 =	vshll.u32 v4, $0x10;
	v14 =	vshll.u32 v6, $0x10;
	v6 =	vshra.s32 v6, $0x10  }
0x19c: {  	v2 =	vshra.s32 v2, $0x10;
	v9 =	vshra.s32 v9, $0x10;
	v3 =	vadd.s32 v8, v3  }
0x19d: {  	v15 =	vld [tilespmem:s20+$0xBC10];
	v7 =	vshra.s32 v7, $0x10;
	v4 =	vshra.s32 v4, $0x10;
	v1 =	vadd.s32 v1, v3  }
0x19e: {  	v8 =	vld [tilespmem:s20+$0xBC00];
	v3 =	vshra.s32 v12, $0x10;
	v12 =	vshll.u32 v10, $0x10;
	v2 =	vadd.s32 v2, v9  }
0x19f: {  	v9 =	vshra.s32 v14, $0x10;
	v2 =	vadd.s32 v7, v2;
	v1 =	vadd.s32 v11, v1  }
0x1a0: {  	v14 =	vld [tilespmem:s20+$0xBC40];
	v7 =	vshra.s32 v12, $0x10;
	v11 =	vshra.s32 v13, $0x10;
	v2 =	vadd.s32 v4, v2  }
0x1a1: {  	v12 =	vld [tilespmem:s20+$0xBC20];
	v4 =	vshra.s32 v10, $0x10;
	v10 =	vshll.u32 v13, $0x10;
	v1 =	vadd.s32 v5, v1  }
0x1a2: {  	v2 =	vadd.s32 v3, v2;
	v3 =	vshra.s32 v10, $0x10;
	v1 =	vadd.s32 v6, v1  }
0x1a3: {  	v16 =	vld [tilespmem:s20+$0xBC60];
	v10 =	vshll.u32 v8, $0x10;
	v2 =	vadd.s32 v9, v2;
	v9 =	vshll.u32 v15, $0x10  }
0x1a4: {  	v13 =	vld [tilespmem:s20+$0xBC30];
	v1 =	vadd.s32 v4, v1;
	v2 =	vadd.s32 v7, v2;
	v5 =	vshra.s32 v10, $0x10  }
0x1a5: {  	v7 =	vshra.s32 v8, $0x10;
	v8 =	vshra.s32 v9, $0x10;
	v10 =	vshra.s32 v15, $0x10  }
0x1a6: {  	v4 =	vshll.u32 v14, $0x10;
	v1 =	vadd.s32 v11, v1;
	v15 =	vshra.s32 v12, $0x10  }
0x1a7: {  	v2 =	vadd.s32 v3, v2;
	v3 =	vshll.u32 v12, $0x10;
	v1 =	vadd.s32 v7, v1  }
0x1a8: {  	v9 =	vld [tilespmem:s20+$0xBC50];
	v12 =	vshra.s32 v16, $0x10;
	v4 =	vshra.s32 v4, $0x10;
	v2 =	vadd.s32 v5, v2  }
0x1a9: {  	v6 =	vld [tilespmem:s20+$0xBC70];
	v5 =	vshra.s32 v13, $0x10;
	v3 =	vshra.s32 v3, $0x10;
	v7 =	vshll.u32 v13, $0x10  }
0x1aa: {  	v1 =	vadd.s32 v10, v1;
	v10 =	vshll.u32 v16, $0x10;
	v2 =	vadd.s32 v8, v2  }
0x1ab: {  	v13 =	vld [tilespmem:s20+$0xBC80];
	v8 =	vshra.s32 v14, $0x10;
	v7 =	vshra.s32 v7, $0x10;
	v1 =	vadd.s32 v15, v1  }
0x1ac: {  	v2 =	vadd.s32 v3, v2;
	v1 =	vadd.s32 v5, v1;
	v5 =	vshra.s32 v10, $0x10  }
0x1ad: {  	v14 =	vld [tilespmem:s20+$0xBC90];
	v11 =	vshra.s32 v9, $0x10;
	v9 =	vshll.u32 v9, $0x10;
	v2 =	vadd.s32 v7, v2  }
0x1ae: {  	v10 =	vld [tilespmem:s20+$0xBCA0];
	v1 =	vadd.s32 v8, v1;
	v3 =	vshra.s32 v9, $0x10;
	v9 =	vshll.u32 v6, $0x10  }
0x1af: {  	v2 =	vadd.s32 v4, v2;
	v4 =	vshra.s32 v6, $0x10;
	v1 =	vadd.s32 v11, v1  }
0x1b0: {  	v6 =	vld [tilespmem:s20+$0xBCB0];
	v7 =	vshra.s32 v9, $0x10;
	v8 =	vshra.s32 v13, $0x10;
	v2 =	vadd.s32 v3, v2  }
0x1b1: {  	v3 =	vshll.u32 v13, $0x10;
	v1 =	vadd.s32 v12, v1;
	v2 =	vadd.s32 v5, v2  }
0x1b2: {  	v3 =	vshra.s32 v3, $0x10;
	v5 =	vshll.u32 v14, $0x10;
	v1 =	vadd.s32 v4, v1  }
0x1b3: {  	v2 =	vadd.s32 v7, v2;
	v7 =	vshra.s32 v14, $0x10;
	v9 =	vshra.s32 v10, $0x10  }
0x1b4: {  	v4 =	vshra.s32 v5, $0x10;
	v5 =	vshll.u32 v10, $0x10;
	v2 =	vadd.s32 v3, v2  }
0x1b5: {  	s21 =	sshll.u32 s16, $0x5;
	v1 =	vadd.s32 v8, v1;
	v3 =	vshra.s32 v6, $0x10;
	v2 =	vadd.s32 v4, v2  }
0x1b6: {  	s17 =	sand.u32 $0x3FFFFFE0, s21;
	v4 =	vshra.s32 v5, $0x10;
	v5 =	vshll.u32 v6, $0x10;
	v6 =	vadd.s32 v7, v1  }
0x1b7: {  	v1 =	vld [tilespmem:s17+$0xFA00];
	v5 =	vshra.s32 v5, $0x10;
	v4 =	vadd.s32 v4, v2;
	v6 =	vadd.s32 v9, v6  }
0x1b8: {  	v2 =	vld [tilespmem:s17+$0xFA10];
	v4 =	vadd.s32 v5, v4;
	v3 =	vadd.s32 v3, v6  }
0x1b9: {  	vm14 =	vgt.s32 v4, $0x0;
	vm15 =	vgt.s32 v3, $0x0  }
0x1ba: {  	v4 =	vnsel vm14, $0x0, v4;
	v3 =	vnsel vm15, $0x0, v3  }
0x1bb: {  	s17 =	simm.s32 $0x0;
	v4 =	vcvt.s32.f32 v4;
	v3 =	vcvt.s32.f32 v3  }
0x1bc: {  	v5 =	vor.u32 s17, v0  }
0x1bd: {  	v4 =	vmul.f32 v4, v1;
	v3 =	vmul.f32 v3, v2;
	_ =	sdelay $0x1  }
0x1be: {  	v3 =	vadd.f32 v4, v3;
	_ =	sdelay $0x1  }
0x1bf: {  	[tilespmem:v5+s11+$0x0] =	vst.idx.msk $0xffff, v3  }
0x1c0: {  	v5 =	vld [tilespmem:s20+$0xBCC0]  }
0x1c1: {  	v6 =	vld [tilespmem:s20+$0xBCD0]  }
0x1c2: {  	v4 =	vld [tilespmem:s20+$0xBD60]  }
0x1c3: {  	v3 =	vld [tilespmem:s20+$0xBD70]  }
0x1c4: {  	v7 =	vld [tilespmem:s20+$0xBD00]  }
0x1c5: {  	v17 =	vld [tilespmem:s20+$0xBD10];
	_ =	sdelay $0x1  }
0x1c6: {  	v8 =	vld [tilespmem:s20+$0xBCE0];
	v9 =	vshll.u32 v5, $0x10;
	v10 =	vshll.u32 v6, $0x10  }
0x1c7: {  	v12 =	vld [tilespmem:s20+$0xBCF0];
	v11 =	vshra.s32 v6, $0x10;
	v13 =	vshra.s32 v5, $0x10;
	v18 =	vshll.u32 v3, $0x10  }
0x1c8: {  	v6 =	vld [tilespmem:s20+$0xBD20];
	v14 =	vshll.u32 v7, $0x10;
	v19 =	vshra.s32 v7, $0x10;
	v16 =	vshll.u32 v4, $0x10  }
0x1c9: {  	v5 =	vld [tilespmem:s20+$0xBD50];
	v15 =	vshll.u32 v17, $0x10;
	v9 =	vshra.s32 v9, $0x10;
	v10 =	vshra.s32 v10, $0x10  }
0x1ca: {  	v7 =	vld [tilespmem:s20+$0xBD30];
	v25 =	vshra.s32 v17, $0x10;
	v21 =	vshra.s32 v14, $0x10;
	v10 =	vadd.s32 v9, v10  }
0x1cb: {  	v14 =	vld [tilespmem:s20+$0xBDA0];
	v9 =	vadd.s32 v13, v11;
	v11 =	vshll.u32 v8, $0x10;
	v13 =	vshra.s32 v8, $0x10  }
0x1cc: {  	v23 =	vshra.s32 v15, $0x10;
	v15 =	vld [tilespmem:s20+$0xBDB0];
	v11 =	vshra.s32 v11, $0x10;
	v20 =	vadd.s32 v13, v9  }
0x1cd: {  	v8 =	vld [tilespmem:s20+$0xBD40];
	v13 =	vshll.u32 v12, $0x10;
	v12 =	vshra.s32 v12, $0x10;
	v10 =	vadd.s32 v11, v10  }
0x1ce: {  	v9 =	vld [tilespmem:s20+$0xBD80];
	v11 =	vshra.s32 v13, $0x10;
	v22 =	vadd.s32 v12, v20;
	v12 =	vshll.u32 v6, $0x10  }
0x1cf: {  	v13 =	vld [tilespmem:s20+$0xBD90];
	v20 =	vshll.u32 v5, $0x10;
	v11 =	vadd.s32 v11, v10;
	v24 =	vshll.u32 v7, $0x10  }
0x1d0: {  	v19 =	vadd.s32 v19, v22;
	v22 =	vld [tilespmem:s20+$0xBDF0];
	v10 =	vshra.s32 v20, $0x10;
	v20 =	vadd.s32 v21, v11  }
0x1d1: {  	v21 =	vshra.s32 v12, $0x10;
	v11 =	vshra.s32 v16, $0x10;
	v16 =	vld [tilespmem:s20+$0xBDC0];
	v23 =	vadd.s32 v23, v20  }
0x1d2: {  	v12 =	vshra.s32 v18, $0x10;
	v17 =	vshra.s32 v24, $0x10;
	v20 =	vld [tilespmem:s20+$0xBDD0];
	v23 =	vadd.s32 v21, v23  }
0x1d3: {  	s19 =	simm.s32 $0xA00;
	s18 =	simm.s32 $0x1;
	v19 =	vadd.s32 v25, v19;
	v18 =	vshll.u32 v8, $0x10;
	v21 =	vld [tilespmem:s20+$0xBDE0];
	v17 =	vadd.s32 v17, v23  }
.LBB2_5:
0x1d4: {  	p0 =	sne.s32 s19, $0xF000  }
0x1d5: {  	v23 =	vshll.u32 v9, $0x10;
	v24 =	vshll.u32 v13, $0x10;
	v25 =	vshll.u32 v14, $0x10;
	s17 =	sadd.s32 $0x2, s17;
	s20 =	smov.u32 s19;
	s19 =	sadd.s32 $0xA00, s19  }
0x1d6: {  	s21 =	sadd.s32 $0x1, s17  }
0x1d7: {  	v26 =	vshll.u32 v20, $0x10  }
0x1d8: {  	v27 =	vshll.u32 v21, $0x10  }
0x1d9: {  	v28 =	vshll.u32 v22, $0x10;
	v22 =	vshra.s32 v22, $0x10  }
0x1da: {  	v29 =	vshra.s32 v16, $0x10;
	v20 =	vshra.s32 v20, $0x10;
	v21 =	vshra.s32 v21, $0x10  }
0x1db: {  	v30 =	vshll.u32 v15, $0x10;
	v15 =	vshra.s32 v15, $0x10;
	v16 =	vshll.u32 v16, $0x10  }
0x1dc: {  	v6 =	vshra.s32 v6, $0x10;
	v13 =	vshra.s32 v13, $0x10;
	v14 =	vshra.s32 v14, $0x10  }
0x1dd: {  	v7 =	vshra.s32 v7, $0x10;
	v9 =	vshra.s32 v9, $0x10;
	v6 =	vadd.s32 v6, v19  }
0x1de: {  	v18 =	vshra.s32 v18, $0x10;
	v8 =	vshra.s32 v8, $0x10;
	v6 =	vadd.s32 v7, v6  }
0x1df: {  	v5 =	vshra.s32 v5, $0x10;
	v7 =	vadd.s32 v18, v17;
	v6 =	vadd.s32 v8, v6  }
0x1e0: {  	v4 =	vshra.s32 v4, $0x10;
	v7 =	vadd.s32 v10, v7;
	v5 =	vadd.s32 v5, v6  }
0x1e1: {  	v3 =	vshra.s32 v3, $0x10;
	v6 =	vadd.s32 v11, v7;
	v4 =	vadd.s32 v4, v5  }
0x1e2: {  	v5 =	vshra.s32 v23, $0x10;
	v6 =	vadd.s32 v12, v6;
	v3 =	vadd.s32 v3, v4  }
0x1e3: {  	v4 =	vshra.s32 v24, $0x10;
	v5 =	vadd.s32 v5, v6;
	v3 =	vadd.s32 v9, v3  }
0x1e4: {  	v6 =	vshra.s32 v25, $0x10;
	v4 =	vadd.s32 v4, v5;
	v3 =	vadd.s32 v13, v3  }
0x1e5: {  	v5 =	vshra.s32 v30, $0x10;
	v4 =	vadd.s32 v6, v4;
	v3 =	vadd.s32 v14, v3  }
0x1e6: {  	v6 =	vshra.s32 v16, $0x10;
	v4 =	vadd.s32 v5, v4;
	v3 =	vadd.s32 v15, v3  }
0x1e7: {  	v5 =	vshra.s32 v26, $0x10;
	v4 =	vadd.s32 v6, v4;
	v3 =	vadd.s32 v29, v3  }
0x1e8: {  	v6 =	vshra.s32 v27, $0x10;
	v4 =	vadd.s32 v5, v4;
	v3 =	vadd.s32 v20, v3  }
0x1e9: {  	v5 =	vshra.s32 v28, $0x10;
	v4 =	vadd.s32 v6, v4;
	v3 =	vadd.s32 v21, v3  }
0x1ea: {  	v4 =	vadd.s32 v5, v4;
	v3 =	vadd.s32 v22, v3  }
0x1eb: {  	vm0 =	vgt.s32 v4, $0x0;
	vm1 =	vgt.s32 v3, $0x0  }
0x1ec: {  	v4 =	vnsel vm0, $0x0, v4;
	v3 =	vnsel vm1, $0x0, v3  }
0x1ed: {  	v4 =	vcvt.s32.f32 v4;
	v3 =	vcvt.s32.f32 v3  }
0x1ee: {  	v5 =	vor.u32 s18, v0;
	s18 =	smov.u32 s21  }
0x1ef: {  	v4 =	vmul.f32 v4, v1;
	v3 =	vmul.f32 v3, v2;
	_ =	sdelay $0x1  }
0x1f0: {  	v3 =	vadd.f32 v4, v3  }
0x1f1: {  	s20 =	sshra.s32 s20, $0x2  }
0x1f2: {  	[tilespmem:v5+s11+$0x0] =	vst.idx.msk $0xffff, v3  }
0x1f3: {  	v3 =	vld [tilespmem:s20+$0xBBA0]  }
0x1f4: {  	v4 =	vld [tilespmem:s20+$0xBB80]  }
0x1f5: {  	v5 =	vld [tilespmem:s20+$0xBB90]  }
0x1f6: {  	v6 =	vld [tilespmem:s20+$0xBBB0]  }
0x1f7: {  	v7 =	vld [tilespmem:s20+$0xBBC0]  }
0x1f8: {  	v8 =	vshll.u32 v3, $0x10;
	v3 =	vshra.s32 v3, $0x10;
	v9 =	vld [tilespmem:s20+$0xBBD0]  }
0x1f9: {  	v10 =	vshra.s32 v4, $0x10  }
0x1fa: {  	v4 =	vshll.u32 v4, $0x10;
	v11 =	vshll.u32 v5, $0x10;
	v5 =	vshra.s32 v5, $0x10;
	v12 =	vld [tilespmem:s20+$0xBBE0]  }
0x1fb: {  	v4 =	vshra.s32 v4, $0x10;
	v11 =	vshra.s32 v11, $0x10;
	v13 =	vshra.s32 v6, $0x10  }
0x1fc: {  	v8 =	vshra.s32 v8, $0x10;
	v14 =	vshll.u32 v7, $0x10;
	v7 =	vshra.s32 v7, $0x10;
	v15 =	vld [tilespmem:s20+$0xBBF0]  }
0x1fd: {  	v6 =	vshll.u32 v6, $0x10;
	v5 =	vadd.s32 v10, v5;
	v16 =	vshll.u32 v9, $0x10  }
0x1fe: {  	v6 =	vshra.s32 v6, $0x10;
	v3 =	vadd.s32 v3, v5;
	v9 =	vshra.s32 v9, $0x10;
	v10 =	vld [tilespmem:s20+$0xBC00]  }
0x1ff: {  	v4 =	vadd.s32 v4, v11;
	v5 =	vshra.s32 v14, $0x10;
	v14 =	vshll.u32 v12, $0x10;
	v17 =	vld [tilespmem:s20+$0xBC10]  }
0x200: {  	v4 =	vadd.s32 v8, v4;
	v3 =	vadd.s32 v13, v3;
	v11 =	vshra.s32 v16, $0x10  }
0x201: {  	v4 =	vadd.s32 v6, v4;
	v8 =	vshra.s32 v14, $0x10;
	v13 =	vshra.s32 v15, $0x10;
	v14 =	vld [tilespmem:s20+$0xBC20]  }
0x202: {  	v6 =	vshra.s32 v12, $0x10;
	v4 =	vadd.s32 v5, v4;
	v12 =	vshll.u32 v15, $0x10  }
0x203: {  	v4 =	vadd.s32 v11, v4;
	v5 =	vshra.s32 v12, $0x10;
	v12 =	vshll.u32 v10, $0x10;
	v15 =	vld [tilespmem:s20+$0xBC30]  }
0x204: {  	v3 =	vadd.s32 v7, v3;
	v4 =	vadd.s32 v8, v4;
	v11 =	vshll.u32 v17, $0x10;
	v16 =	vld [tilespmem:s20+$0xBC40]  }
0x205: {  	v8 =	vshra.s32 v10, $0x10;
	v7 =	vshra.s32 v12, $0x10;
	v10 =	vshra.s32 v11, $0x10;
	v11 =	vld [tilespmem:s20+$0xBC50]  }
0x206: {  	v4 =	vadd.s32 v5, v4;
	v12 =	vshra.s32 v17, $0x10;
	v17 =	vshra.s32 v14, $0x10;
	v18 =	vld [tilespmem:s20+$0xBC60]  }
0x207: {  	v3 =	vadd.s32 v9, v3;
	v4 =	vadd.s32 v7, v4;
	v5 =	vshll.u32 v14, $0x10  }
0x208: {  	v3 =	vadd.s32 v6, v3;
	v4 =	vadd.s32 v10, v4;
	v7 =	vshra.s32 v15, $0x10  }
0x209: {  	v3 =	vadd.s32 v13, v3;
	v5 =	vshra.s32 v5, $0x10;
	v6 =	vshll.u32 v16, $0x10;
	v9 =	vld [tilespmem:s20+$0xBC70]  }
0x20a: {  	v3 =	vadd.s32 v8, v3;
	v10 =	vshra.s32 v16, $0x10;
	v13 =	vshra.s32 v11, $0x10  }
0x20b: {  	v3 =	vadd.s32 v12, v3;
	v8 =	vshll.u32 v15, $0x10;
	v14 =	vshra.s32 v18, $0x10;
	v15 =	vld [tilespmem:s20+$0xBC80]  }
0x20c: {  	v3 =	vadd.s32 v17, v3;
	v8 =	vshra.s32 v8, $0x10;
	v6 =	vshra.s32 v6, $0x10  }
0x20d: {  	v4 =	vadd.s32 v5, v4;
	v11 =	vshll.u32 v11, $0x10;
	v12 =	vshll.u32 v18, $0x10  }
0x20e: {  	v3 =	vadd.s32 v7, v3;
	v5 =	vshra.s32 v11, $0x10;
	v11 =	vshll.u32 v9, $0x10;
	v16 =	vld [tilespmem:s20+$0xBC90]  }
0x20f: {  	v4 =	vadd.s32 v8, v4;
	v3 =	vadd.s32 v10, v3;
	v7 =	vshra.s32 v12, $0x10;
	v12 =	vld [tilespmem:s20+$0xBCA0]  }
0x210: {  	v4 =	vadd.s32 v6, v4;
	v8 =	vshra.s32 v11, $0x10;
	v10 =	vshra.s32 v15, $0x10  }
0x211: {  	v3 =	vadd.s32 v13, v3;
	v4 =	vadd.s32 v5, v4;
	v6 =	vshra.s32 v9, $0x10;
	v9 =	vld [tilespmem:s20+$0xBCB0]  }
0x212: {  	v3 =	vadd.s32 v14, v3;
	v4 =	vadd.s32 v7, v4;
	v5 =	vshll.u32 v15, $0x10  }
0x213: {  	v4 =	vadd.s32 v8, v4;
	v5 =	vshra.s32 v5, $0x10;
	v7 =	vshll.u32 v16, $0x10  }
0x214: {  	v3 =	vadd.s32 v6, v3;
	v8 =	vshra.s32 v16, $0x10;
	v11 =	vshra.s32 v12, $0x10  }
0x215: {  	v4 =	vadd.s32 v5, v4;
	v6 =	vshra.s32 v7, $0x10;
	v7 =	vshll.u32 v12, $0x10  }
0x216: {  	v3 =	vadd.s32 v10, v3;
	v4 =	vadd.s32 v6, v4;
	v5 =	vshra.s32 v9, $0x10  }
0x217: {  	v3 =	vadd.s32 v8, v3;
	v6 =	vshra.s32 v7, $0x10;
	v7 =	vshll.u32 v9, $0x10  }
0x218: {  	v3 =	vadd.s32 v11, v3;
	v4 =	vadd.s32 v6, v4;
	v7 =	vshra.s32 v7, $0x10  }
0x219: {  	v3 =	vadd.s32 v5, v3;
	v4 =	vadd.s32 v7, v4  }
0x21a: {  	vm1 =	vgt.s32 v3, $0x0;
	vm0 =	vgt.s32 v4, $0x0  }
0x21b: {  	v3 =	vnsel vm1, $0x0, v3;
	v4 =	vnsel vm0, $0x0, v4  }
0x21c: {  	v3 =	vcvt.s32.f32 v3;
	v4 =	vcvt.s32.f32 v4  }
0x21d: {  	v5 =	vor.u32 s17, v0  }
0x21e: {  	v3 =	vmul.f32 v3, v2;
	v4 =	vmul.f32 v4, v1;
	_ =	sdelay $0x1  }
0x21f: {  	v3 =	vadd.f32 v4, v3;
	_ =	sdelay $0x1  }
0x220: {  	[tilespmem:v5+s11+$0x0] =	vst.idx.msk $0xffff, v3  }
0x221: {  	v5 =	vld [tilespmem:s20+$0xBCC0]  }
0x222: {  	v6 =	vld [tilespmem:s20+$0xBCD0]  }
0x223: {  	v4 =	vld [tilespmem:s20+$0xBD60]  }
0x224: {  	v3 =	vld [tilespmem:s20+$0xBD70]  }
0x225: {  	v7 =	vld [tilespmem:s20+$0xBD00]  }
0x226: {  	v8 =	vshll.u32 v5, $0x10;
	v9 =	vld [tilespmem:s20+$0xBCE0]  }
0x227: {  	v10 =	vshll.u32 v6, $0x10;
	v11 =	vshra.s32 v6, $0x10;
	v17 =	vld [tilespmem:s20+$0xBD10]  }
0x228: {  	v8 =	vshra.s32 v8, $0x10;
	v10 =	vshra.s32 v10, $0x10;
	v12 =	vld [tilespmem:s20+$0xBCF0]  }
0x229: {  	v13 =	vshra.s32 v5, $0x10;
	v6 =	vld [tilespmem:s20+$0xBD20];
	v18 =	vshll.u32 v3, $0x10;
	v10 =	vadd.s32 v8, v10  }
0x22a: {  	v11 =	vadd.s32 v13, v11;
	v14 =	vshll.u32 v7, $0x10;
	v19 =	vshra.s32 v7, $0x10;
	v5 =	vld [tilespmem:s20+$0xBD50]  }
0x22b: {  	v16 =	vshll.u32 v4, $0x10;
	v8 =	vshll.u32 v9, $0x10;
	v9 =	vshra.s32 v9, $0x10;
	v7 =	vld [tilespmem:s20+$0xBD30]  }
0x22c: {  	v13 =	vshra.s32 v8, $0x10;
	v15 =	vshll.u32 v17, $0x10;
	v8 =	vld [tilespmem:s20+$0xBD40];
	v11 =	vadd.s32 v9, v11  }
0x22d: {  	v20 =	vshll.u32 v12, $0x10;
	v12 =	vshra.s32 v12, $0x10;
	v9 =	vld [tilespmem:s20+$0xBD80];
	v10 =	vadd.s32 v13, v10  }
0x22e: {  	v21 =	vshra.s32 v14, $0x10;
	v20 =	vshra.s32 v20, $0x10;
	v13 =	vld [tilespmem:s20+$0xBD90];
	v22 =	vadd.s32 v12, v11  }
0x22f: {  	v11 =	vshll.u32 v6, $0x10;
	v12 =	vshll.u32 v5, $0x10;
	v14 =	vld [tilespmem:s20+$0xBDA0];
	v20 =	vadd.s32 v20, v10  }
.Ltmp1:
0x230: {  	v23 =	vshra.s32 v15, $0x10;
	v10 =	vshra.s32 v12, $0x10;
	v15 =	vld [tilespmem:s20+$0xBDB0];
	v12 =	vadd.s32 v21, v20;
	(pc) =	sbr.rel @p0 .LBB2_5-.Ltmp1, $4  }
0x231: {  	v21 =	vshra.s32 v11, $0x10;
	v11 =	vshra.s32 v16, $0x10;
	v16 =	vld [tilespmem:s20+$0xBDC0];
	v23 =	vadd.s32 v23, v12  }
0x232: {  	v24 =	vshll.u32 v7, $0x10;
	v12 =	vshra.s32 v18, $0x10;
	v20 =	vld [tilespmem:s20+$0xBDD0];
	v23 =	vadd.s32 v21, v23  }
0x233: {  	v25 =	vshra.s32 v17, $0x10;
	v19 =	vadd.s32 v19, v22;
	v17 =	vshra.s32 v24, $0x10;
	v21 =	vld [tilespmem:s20+$0xBDE0]  }
0x234: {  	v19 =	vadd.s32 v25, v19;
	v18 =	vshll.u32 v8, $0x10;
	v17 =	vadd.s32 v17, v23;
	v22 =	vld [tilespmem:s20+$0xBDF0]  }
0x235: {  	v23 =	vshll.u32 v9, $0x10  }
0x236: {  	v24 =	vshll.u32 v13, $0x10;
	v25 =	vshll.u32 v14, $0x10;
	v30 =	vshll.u32 v15, $0x10  }
0x237: {  	v61 =	vshra.s32 v15, $0x10;
	v6 =	vshra.s32 v6, $0x10;
	v63 =	vshra.s32 v13, $0x10  }
0x238: {  	v31 =	vshra.s32 v14, $0x10;
	v7 =	vshra.s32 v7, $0x10;
	v32 =	vshra.s32 v9, $0x10  }
0x239: {  	v18 =	vshra.s32 v18, $0x10;
	v8 =	vshra.s32 v8, $0x10;
	v5 =	vshra.s32 v5, $0x10  }
0x23a: {  	v4 =	vshra.s32 v4, $0x10;
	v3 =	vshra.s32 v3, $0x10;
	v29 =	vshra.s32 v16, $0x10  }
0x23b: {  	v62 =	vshll.u32 v16, $0x10;
	v6 =	vadd.s32 v6, v19;
	v33 =	vadd.s32 v18, v17  }
0x23c: {  	v35 =	vshra.s32 v23, $0x10;
	v36 =	vshra.s32 v24, $0x10;
	v6 =	vadd.s32 v7, v6  }
0x23d: {  	v37 =	vshra.s32 v25, $0x10;
	v38 =	vshra.s32 v30, $0x10;
	v6 =	vadd.s32 v8, v6  }
0x23e: {  	v26 =	vshll.u32 v20, $0x10;
	v7 =	vadd.s32 v10, v33;
	v5 =	vadd.s32 v5, v6  }
0x23f: {  	v59 =	vshra.s32 v20, $0x10;
	v34 =	vadd.s32 v11, v7;
	v4 =	vadd.s32 v4, v5  }
0x240: {  	v39 =	vshra.s32 v62, $0x10;
	v6 =	vadd.s32 v12, v34;
	v3 =	vadd.s32 v3, v4  }
0x241: {  	v27 =	vshll.u32 v21, $0x10;
	v5 =	vadd.s32 v35, v6;
	v3 =	vadd.s32 v32, v3  }
0x242: {  	v60 =	vshra.s32 v21, $0x10;
	v4 =	vadd.s32 v36, v5;
	v3 =	vadd.s32 v63, v3  }
0x243: {  	v40 =	vshra.s32 v26, $0x10;
	v4 =	vadd.s32 v37, v4;
	v3 =	vadd.s32 v31, v3  }
0x244: {  	v28 =	vshll.u32 v22, $0x10;
	v4 =	vadd.s32 v38, v4;
	v3 =	vadd.s32 v61, v3  }
0x245: {  	v58 =	vshra.s32 v22, $0x10;
	v4 =	vadd.s32 v39, v4;
	v3 =	vadd.s32 v29, v3  }
0x246: {  	v41 =	vshra.s32 v27, $0x10;
	v4 =	vadd.s32 v40, v4;
	v3 =	vadd.s32 v59, v3  }
0x247: {  	v42 =	vshra.s32 v28, $0x10;
	v4 =	vadd.s32 v41, v4;
	v3 =	vadd.s32 v60, v3  }
0x248: {  	v4 =	vadd.s32 v42, v4;
	v3 =	vadd.s32 v58, v3  }
0x249: {  	vm0 =	vgt.s32 v4, $0x0;
	vm1 =	vgt.s32 v3, $0x0  }
0x24a: {  	v4 =	vnsel vm0, $0x0, v4;
	v3 =	vnsel vm1, $0x0, v3  }
0x24b: {  	v4 =	vcvt.s32.f32 v4;
	v3 =	vcvt.s32.f32 v3  }
0x24c: {  	v43 =	vor.u32 s18, v0  }
0x24d: {  	v1 =	vmul.f32 v4, v1;
	v2 =	vmul.f32 v3, v2;
	_ =	sdelay $0x1  }
0x24e: {  	v1 =	vadd.f32 v1, v2;
	_ =	sdelay $0x1  }
0x24f: {  	[tilespmem:v43+s11+$0x0] =	vst.idx.msk $0xffff, v1  }
0x250: {  	v1 =	vld [tilespmem:$0xFE00]  }
0x251: {  	v2 =	vld [tilespmem:$0xFE40];
	_ =	sdelay $0x1  }
0x252: {  	v3 =	vld [tilespmem:$0xFE80];
	_ =	sdelay $0x1  }
0x253: {  	v44 =	vld [tilespmem:$0xFEC0]  }
0x254: {  	v1 =	vadd.f32 v2, v1  }
0x255: {  	v2 =	vld [tilespmem:$0xFF00]  }
0x256: {  	v1 =	vadd.f32 v3, v1  }
0x257: {  	v3 =	vld [tilespmem:$0xFF40]  }
0x258: {  	v1 =	vadd.f32 v44, v1  }
0x259: {  	v45 =	vld [tilespmem:$0xFF80]  }
0x25a: {  	v1 =	vadd.f32 v2, v1  }
0x25b: {  	v2 =	vld [tilespmem:$0xFFC0]  }
0x25c: {  	v1 =	vadd.f32 v3, v1  }
0x25d: {  	v3 =	vld [tilespmem:$0x10000]  }
0x25e: {  	v1 =	vadd.f32 v45, v1  }
0x25f: {  	v46 =	vld [tilespmem:$0x10040]  }
0x260: {  	v1 =	vadd.f32 v2, v1  }
0x261: {  	v2 =	vld [tilespmem:$0x10080]  }
0x262: {  	v1 =	vadd.f32 v3, v1  }
0x263: {  	v3 =	vld [tilespmem:$0x100C0]  }
0x264: {  	v1 =	vadd.f32 v46, v1  }
0x265: {  	v47 =	vld [tilespmem:$0x10100]  }
0x266: {  	v1 =	vadd.f32 v2, v1  }
0x267: {  	v2 =	vld [tilespmem:$0x10140]  }
0x268: {  	v1 =	vadd.f32 v3, v1  }
0x269: {  	v3 =	vld [tilespmem:$0x10180]  }
0x26a: {  	v1 =	vadd.f32 v47, v1  }
0x26b: {  	v48 =	vld [tilespmem:$0x101C0]  }
0x26c: {  	v1 =	vadd.f32 v2, v1;
	_ =	sdelay $0x1  }
0x26d: {  	v1 =	vadd.f32 v3, v1;
	_ =	sdelay $0x1  }
0x26e: {  	s16 =	sshll.u32 s16, $0x6;
	v1 =	vadd.f32 v48, v1  }
0x26f: {  	s16 =	sand.u32 $0x3FFFFFC0, s16  }
0x270: {  	[tilespmem:s16+$0x10200] =	vst v1  }
0x271: {  	v1 =	vld [tilespmem:$0xFE10]  }
0x272: {  	v2 =	vld [tilespmem:$0xFE50];
	_ =	sdelay $0x1  }
0x273: {  	v3 =	vld [tilespmem:$0xFE90];
	_ =	sdelay $0x1  }
0x274: {  	v49 =	vld [tilespmem:$0xFED0]  }
0x275: {  	v1 =	vadd.f32 v2, v1  }
0x276: {  	v2 =	vld [tilespmem:$0xFF10]  }
0x277: {  	v1 =	vadd.f32 v3, v1  }
0x278: {  	v3 =	vld [tilespmem:$0xFF50]  }
0x279: {  	v1 =	vadd.f32 v49, v1  }
0x27a: {  	v50 =	vld [tilespmem:$0xFF90]  }
0x27b: {  	v1 =	vadd.f32 v2, v1  }
0x27c: {  	v2 =	vld [tilespmem:$0xFFD0]  }
0x27d: {  	v1 =	vadd.f32 v3, v1  }
0x27e: {  	v3 =	vld [tilespmem:$0x10010]  }
0x27f: {  	v1 =	vadd.f32 v50, v1  }
0x280: {  	v51 =	vld [tilespmem:$0x10050]  }
0x281: {  	v1 =	vadd.f32 v2, v1  }
0x282: {  	v2 =	vld [tilespmem:$0x10090]  }
0x283: {  	v1 =	vadd.f32 v3, v1  }
0x284: {  	v3 =	vld [tilespmem:$0x100D0]  }
0x285: {  	v1 =	vadd.f32 v51, v1  }
0x286: {  	v52 =	vld [tilespmem:$0x10110]  }
0x287: {  	v1 =	vadd.f32 v2, v1  }
0x288: {  	v2 =	vld [tilespmem:$0x10150]  }
0x289: {  	v1 =	vadd.f32 v3, v1  }
0x28a: {  	v3 =	vld [tilespmem:$0x10190]  }
0x28b: {  	v1 =	vadd.f32 v52, v1  }
0x28c: {  	v53 =	vld [tilespmem:$0x101D0]  }
0x28d: {  	v1 =	vadd.f32 v2, v1;
	_ =	sdelay $0x1  }
0x28e: {  	v1 =	vadd.f32 v3, v1;
	_ =	sdelay $0x1  }
0x28f: {  	v1 =	vadd.f32 v53, v1;
	_ =	sdelay $0x1  }
0x290: {  	[tilespmem:s16+$0x10210] =	vst v1  }
0x291: {  	v1 =	vld [tilespmem:$0xFE20]  }
0x292: {  	v2 =	vld [tilespmem:$0xFE60];
	_ =	sdelay $0x1  }
0x293: {  	v3 =	vld [tilespmem:$0xFEA0];
	_ =	sdelay $0x1  }
0x294: {  	v54 =	vld [tilespmem:$0xFEE0]  }
0x295: {  	v1 =	vadd.f32 v2, v1  }
0x296: {  	v2 =	vld [tilespmem:$0xFF20]  }
0x297: {  	v1 =	vadd.f32 v3, v1  }
0x298: {  	v3 =	vld [tilespmem:$0xFF60]  }
0x299: {  	v1 =	vadd.f32 v54, v1  }
0x29a: {  	v55 =	vld [tilespmem:$0xFFA0]  }
0x29b: {  	v1 =	vadd.f32 v2, v1  }
0x29c: {  	v2 =	vld [tilespmem:$0xFFE0]  }
0x29d: {  	v1 =	vadd.f32 v3, v1  }
0x29e: {  	v3 =	vld [tilespmem:$0x10020]  }
0x29f: {  	v1 =	vadd.f32 v55, v1  }
0x2a0: {  	v56 =	vld [tilespmem:$0x10060]  }
0x2a1: {  	v1 =	vadd.f32 v2, v1  }
0x2a2: {  	v2 =	vld [tilespmem:$0x100A0]  }
0x2a3: {  	v1 =	vadd.f32 v3, v1  }
0x2a4: {  	v3 =	vld [tilespmem:$0x100E0]  }
0x2a5: {  	v1 =	vadd.f32 v56, v1  }
0x2a6: {  	v57 =	vld [tilespmem:$0x10120]  }
0x2a7: {  	v1 =	vadd.f32 v2, v1  }
0x2a8: {  	v2 =	vld [tilespmem:$0x10160]  }
0x2a9: {  	v1 =	vadd.f32 v3, v1  }
0x2aa: {  	v3 =	vld [tilespmem:$0x101A0]  }
0x2ab: {  	v1 =	vadd.f32 v57, v1  }
0x2ac: {  	v58 =	vld [tilespmem:$0x101E0]  }
0x2ad: {  	v1 =	vadd.f32 v2, v1;
	_ =	sdelay $0x1  }
0x2ae: {  	v1 =	vadd.f32 v3, v1;
	_ =	sdelay $0x1  }
0x2af: {  	v1 =	vadd.f32 v58, v1;
	_ =	sdelay $0x1  }
0x2b0: {  	[tilespmem:s16+$0x10220] =	vst v1  }
0x2b1: {  	v1 =	vld [tilespmem:$0xFE30]  }
0x2b2: {  	v2 =	vld [tilespmem:$0xFE70];
	_ =	sdelay $0x1  }
0x2b3: {  	v3 =	vld [tilespmem:$0xFEB0];
	_ =	sdelay $0x1  }
0x2b4: {  	v59 =	vld [tilespmem:$0xFEF0]  }
0x2b5: {  	v1 =	vadd.f32 v2, v1  }
0x2b6: {  	v2 =	vld [tilespmem:$0xFF30]  }
0x2b7: {  	v1 =	vadd.f32 v3, v1  }
0x2b8: {  	v3 =	vld [tilespmem:$0xFF70]  }
0x2b9: {  	v1 =	vadd.f32 v59, v1  }
0x2ba: {  	v60 =	vld [tilespmem:$0xFFB0]  }
0x2bb: {  	v1 =	vadd.f32 v2, v1  }
0x2bc: {  	v2 =	vld [tilespmem:$0xFFF0]  }
0x2bd: {  	v1 =	vadd.f32 v3, v1  }
0x2be: {  	v3 =	vld [tilespmem:$0x10030]  }
0x2bf: {  	v1 =	vadd.f32 v60, v1  }
0x2c0: {  	v61 =	vld [tilespmem:$0x10070]  }
0x2c1: {  	v1 =	vadd.f32 v2, v1  }
0x2c2: {  	v2 =	vld [tilespmem:$0x100B0]  }
0x2c3: {  	v1 =	vadd.f32 v3, v1  }
0x2c4: {  	v3 =	vld [tilespmem:$0x100F0]  }
0x2c5: {  	v1 =	vadd.f32 v61, v1  }
0x2c6: {  	v62 =	vld [tilespmem:$0x10130]  }
0x2c7: {  	v1 =	vadd.f32 v2, v1  }
0x2c8: {  	v2 =	vld [tilespmem:$0x10170]  }
0x2c9: {  	v1 =	vadd.f32 v3, v1  }
0x2ca: {  	v3 =	vld [tilespmem:$0x101B0]  }
0x2cb: {  	v1 =	vadd.f32 v62, v1  }
0x2cc: {  	v63 =	vld [tilespmem:$0x101F0]  }
0x2cd: {  	s15 =	sadd.s32 $0x1, s15;
	v1 =	vadd.f32 v2, v1  }
0x2ce: {  	p0 =	sne.s32 s15, $0x10  }
.Ltmp2:
0x2cf: {  	v1 =	vadd.f32 v3, v1;
	(pc) =	sbr.rel @p0 .LBB2_2-.Ltmp2, $3  }
0x2d0: {  	_ = 	snop  }
0x2d1: {  	v1 =	vadd.f32 v63, v1;
	_ =	sdelay $0x1  }
0x2d2: {  	[tilespmem:s16+$0x10230] =	vst v1  }
0x2d3: {  	s14 =	sadd.s32 $0x1, s14  }
0x2d4: {  	p0 =	sne.s32 s14, s7  }
.Ltmp3:
0x2d5: {  	_ = 	snop;
	(pc) =	sbr.rel @p0 .LBB2_1-.Ltmp3, $4  }
0x2d6: {  	[hbm4b:s6+s2] =	stream.linear.scatter [tilespmem:s13], [sflag:$0x3], $0x800, $0x38;
	[tilespmem:$0x10A00] =	vst v63  }
0x2d7: {  	_ =	swait.ge [sflag:s8], $0x800  }
0x2d8: {  	[sflag:s8] =	ssyncset.done $0x0  }
0x2d9: {  	[sflag:s8] =	ssyncadd.s32 $0xFFFFF800  }
0x2da: {  	_ =	sfence.sel $0x180000  }
0x2db: {  	[bflag:$0x0] =	sbarrier.arrive $0xFFFF  }
0x2dc: {  	_ =	strace $0x90000047  }
0x2dd: {  	s0 =	stileid.u32;
	[bflag:$0x2] =	sbarrier.arrive $0xFFFF  }
0x2de: {  	p0 =	sne.s32 s0, $0x0;
	s0 =	rddreg [dreg:$0x2]  }
0x2df: {  	s0 =	sadd.s32 @!p0 $0x100000, s0  }
0x2e0: {  	[sflag:s0] =	ssyncadd.tile.s32 @!p0 $0x1;
	_ =	shalt  }
.Lfunc_end2:
_tile_overlayer_lowered:
.L_overlay_start_2:
0x2e1: {  	(tag) =	ssettag $0x2  }
0x2e2: {  	s0 =	rddreg [dreg:$0x0];
	s2 =	stileid.u32  }
0x2e3: {  	s1 =	rddreg [dreg:$0x1];
	p0 =	sne.s32 s2, $0x0  }
0x2e4: {  	s3 =	rddreg [dreg:$0x2];
	[bflag:$0x3] =	sbarrier.arrive $0xFFFF;
	s2 =	simm.s32 @!p0 $0x1C03  }
0x2e5: {  	[timem:s3], [sflag:s2] =	dma.local @!p0 [hbm:s0], s1  }
0x2e6: {  	s0 =	simm.s32 @!p0 $0x3  }
0x2e7: {  	_ =	swait.ge @!p0 [sflag:s0], s1  }
0x2e8: {  	s1 =	ssub.s32 @!p0 $0x0, s1;
	[sflag:s0] =	ssyncset.done @!p0 $0x0  }
0x2e9: {  	[sflag:s0] =	ssyncadd.s32 @!p0 s1  }
0x2ea: {  	[bflag:$0x3] =	sbarrier.arrive $0xFFFF  }
0x2eb: {  	_ =	shalt  }

</sc_bundles>
